<compile_context>
chip_gen: v7x
topology: tpu7x:2x2x1
jax: 0.10.2.dev20260603
libtpu: 0.0.44.dev20260713+nightly
codegen_flags: <defaults>
</compile_context>

<pallas_src>
import functools

import jax
import jax.numpy as jnp
from jax import lax
from jax.experimental import pallas as pl
from jax.experimental.pallas import tpu as pltpu
from jax.experimental.pallas import tpu_sc as plsc

_ACT = 14
_CH = 128
_HID = 64
_NC = 2
_NS = 16
_NW = _NC * _NS
_CK = 128
_DEGW = 8


def _sc_mesh():
    return plsc.VectorSubcoreMesh(
        core_axis_name="c", subcore_axis_name="s",
        num_cores=_NC, num_subcores=_NS)


def _make_deg_kernel(N, E):
    ept = E // _NW
    niter = ept // _CK
    rpt = N // _NS

    @functools.partial(
        pl.kernel,
        out_type=jax.ShapeDtypeStruct((N, _NC * _DEGW), jnp.float32),
        mesh=_sc_mesh(),
        scratch_types=[
            pltpu.VMEM((4, _CK), jnp.int32),
            pltpu.VMEM((_CK, _DEGW), jnp.float32),
            pltpu.VMEM_SHARED((N, _DEGW), jnp.float32),
            pltpu.SemaphoreType.DMA,
            pltpu.SemaphoreType.DMA,
        ],
        compiler_params=pltpu.CompilerParams(use_tc_tiling_on_sc=False),
    )
    def deg_kernel(ei_hbm, ones_hbm, zeros_hbm, out_hbm, idx_v, ones_v,
                   deg_sh, isem, asem):
        c = lax.axis_index("c")
        s = lax.axis_index("s")
        wid = c * _NS + s
        pltpu.sync_copy(zeros_hbm.at[pl.ds(s * rpt, rpt), pl.ds(0, _DEGW)],
                        deg_sh.at[pl.ds(s * rpt, rpt)])
        pltpu.sync_copy(ones_hbm, ones_v)
        plsc.subcore_barrier()
        base = wid * ept

        def istart(g):
            pltpu.async_copy(ei_hbm.at[1, pl.ds(base + g * _CK, _CK)],
                             idx_v.at[lax.rem(g, 4)], isem)

        def iwait(g):
            pltpu.make_async_copy(ei_hbm.at[1, pl.ds(0, _CK)],
                                  idx_v.at[lax.rem(g, 4)], isem).wait()

        def astart(g):
            pltpu.async_copy(ones_v, deg_sh.at[idx_v.at[lax.rem(g, 4)]],
                             asem, add=True)

        def await_(g):
            pltpu.make_async_copy(ones_v, deg_sh.at[idx_v.at[lax.rem(g, 4)]],
                                  asem).wait()

        istart(0)
        istart(1)
        istart(2)
        iwait(0)
        iwait(1)

        @pl.loop(0, niter)
        def _(g):
            astart(g)

            @pl.when(g >= 1)
            def _():
                await_(g - 1)

            @pl.when(g + 2 < niter)
            def _():
                iwait(g + 2)

            @pl.when(g + 3 < niter)
            def _():
                istart(g + 3)

        await_(niter - 1)
        plsc.subcore_barrier()
        pltpu.sync_copy(deg_sh.at[pl.ds(s * rpt, rpt)],
                        out_hbm.at[pl.ds(s * rpt, rpt),
                                   pl.ds(c * _DEGW, _DEGW)])

    return deg_kernel


_HCH = _CH // 2


def _make_scatter_kernel(N, E):
    ept = E // _NS
    niter = ept // _CK
    rpt = N // _NS

    @functools.partial(
        pl.kernel,
        out_type=jax.ShapeDtypeStruct((N, _CH), jnp.float32),
        mesh=_sc_mesh(),
        scratch_types=[
            pltpu.VMEM((8, 2, _CK), jnp.int32),
            pltpu.VMEM((8, _CK), jnp.int32),
            pltpu.VMEM((8, _CK, _HCH), jnp.float32),
            pltpu.VMEM_SHARED((N, _HCH), jnp.float32),
            pltpu.SemaphoreType.DMA,
            pltpu.SemaphoreType.DMA,
            pltpu.SemaphoreType.DMA,
        ],
        compiler_params=pltpu.CompilerParams(use_tc_tiling_on_sc=False),
    )
    def scatter_kernel(y2_hbm, ei_hbm, zeros_hbm, out_hbm,
                       ei_v, tr_v, rows_v, s_sh, isem, gsem, asem):
        c = lax.axis_index("c")
        s = lax.axis_index("s")
        pltpu.sync_copy(zeros_hbm.at[pl.ds(s * rpt, rpt)],
                        s_sh.at[pl.ds(s * rpt, rpt)])
        plsc.subcore_barrier()
        base = s * ept
        c2 = jnp.broadcast_to(c.astype(jnp.int32), (16,))

        def istart(g):
            pltpu.async_copy(ei_hbm.at[:, pl.ds(base + g * _CK, _CK)],
                             ei_v.at[lax.rem(g, 8)], isem)

        def iwait(g):
            pltpu.make_async_copy(ei_hbm.at[:, pl.ds(0, _CK)],
                                  ei_v.at[lax.rem(g, 8)], isem).wait()

        def transform(g):
            b = lax.rem(g, 8)
            for k in range(_CK // 16):
                v = ei_v[b, 0, pl.ds(16 * k, 16)]
                tr_v[b, pl.ds(16 * k, 16)] = v * 2 + c2

        def gstart(g):
            b = lax.rem(g, 8)
            pltpu.async_copy(y2_hbm.at[tr_v.at[b]], rows_v.at[b], gsem)

        def gwait(g):
            b = lax.rem(g, 8)
            pltpu.make_async_copy(y2_hbm.at[tr_v.at[b]],
                                  rows_v.at[b], gsem).wait()

        def astart(g):
            b = lax.rem(g, 8)
            pltpu.async_copy(rows_v.at[b], s_sh.at[ei_v.at[b, 1]],
                             asem, add=True)

        def await_(g):
            b = lax.rem(g, 8)
            pltpu.make_async_copy(rows_v.at[b], s_sh.at[ei_v.at[b, 1]],
                                  asem).wait()

        istart(0)
        istart(1)
        istart(2)
        istart(3)
        iwait(0)
        transform(0)
        gstart(0)
        iwait(1)
        transform(1)
        gstart(1)
        iwait(2)
        transform(2)
        gstart(2)

        @pl.loop(0, niter)
        def _(g):
            gwait(g)
            astart(g)

            @pl.when(g >= 2)
            def _():
                await_(g - 2)

            @pl.when(g + 3 < niter)
            def _():
                iwait(g + 3)
                transform(g + 3)
                gstart(g + 3)

            @pl.when(g + 4 < niter)
            def _():
                istart(g + 4)

        @pl.when(niter >= 2)
        def _():
            await_(niter - 2)

        await_(niter - 1)
        plsc.subcore_barrier()
        for ci in range(_NC):
            @pl.when(c == ci)
            def _(ci=ci):
                pltpu.sync_copy(
                    s_sh.at[pl.ds(s * rpt, rpt)],
                    out_hbm.at[pl.ds(s * rpt, rpt), pl.ds(ci * _HCH, _HCH)])

    return scatter_kernel


def _tc1_body(state_ref, wc_ref, degp_ref, y_ref, dis_ref):
    deg = jnp.sum(degp_ref[...], axis=1, keepdims=True) * (1.0 / _DEGW) + 1.0
    dis = lax.rsqrt(deg)
    xw = jnp.dot(state_ref[...], wc_ref[...], preferred_element_type=jnp.float32)
    y_ref[...] = xw * dis
    dis_ref[...] = dis


def _lrelu(v):
    return jnp.where(v > 0, v, 0.01 * v)


def _tc2_body(s_ref, y_ref, st_ref, dis_ref, act_ref, bc_ref,
              w1a_ref, w1b_ref, w1c_ref, b1_ref, w2_ref, b2_ref, w3_ref, b3_ref,
              out_ref, p_s, q_s):
    w1a = w1a_ref[...]
    w1b = w1b_ref[...]
    bc = bc_ref[...]
    for i in range(_ACT):
        pre = s_ref[:, i, :] + y_ref[:, i, :]
        xi = jnp.maximum(
            pre * dis_ref[:, i, :] + bc, 0.0) + st_ref[:, i, :]
        p_s[i, :, :] = jnp.dot(xi, w1a, preferred_element_type=jnp.float32)
        q_s[i, :, :] = jnp.dot(xi, w1b, preferred_element_type=jnp.float32)
    w1c = w1c_ref[...]
    b1 = b1_ref[...]
    w2 = w2_ref[...]
    b2 = b2_ref[...]
    nb = out_ref.shape[0]
    acc = jnp.zeros((nb, _HID), jnp.float32)
    for i in range(_ACT):
        pre = p_s[i, :, :] + q_s[(i + 1) % _ACT, :, :] \
            + act_ref[:, i:i + 1] * w1c + b1
        h = jnp.dot(_lrelu(pre), w2, preferred_element_type=jnp.float32) + b2
        acc = acc + _lrelu(h)
        pre = p_s[i, :, :] + q_s[(i + 2) % _ACT, :, :] \
            + act_ref[:, _ACT + i:_ACT + i + 1] * w1c + b1
        h = jnp.dot(_lrelu(pre), w2, preferred_element_type=jnp.float32) + b2
        acc = acc + _lrelu(h)
    out_ref[...] = jnp.dot(acc, w3_ref[...],
                           preferred_element_type=jnp.float32) + b3_ref[...]


def kernel(state, edge_index, action, Wc, bc, W1, b1, W2, b2, W3, b3):
    N, ch = state.shape
    E = edge_index.shape[1]
    B = action.shape[0]
    zeros = jnp.zeros((N, _HCH), jnp.float32)

    degp = _make_deg_kernel(N, E)(
        edge_index,
        jnp.ones((_CK, _DEGW), jnp.float32),
        zeros,
    )

    rb = 1792
    grid1 = N // rb
    y, dis = pl.pallas_call(
        _tc1_body,
        grid=(grid1,),
        in_specs=[
            pl.BlockSpec((rb, ch), lambda i: (i, 0)),
            pl.BlockSpec((ch, ch), lambda i: (0, 0)),
            pl.BlockSpec((rb, _NC * _DEGW), lambda i: (i, 0)),
        ],
        out_specs=[
            pl.BlockSpec((rb, ch), lambda i: (i, 0)),
            pl.BlockSpec((rb, 1), lambda i: (i, 0)),
        ],
        out_shape=[
            jax.ShapeDtypeStruct((N, ch), jnp.float32),
            jax.ShapeDtypeStruct((N, 1), jnp.float32),
        ],
    )(state, Wc, degp)

    s_full = _make_scatter_kernel(N, E)(
        y.reshape(2 * N, _HCH), edge_index, zeros)

    bb = 128
    grid2 = B // bb
    w1a = W1[:ch]
    w1b = W1[ch:2 * ch]
    w1c = W1[2 * ch:]
    out = pl.pallas_call(
        _tc2_body,
        grid=(grid2,),
        in_specs=[
            pl.BlockSpec((bb, _ACT, ch), lambda i: (i, 0, 0)),
            pl.BlockSpec((bb, _ACT, ch), lambda i: (i, 0, 0)),
            pl.BlockSpec((bb, _ACT, ch), lambda i: (i, 0, 0)),
            pl.BlockSpec((bb, _ACT, 1), lambda i: (i, 0, 0)),
            pl.BlockSpec((bb, 2 * _ACT), lambda i: (i, 0)),
            pl.BlockSpec((1, ch), lambda i: (0, 0)),
            pl.BlockSpec((ch, _HID), lambda i: (0, 0)),
            pl.BlockSpec((ch, _HID), lambda i: (0, 0)),
            pl.BlockSpec((1, _HID), lambda i: (0, 0)),
            pl.BlockSpec((1, _HID), lambda i: (0, 0)),
            pl.BlockSpec((_HID, _HID), lambda i: (0, 0)),
            pl.BlockSpec((1, _HID), lambda i: (0, 0)),
            pl.BlockSpec((_HID, 1), lambda i: (0, 0)),
            pl.BlockSpec((1, 1), lambda i: (0, 0)),
        ],
        out_specs=pl.BlockSpec((bb, 1), lambda i: (i, 0)),
        out_shape=jax.ShapeDtypeStruct((B, 1), jnp.float32),
        scratch_shapes=[
            pltpu.VMEM((_ACT, bb, _HID), jnp.float32),
            pltpu.VMEM((_ACT, bb, _HID), jnp.float32),
        ],
    )(s_full.reshape(B, _ACT, ch),
      y.reshape(B, _ACT, ch),
      state.reshape(B, _ACT, ch),
      dis.reshape(B, _ACT, 1),
      action,
      bc.reshape(1, ch),
      w1a, w1b, w1c,
      b1.reshape(1, _HID),
      W2,
      b2.reshape(1, _HID),
      W3,
      b3.reshape(1, 1))
    return out[:, 0]

# --- scband reference (transcript-rebuilt; emitter-appended) ---
"""Pipeline reference for scband-gnncritic-1752346657364 (READ-ONLY COPY).

The authoritative reference and input builder live on the scoring server;
editing this copy changes nothing except your own understanding.
"""

import jax, jax.numpy as jnp
import numpy as np

ACT_DIM = 14
IN_CH = 128
HID = 64
EDGES = np.array([[i, (i + 1) % ACT_DIM] for i in range(ACT_DIM)] + [[i, (i + 2) % ACT_DIM] for i in range(ACT_DIM)], dtype=np.int32)


def setup_inputs(seed: int = 0) -> dict:
    key = jax.random.key(seed)
    ks = jax.random.split(key, 12)
    N = 14336
    E = 458752
    B = 1024
    NE = EDGES.shape[0]
    state = jax.random.normal(ks[0], (N, IN_CH), dtype=jnp.float32)
    edge_index = jax.random.randint(ks[1], (2, E), 0, N, dtype=jnp.int32)
    action = jax.random.normal(ks[2], (B, NE), dtype=jnp.float32)
    Wc = jax.random.normal(ks[3], (IN_CH, IN_CH), dtype=jnp.float32) * (1.0 / np.sqrt(IN_CH))
    bc = jnp.zeros((IN_CH,), dtype=jnp.float32)
    W1 = jax.random.normal(ks[4], (2 * IN_CH + 1, HID), dtype=jnp.float32) * (1.0 / np.sqrt(2 * IN_CH + 1))
    b1 = jnp.zeros((HID,), dtype=jnp.float32)
    W2 = jax.random.normal(ks[5], (HID, HID), dtype=jnp.float32) * (1.0 / np.sqrt(HID))
    b2 = jnp.zeros((HID,), dtype=jnp.float32)
    W3 = jax.random.normal(ks[6], (HID, 1), dtype=jnp.float32) * (1.0 / np.sqrt(HID))
    b3 = jnp.zeros((1,), dtype=jnp.float32)
    return {"state": state, "edge_index": edge_index, "action": action, "Wc": Wc, "bc": bc, "W1": W1, "b1": b1, "W2": W2, "b2": b2, "W3": W3, "b3": b3}


def _gcn_conv(x, edge_index, Wc, bc):
    N = x.shape[0]
    src = edge_index[0]
    dst = edge_index[1]
    loop = jnp.arange(N, dtype=src.dtype)
    src = jnp.concatenate([src, loop])
    dst = jnp.concatenate([dst, loop])
    xw = x @ Wc
    deg = jnp.zeros((N,), x.dtype).at[dst].add(1.0)
    dis = jnp.where(deg > 0, jax.lax.rsqrt(jnp.maximum(deg, 1e-12)), 0.0)
    norm = dis[src] * dis[dst]
    msgs = jnp.take(xw, src, axis=0) * norm[:, None]
    agg = jax.ops.segment_sum(msgs, dst, num_segments=N)
    return agg + bc


def reference(state, edge_index, action, Wc, bc, W1, b1, W2, b2, W3, b3):
    out = jax.nn.relu(_gcn_conv(state, edge_index, Wc, bc))
    x = out + state
    x = x.reshape(-1, ACT_DIM, IN_CH)
    es = jnp.asarray(EDGES[:, 0])
    ed = jnp.asarray(EDGES[:, 1])
    e_src = jnp.take(x, es, axis=1)
    e_dst = jnp.take(x, ed, axis=1)
    edge_features = jnp.concatenate([e_src, e_dst], axis=2)
    concat = jnp.concatenate([edge_features, action[..., None]], axis=-1)
    h = jax.nn.leaky_relu(concat @ W1 + b1)
    h = jax.nn.leaky_relu(h @ W2 + b2)
    h = jnp.sum(h, axis=1)
    return (h @ W3 + b3).squeeze(-1)

if __name__ == "__main__":
    import jax
    _d = setup_inputs()
    print(jax.jit(kernel)(*tuple(_d.values())))

</pallas_src>

<mosaic_0001>
#map = affine_map<(d0, d1) -> (0, 0)>
module attributes {stable_mosaic.version = 14 : i64} {
  func.func @deg_kernel(%arg0: i32, %arg1: i32, %arg2: memref<2x458752xi32, #tpu.memory_space<hbm>>, %arg3: memref<128x8xf32, #tpu.memory_space<hbm>>, %arg4: memref<14336x64xf32, #tpu.memory_space<hbm>>, %arg5: memref<14336x16xf32, #tpu.memory_space<hbm>>, %arg6: memref<4x128xi32, #tpu.memory_space<vmem>>, %arg7: memref<128x8xf32, #tpu.memory_space<vmem>>, %arg8: memref<14336x8xf32, #tpu.memory_space<vmem_shared>>, %arg9: memref<!tpu.dma_semaphore, #tpu.memory_space<semaphore_mem>>, %arg10: memref<!tpu.dma_semaphore, #tpu.memory_space<semaphore_mem>>) attributes {dimension_semantics = [#tpu.dimension_semantics<core_parallel>, #tpu.dimension_semantics<subcore_parallel>], iteration_bounds = array<i64: 2, 16>, scalar_prefetch = 0 : i64, scratch_operands = 5 : i64, tpu.core_type = #tpu.core_type<sc_vector_subcore>, window_params = [{transform_indices = #map}, {transform_indices = #map}, {transform_indices = #map}, {transform_indices = #map}]} {
    %mul3A = arith.constant 16 : i32
    %mul3A_0 = arith.muli %arg0, %mul3A : i32
    %add3A = arith.addi %mul3A_0, %arg1 : i32
    %mul3A_1 = arith.constant 896 : i32
    %mul3A_2 = arith.muli %arg1, %mul3A_1 : i32
    %mul3A_3 = arith.constant 896 : i32
    %mul3A_4 = arith.muli %arg1, %mul3A_3 : i32
    "tpu.region"() ({
      %run_scoped3A = tpu.sem_alloc : memref<!tpu.dma_semaphore, #tpu.memory_space<semaphore_mem>>
      %dma_start3A_104 = arith.constant 0 : i32
      %dma_start3A_105 = tpu.memref_slice %arg8[%mul3A_4, %dma_start3A_104] : memref<14336x8xf32, #tpu.memory_space<vmem_shared>> -> memref<896x8xf32, #tpu.memory_space<vmem_shared>>
      %dma_start3A_106 = arith.constant 0 : i32
      %dma_start3A_107 = tpu.memref_slice %arg4[%mul3A_2, %dma_start3A_106] : memref<14336x64xf32, #tpu.memory_space<hbm>> -> memref<896x8xf32, #tpu.memory_space<hbm>>
      tpu.enqueue_dma source(%dma_start3A_107 : memref<896x8xf32, #tpu.memory_space<hbm>>) target(%dma_start3A_105 : memref<896x8xf32, #tpu.memory_space<vmem_shared>>) target_semaphore(%run_scoped3A : memref<!tpu.dma_semaphore, #tpu.memory_space<semaphore_mem>>)
      %dma_wait3A_108 = arith.constant 0 : i32
      %dma_wait3A_109 = tpu.memref_slice %arg8[%mul3A_4, %dma_wait3A_108] : memref<14336x8xf32, #tpu.memory_space<vmem_shared>> -> memref<896x8xf32, #tpu.memory_space<vmem_shared>>
      %dma_wait3A_110 = arith.constant 0 : i32
      %dma_wait3A_111 = tpu.memref_slice %arg4[%mul3A_2, %dma_wait3A_110] : memref<14336x64xf32, #tpu.memory_space<hbm>> -> memref<896x8xf32, #tpu.memory_space<hbm>>
      tpu.wait_dma2 semaphore(%run_scoped3A : memref<!tpu.dma_semaphore, #tpu.memory_space<semaphore_mem>>) src(%dma_wait3A_111 : memref<896x8xf32, #tpu.memory_space<hbm>>) dst(%dma_wait3A_109 : memref<896x8xf32, #tpu.memory_space<vmem_shared>>)
      tpu.yield
    }) : () -> ()
    "tpu.region"() ({
      %run_scoped3A = tpu.sem_alloc : memref<!tpu.dma_semaphore, #tpu.memory_space<semaphore_mem>>
      tpu.enqueue_dma source(%arg3 : memref<128x8xf32, #tpu.memory_space<hbm>>) target(%arg7 : memref<128x8xf32, #tpu.memory_space<vmem>>) target_semaphore(%run_scoped3A : memref<!tpu.dma_semaphore, #tpu.memory_space<semaphore_mem>>)
      tpu.wait_dma2 semaphore(%run_scoped3A : memref<!tpu.dma_semaphore, #tpu.memory_space<semaphore_mem>>) src(%arg3 : memref<128x8xf32, #tpu.memory_space<hbm>>) dst(%arg7 : memref<128x8xf32, #tpu.memory_space<vmem>>)
      tpu.yield
    }) : () -> ()
    %barrier3A = arith.constant 0 : index
    tpu.barrier barrier_id(%barrier3A)
    %mul3A_5 = arith.constant 14336 : i32
    %mul3A_6 = arith.muli %add3A, %mul3A_5 : i32
    %add3A_7 = arith.constant 0 : i32
    %add3A_8 = arith.addi %mul3A_6, %add3A_7 : i32
    %rem3A = arith.constant 0 : i32
    %rem3A_9 = arith.constant 4 : i32
    %rem3A_10 = arith.remsi %rem3A, %rem3A_9 : i32
    %dma_start3A = arith.constant 1 : i32
    %dma_start3A_11 = arith.constant 0 : i32
    %dma_start3A_12 = tpu.memref_slice %arg6[%rem3A_10, %dma_start3A_11] : memref<4x128xi32, #tpu.memory_space<vmem>> -> memref<1x128xi32, #tpu.memory_space<vmem>>
    %dma_start3A_13 = tpu.memref_squeeze %dma_start3A_12 : memref<1x128xi32, #tpu.memory_space<vmem>> -> memref<128xi32, #tpu.memory_space<vmem>>
    %dma_start3A_14 = tpu.memref_slice %arg2[%dma_start3A, %add3A_8] : memref<2x458752xi32, #tpu.memory_space<hbm>> -> memref<1x128xi32, #tpu.memory_space<hbm>>
    %dma_start3A_15 = tpu.memref_squeeze %dma_start3A_14 : memref<1x128xi32, #tpu.memory_space<hbm>> -> memref<128xi32, #tpu.memory_space<hbm>>
    %dma_start3A_16 = arith.constant 0 : i32
    %dma_start3A_17 = tpu.memref_slice %arg6[%rem3A_10, %dma_start3A_16] : memref<4x128xi32, #tpu.memory_space<vmem>> -> memref<1x128xi32, #tpu.memory_space<vmem>>
    %dma_start3A_18 = tpu.memref_squeeze %dma_start3A_17 : memref<1x128xi32, #tpu.memory_space<vmem>> -> memref<128xi32, #tpu.memory_space<vmem>>
    %dma_start3A_19 = tpu.memref_slice %arg2[%dma_start3A, %add3A_8] : memref<2x458752xi32, #tpu.memory_space<hbm>> -> memref<1x128xi32, #tpu.memory_space<hbm>>
    %dma_start3A_20 = tpu.memref_squeeze %dma_start3A_19 : memref<1x128xi32, #tpu.memory_space<hbm>> -> memref<128xi32, #tpu.memory_space<hbm>>
    tpu.enqueue_dma source(%dma_start3A_20 : memref<128xi32, #tpu.memory_space<hbm>>) target(%dma_start3A_18 : memref<128xi32, #tpu.memory_space<vmem>>) target_semaphore(%arg9 : memref<!tpu.dma_semaphore, #tpu.memory_space<semaphore_mem>>)
    %add3A_21 = arith.constant 128 : i32
    %add3A_22 = arith.addi %mul3A_6, %add3A_21 : i32
    %rem3A_23 = arith.constant 1 : i32
    %rem3A_24 = arith.constant 4 : i32
    %rem3A_25 = arith.remsi %rem3A_23, %rem3A_24 : i32
    %dma_start3A_26 = arith.constant 1 : i32
    %dma_start3A_27 = arith.constant 0 : i32
    %dma_start3A_28 = tpu.memref_slice %arg6[%rem3A_25, %dma_start3A_27] : memref<4x128xi32, #tpu.memory_space<vmem>> -> memref<1x128xi32, #tpu.memory_space<vmem>>
    %dma_start3A_29 = tpu.memref_squeeze %dma_start3A_28 : memref<1x128xi32, #tpu.memory_space<vmem>> -> memref<128xi32, #tpu.memory_space<vmem>>
    %dma_start3A_30 = tpu.memref_slice %arg2[%dma_start3A_26, %add3A_22] : memref<2x458752xi32, #tpu.memory_space<hbm>> -> memref<1x128xi32, #tpu.memory_space<hbm>>
    %dma_start3A_31 = tpu.memref_squeeze %dma_start3A_30 : memref<1x128xi32, #tpu.memory_space<hbm>> -> memref<128xi32, #tpu.memory_space<hbm>>
    %dma_start3A_32 = arith.constant 0 : i32
    %dma_start3A_33 = tpu.memref_slice %arg6[%rem3A_25, %dma_start3A_32] : memref<4x128xi32, #tpu.memory_space<vmem>> -> memref<1x128xi32, #tpu.memory_space<vmem>>
    %dma_start3A_34 = tpu.memref_squeeze %dma_start3A_33 : memref<1x128xi32, #tpu.memory_space<vmem>> -> memref<128xi32, #tpu.memory_space<vmem>>
    %dma_start3A_35 = tpu.memref_slice %arg2[%dma_start3A_26, %add3A_22] : memref<2x458752xi32, #tpu.memory_space<hbm>> -> memref<1x128xi32, #tpu.memory_space<hbm>>
    %dma_start3A_36 = tpu.memref_squeeze %dma_start3A_35 : memref<1x128xi32, #tpu.memory_space<hbm>> -> memref<128xi32, #tpu.memory_space<hbm>>
    tpu.enqueue_dma source(%dma_start3A_36 : memref<128xi32, #tpu.memory_space<hbm>>) target(%dma_start3A_34 : memref<128xi32, #tpu.memory_space<vmem>>) target_semaphore(%arg9 : memref<!tpu.dma_semaphore, #tpu.memory_space<semaphore_mem>>)
    %add3A_37 = arith.constant 256 : i32
    %add3A_38 = arith.addi %mul3A_6, %add3A_37 : i32
    %rem3A_39 = arith.constant 2 : i32
    %rem3A_40 = arith.constant 4 : i32
    %rem3A_41 = arith.remsi %rem3A_39, %rem3A_40 : i32
    %dma_start3A_42 = arith.constant 1 : i32
    %dma_start3A_43 = arith.constant 0 : i32
    %dma_start3A_44 = tpu.memref_slice %arg6[%rem3A_41, %dma_start3A_43] : memref<4x128xi32, #tpu.memory_space<vmem>> -> memref<1x128xi32, #tpu.memory_space<vmem>>
    %dma_start3A_45 = tpu.memref_squeeze %dma_start3A_44 : memref<1x128xi32, #tpu.memory_space<vmem>> -> memref<128xi32, #tpu.memory_space<vmem>>
    %dma_start3A_46 = tpu.memref_slice %arg2[%dma_start3A_42, %add3A_38] : memref<2x458752xi32, #tpu.memory_space<hbm>> -> memref<1x128xi32, #tpu.memory_space<hbm>>
    %dma_start3A_47 = tpu.memref_squeeze %dma_start3A_46 : memref<1x128xi32, #tpu.memory_space<hbm>> -> memref<128xi32, #tpu.memory_space<hbm>>
    %dma_start3A_48 = arith.constant 0 : i32
    %dma_start3A_49 = tpu.memref_slice %arg6[%rem3A_41, %dma_start3A_48] : memref<4x128xi32, #tpu.memory_space<vmem>> -> memref<1x128xi32, #tpu.memory_space<vmem>>
    %dma_start3A_50 = tpu.memref_squeeze %dma_start3A_49 : memref<1x128xi32, #tpu.memory_space<vmem>> -> memref<128xi32, #tpu.memory_space<vmem>>
    %dma_start3A_51 = tpu.memref_slice %arg2[%dma_start3A_42, %add3A_38] : memref<2x458752xi32, #tpu.memory_space<hbm>> -> memref<1x128xi32, #tpu.memory_space<hbm>>
    %dma_start3A_52 = tpu.memref_squeeze %dma_start3A_51 : memref<1x128xi32, #tpu.memory_space<hbm>> -> memref<128xi32, #tpu.memory_space<hbm>>
    tpu.enqueue_dma source(%dma_start3A_52 : memref<128xi32, #tpu.memory_space<hbm>>) target(%dma_start3A_50 : memref<128xi32, #tpu.memory_space<vmem>>) target_semaphore(%arg9 : memref<!tpu.dma_semaphore, #tpu.memory_space<semaphore_mem>>)
    %rem3A_53 = arith.constant 0 : i32
    %rem3A_54 = arith.constant 4 : i32
    %rem3A_55 = arith.remsi %rem3A_53, %rem3A_54 : i32
    %dma_wait3A = arith.constant 1 : i32
    %dma_wait3A_56 = arith.constant 0 : i32
    %dma_wait3A_57 = tpu.memref_slice %arg6[%rem3A_55, %dma_wait3A_56] : memref<4x128xi32, #tpu.memory_space<vmem>> -> memref<1x128xi32, #tpu.memory_space<vmem>>
    %dma_wait3A_58 = tpu.memref_squeeze %dma_wait3A_57 : memref<1x128xi32, #tpu.memory_space<vmem>> -> memref<128xi32, #tpu.memory_space<vmem>>
    %dma_wait3A_59 = arith.constant 0 : i32
    %dma_wait3A_60 = tpu.memref_slice %arg2[%dma_wait3A, %dma_wait3A_59] : memref<2x458752xi32, #tpu.memory_space<hbm>> -> memref<1x128xi32, #tpu.memory_space<hbm>>
    %dma_wait3A_61 = tpu.memref_squeeze %dma_wait3A_60 : memref<1x128xi32, #tpu.memory_space<hbm>> -> memref<128xi32, #tpu.memory_space<hbm>>
    %dma_wait3A_62 = arith.constant 0 : i32
    %dma_wait3A_63 = tpu.memref_slice %arg6[%rem3A_55, %dma_wait3A_62] : memref<4x128xi32, #tpu.memory_space<vmem>> -> memref<1x128xi32, #tpu.memory_space<vmem>>
    %dma_wait3A_64 = tpu.memref_squeeze %dma_wait3A_63 : memref<1x128xi32, #tpu.memory_space<vmem>> -> memref<128xi32, #tpu.memory_space<vmem>>
    %dma_wait3A_65 = arith.constant 0 : i32
    %dma_wait3A_66 = tpu.memref_slice %arg2[%dma_wait3A, %dma_wait3A_65] : memref<2x458752xi32, #tpu.memory_space<hbm>> -> memref<1x128xi32, #tpu.memory_space<hbm>>
    %dma_wait3A_67 = tpu.memref_squeeze %dma_wait3A_66 : memref<1x128xi32, #tpu.memory_space<hbm>> -> memref<128xi32, #tpu.memory_space<hbm>>
    tpu.wait_dma2 semaphore(%arg9 : memref<!tpu.dma_semaphore, #tpu.memory_space<semaphore_mem>>) src(%dma_wait3A_67 : memref<128xi32, #tpu.memory_space<hbm>>) dst(%dma_wait3A_64 : memref<128xi32, #tpu.memory_space<vmem>>)
    %rem3A_68 = arith.constant 1 : i32
    %rem3A_69 = arith.constant 4 : i32
    %rem3A_70 = arith.remsi %rem3A_68, %rem3A_69 : i32
    %dma_wait3A_71 = arith.constant 1 : i32
    %dma_wait3A_72 = arith.constant 0 : i32
    %dma_wait3A_73 = tpu.memref_slice %arg6[%rem3A_70, %dma_wait3A_72] : memref<4x128xi32, #tpu.memory_space<vmem>> -> memref<1x128xi32, #tpu.memory_space<vmem>>
    %dma_wait3A_74 = tpu.memref_squeeze %dma_wait3A_73 : memref<1x128xi32, #tpu.memory_space<vmem>> -> memref<128xi32, #tpu.memory_space<vmem>>
    %dma_wait3A_75 = arith.constant 0 : i32
    %dma_wait3A_76 = tpu.memref_slice %arg2[%dma_wait3A_71, %dma_wait3A_75] : memref<2x458752xi32, #tpu.memory_space<hbm>> -> memref<1x128xi32, #tpu.memory_space<hbm>>
    %dma_wait3A_77 = tpu.memref_squeeze %dma_wait3A_76 : memref<1x128xi32, #tpu.memory_space<hbm>> -> memref<128xi32, #tpu.memory_space<hbm>>
    %dma_wait3A_78 = arith.constant 0 : i32
    %dma_wait3A_79 = tpu.memref_slice %arg6[%rem3A_70, %dma_wait3A_78] : memref<4x128xi32, #tpu.memory_space<vmem>> -> memref<1x128xi32, #tpu.memory_space<vmem>>
    %dma_wait3A_80 = tpu.memref_squeeze %dma_wait3A_79 : memref<1x128xi32, #tpu.memory_space<vmem>> -> memref<128xi32, #tpu.memory_space<vmem>>
    %dma_wait3A_81 = arith.constant 0 : i32
    %dma_wait3A_82 = tpu.memref_slice %arg2[%dma_wait3A_71, %dma_wait3A_81] : memref<2x458752xi32, #tpu.memory_space<hbm>> -> memref<1x128xi32, #tpu.memory_space<hbm>>
    %dma_wait3A_83 = tpu.memref_squeeze %dma_wait3A_82 : memref<1x128xi32, #tpu.memory_space<hbm>> -> memref<128xi32, #tpu.memory_space<hbm>>
    tpu.wait_dma2 semaphore(%arg9 : memref<!tpu.dma_semaphore, #tpu.memory_space<semaphore_mem>>) src(%dma_wait3A_83 : memref<128xi32, #tpu.memory_space<hbm>>) dst(%dma_wait3A_80 : memref<128xi32, #tpu.memory_space<vmem>>)
    %scan3A = arith.constant 0 : i32
    %scan3A_84 = arith.constant 112 : i32
    %scan3A_85 = arith.addi %scan3A, %scan3A_84 : i32
    %scan3A_86 = arith.constant 1 : i32
    scf.for %scan3A_104 = %scan3A to %scan3A_85 step %scan3A_86  : i32 {
      %mul3A_105 = arith.constant 1 : i32
      %mul3A_106 = arith.muli %scan3A_104, %mul3A_105 : i32
      %add3A_107 = arith.constant 0 : i32
      %add3A_108 = arith.addi %add3A_107, %mul3A_106 : i32
      %rem3A_109 = arith.constant 4 : i32
      %rem3A_110 = arith.remsi %add3A_108, %rem3A_109 : i32
      %dma_start3A_111 = arith.constant 0 : i32
      %dma_start3A_112 = tpu.memref_slice %arg6[%rem3A_110, %dma_start3A_111] : memref<4x128xi32, #tpu.memory_space<vmem>> -> memref<1x128xi32, #tpu.memory_space<vmem>>
      %dma_start3A_113 = tpu.memref_squeeze %dma_start3A_112 : memref<1x128xi32, #tpu.memory_space<vmem>> -> memref<128xi32, #tpu.memory_space<vmem>>
      %dma_start3A_114 = arith.constant 0 : i32
      %dma_start3A_115 = arith.constant 0 : i32
      %dma_start3A_116 = tpu.memref_slice %arg8[%dma_start3A_114, %dma_start3A_115] : memref<14336x8xf32, #tpu.memory_space<vmem_shared>> -> memref<14336x8xf32, #tpu.memory_space<vmem_shared>>
      tpu.enqueue_indirect_dma source(%arg7 : memref<128x8xf32, #tpu.memory_space<vmem>>) target(%dma_start3A_116 : memref<14336x8xf32, #tpu.memory_space<vmem_shared>>) offsets(%dma_start3A_113 : memref<128xi32, #tpu.memory_space<vmem>>) semaphore(%arg10 : memref<!tpu.dma_semaphore, #tpu.memory_space<semaphore_mem>>) {add = true}
      %ge3A = arith.constant 1 : i32
      %ge3A_117 = arith.cmpi sge, %add3A_108, %ge3A : i32
      %convert_element_type3A = arith.extui %ge3A_117 : i1 to i32
      %cond3A = arith.constant 0 : i32
      %cond3A_118 = arith.cmpi ne, %convert_element_type3A, %cond3A : i32
      scf.if %cond3A_118 {
        %sub3A = arith.constant 1 : i32
        %sub3A_132 = arith.subi %add3A_108, %sub3A : i32
        %rem3A_133 = arith.constant 4 : i32
        %rem3A_134 = arith.remsi %sub3A_132, %rem3A_133 : i32
        %dma_wait3A_135 = arith.constant 0 : i32
        %dma_wait3A_136 = tpu.memref_slice %arg6[%rem3A_134, %dma_wait3A_135] : memref<4x128xi32, #tpu.memory_space<vmem>> -> memref<1x128xi32, #tpu.memory_space<vmem>>
        %dma_wait3A_137 = tpu.memref_squeeze %dma_wait3A_136 : memref<1x128xi32, #tpu.memory_space<vmem>> -> memref<128xi32, #tpu.memory_space<vmem>>
        %dma_wait3A_138 = arith.constant 0 : i32
        %dma_wait3A_139 = arith.constant 0 : i32
        %dma_wait3A_140 = tpu.memref_slice %arg8[%dma_wait3A_138, %dma_wait3A_139] : memref<14336x8xf32, #tpu.memory_space<vmem_shared>> -> memref<14336x8xf32, #tpu.memory_space<vmem_shared>>
        tpu.wait_indirect_dma semaphore(%arg10 : memref<!tpu.dma_semaphore, #tpu.memory_space<semaphore_mem>>) src(%arg7 : memref<128x8xf32, #tpu.memory_space<vmem>>) dst(%dma_wait3A_140 : memref<14336x8xf32, #tpu.memory_space<vmem_shared>>)
      } else {
      }
      %add3A_119 = arith.constant 2 : i32
      %add3A_120 = arith.addi %add3A_108, %add3A_119 : i32
      %lt3A = arith.constant 112 : i32
      %lt3A_121 = arith.cmpi slt, %add3A_120, %lt3A : i32
      %convert_element_type3A_122 = arith.extui %lt3A_121 : i1 to i32
      %cond3A_123 = arith.constant 0 : i32
      %cond3A_124 = arith.cmpi ne, %convert_element_type3A_122, %cond3A_123 : i32
      scf.if %cond3A_124 {
        %add3A_132 = arith.constant 2 : i32
        %add3A_133 = arith.addi %add3A_108, %add3A_132 : i32
        %rem3A_134 = arith.constant 4 : i32
        %rem3A_135 = arith.remsi %add3A_133, %rem3A_134 : i32
        %dma_wait3A_136 = arith.constant 1 : i32
        %dma_wait3A_137 = arith.constant 0 : i32
        %dma_wait3A_138 = tpu.memref_slice %arg6[%rem3A_135, %dma_wait3A_137] : memref<4x128xi32, #tpu.memory_space<vmem>> -> memref<1x128xi32, #tpu.memory_space<vmem>>
        %dma_wait3A_139 = tpu.memref_squeeze %dma_wait3A_138 : memref<1x128xi32, #tpu.memory_space<vmem>> -> memref<128xi32, #tpu.memory_space<vmem>>
        %dma_wait3A_140 = arith.constant 0 : i32
        %dma_wait3A_141 = tpu.memref_slice %arg2[%dma_wait3A_136, %dma_wait3A_140] : memref<2x458752xi32, #tpu.memory_space<hbm>> -> memref<1x128xi32, #tpu.memory_space<hbm>>
        %dma_wait3A_142 = tpu.memref_squeeze %dma_wait3A_141 : memref<1x128xi32, #tpu.memory_space<hbm>> -> memref<128xi32, #tpu.memory_space<hbm>>
        %dma_wait3A_143 = arith.constant 0 : i32
        %dma_wait3A_144 = tpu.memref_slice %arg6[%rem3A_135, %dma_wait3A_143] : memref<4x128xi32, #tpu.memory_space<vmem>> -> memref<1x128xi32, #tpu.memory_space<vmem>>
        %dma_wait3A_145 = tpu.memref_squeeze %dma_wait3A_144 : memref<1x128xi32, #tpu.memory_space<vmem>> -> memref<128xi32, #tpu.memory_space<vmem>>
        %dma_wait3A_146 = arith.constant 0 : i32
        %dma_wait3A_147 = tpu.memref_slice %arg2[%dma_wait3A_136, %dma_wait3A_146] : memref<2x458752xi32, #tpu.memory_space<hbm>> -> memref<1x128xi32, #tpu.memory_space<hbm>>
        %dma_wait3A_148 = tpu.memref_squeeze %dma_wait3A_147 : memref<1x128xi32, #tpu.memory_space<hbm>> -> memref<128xi32, #tpu.memory_space<hbm>>
        tpu.wait_dma2 semaphore(%arg9 : memref<!tpu.dma_semaphore, #tpu.memory_space<semaphore_mem>>) src(%dma_wait3A_148 : memref<128xi32, #tpu.memory_space<hbm>>) dst(%dma_wait3A_145 : memref<128xi32, #tpu.memory_space<vmem>>)
      } else {
      }
      %add3A_125 = arith.constant 3 : i32
      %add3A_126 = arith.addi %add3A_108, %add3A_125 : i32
      %lt3A_127 = arith.constant 112 : i32
      %lt3A_128 = arith.cmpi slt, %add3A_126, %lt3A_127 : i32
      %convert_element_type3A_129 = arith.extui %lt3A_128 : i1 to i32
      %cond3A_130 = arith.constant 0 : i32
      %cond3A_131 = arith.cmpi ne, %convert_element_type3A_129, %cond3A_130 : i32
      scf.if %cond3A_131 {
        %add3A_132 = arith.constant 3 : i32
        %add3A_133 = arith.addi %add3A_108, %add3A_132 : i32
        %mul3A_134 = arith.constant 128 : i32
        %mul3A_135 = arith.muli %add3A_133, %mul3A_134 : i32
        %add3A_136 = arith.addi %mul3A_6, %mul3A_135 : i32
        %rem3A_137 = arith.constant 4 : i32
        %rem3A_138 = arith.remsi %add3A_133, %rem3A_137 : i32
        %dma_start3A_139 = arith.constant 1 : i32
        %dma_start3A_140 = arith.constant 0 : i32
        %dma_start3A_141 = tpu.memref_slice %arg6[%rem3A_138, %dma_start3A_140] : memref<4x128xi32, #tpu.memory_space<vmem>> -> memref<1x128xi32, #tpu.memory_space<vmem>>
        %dma_start3A_142 = tpu.memref_squeeze %dma_start3A_141 : memref<1x128xi32, #tpu.memory_space<vmem>> -> memref<128xi32, #tpu.memory_space<vmem>>
        %dma_start3A_143 = tpu.memref_slice %arg2[%dma_start3A_139, %add3A_136] : memref<2x458752xi32, #tpu.memory_space<hbm>> -> memref<1x128xi32, #tpu.memory_space<hbm>>
        %dma_start3A_144 = tpu.memref_squeeze %dma_start3A_143 : memref<1x128xi32, #tpu.memory_space<hbm>> -> memref<128xi32, #tpu.memory_space<hbm>>
        %dma_start3A_145 = arith.constant 0 : i32
        %dma_start3A_146 = tpu.memref_slice %arg6[%rem3A_138, %dma_start3A_145] : memref<4x128xi32, #tpu.memory_space<vmem>> -> memref<1x128xi32, #tpu.memory_space<vmem>>
        %dma_start3A_147 = tpu.memref_squeeze %dma_start3A_146 : memref<1x128xi32, #tpu.memory_space<vmem>> -> memref<128xi32, #tpu.memory_space<vmem>>
        %dma_start3A_148 = tpu.memref_slice %arg2[%dma_start3A_139, %add3A_136] : memref<2x458752xi32, #tpu.memory_space<hbm>> -> memref<1x128xi32, #tpu.memory_space<hbm>>
        %dma_start3A_149 = tpu.memref_squeeze %dma_start3A_148 : memref<1x128xi32, #tpu.memory_space<hbm>> -> memref<128xi32, #tpu.memory_space<hbm>>
        tpu.enqueue_dma source(%dma_start3A_149 : memref<128xi32, #tpu.memory_space<hbm>>) target(%dma_start3A_147 : memref<128xi32, #tpu.memory_space<vmem>>) target_semaphore(%arg9 : memref<!tpu.dma_semaphore, #tpu.memory_space<semaphore_mem>>)
      } else {
      }
    }
    %scan3A_87 = arith.constant 112 : i32
    %rem3A_88 = arith.constant 111 : i32
    %rem3A_89 = arith.constant 4 : i32
    %rem3A_90 = arith.remsi %rem3A_88, %rem3A_89 : i32
    %dma_wait3A_91 = arith.constant 0 : i32
    %dma_wait3A_92 = tpu.memref_slice %arg6[%rem3A_90, %dma_wait3A_91] : memref<4x128xi32, #tpu.memory_space<vmem>> -> memref<1x128xi32, #tpu.memory_space<vmem>>
    %dma_wait3A_93 = tpu.memref_squeeze %dma_wait3A_92 : memref<1x128xi32, #tpu.memory_space<vmem>> -> memref<128xi32, #tpu.memory_space<vmem>>
    %dma_wait3A_94 = arith.constant 0 : i32
    %dma_wait3A_95 = arith.constant 0 : i32
    %dma_wait3A_96 = tpu.memref_slice %arg8[%dma_wait3A_94, %dma_wait3A_95] : memref<14336x8xf32, #tpu.memory_space<vmem_shared>> -> memref<14336x8xf32, #tpu.memory_space<vmem_shared>>
    tpu.wait_indirect_dma semaphore(%arg10 : memref<!tpu.dma_semaphore, #tpu.memory_space<semaphore_mem>>) src(%arg7 : memref<128x8xf32, #tpu.memory_space<vmem>>) dst(%dma_wait3A_96 : memref<14336x8xf32, #tpu.memory_space<vmem_shared>>)
    %barrier3A_97 = arith.constant 0 : index
    tpu.barrier barrier_id(%barrier3A_97)
    %mul3A_98 = arith.constant 896 : i32
    %mul3A_99 = arith.muli %arg1, %mul3A_98 : i32
    %mul3A_100 = arith.constant 896 : i32
    %mul3A_101 = arith.muli %arg1, %mul3A_100 : i32
    %mul3A_102 = arith.constant 8 : i32
    %mul3A_103 = arith.muli %arg0, %mul3A_102 : i32
    "tpu.region"() ({
      %run_scoped3A = tpu.sem_alloc : memref<!tpu.dma_semaphore, #tpu.memory_space<semaphore_mem>>
      %dma_start3A_104 = tpu.memref_slice %arg5[%mul3A_101, %mul3A_103] : memref<14336x16xf32, #tpu.memory_space<hbm>> -> memref<896x8xf32, #tpu.memory_space<hbm>>
      %dma_start3A_105 = arith.constant 0 : i32
      %dma_start3A_106 = tpu.memref_slice %arg8[%mul3A_99, %dma_start3A_105] : memref<14336x8xf32, #tpu.memory_space<vmem_shared>> -> memref<896x8xf32, #tpu.memory_space<vmem_shared>>
      tpu.enqueue_dma source(%dma_start3A_106 : memref<896x8xf32, #tpu.memory_space<vmem_shared>>) target(%dma_start3A_104 : memref<896x8xf32, #tpu.memory_space<hbm>>) target_semaphore(%run_scoped3A : memref<!tpu.dma_semaphore, #tpu.memory_space<semaphore_mem>>)
      %dma_wait3A_107 = tpu.memref_slice %arg5[%mul3A_101, %mul3A_103] : memref<14336x16xf32, #tpu.memory_space<hbm>> -> memref<896x8xf32, #tpu.memory_space<hbm>>
      %dma_wait3A_108 = arith.constant 0 : i32
      %dma_wait3A_109 = tpu.memref_slice %arg8[%mul3A_99, %dma_wait3A_108] : memref<14336x8xf32, #tpu.memory_space<vmem_shared>> -> memref<896x8xf32, #tpu.memory_space<vmem_shared>>
      tpu.wait_dma2 semaphore(%run_scoped3A : memref<!tpu.dma_semaphore, #tpu.memory_space<semaphore_mem>>) src(%dma_wait3A_109 : memref<896x8xf32, #tpu.memory_space<vmem_shared>>) dst(%dma_wait3A_107 : memref<896x8xf32, #tpu.memory_space<hbm>>)
      tpu.yield
    }) : () -> ()
    return
  }
}

#map = affine_map<(d0, d1) -> (0, 0)>
module attributes {stable_mosaic.version = 14 : i64} {
  func.func @scatter_kernel(%arg0: i32, %arg1: i32, %arg2: memref<28672x64xf32, #tpu.memory_space<hbm>>, %arg3: memref<2x458752xi32, #tpu.memory_space<hbm>>, %arg4: memref<14336x64xf32, #tpu.memory_space<hbm>>, %arg5: memref<14336x128xf32, #tpu.memory_space<hbm>>, %arg6: memref<8x2x128xi32, #tpu.memory_space<vmem>>, %arg7: memref<8x128xi32, #tpu.memory_space<vmem>>, %arg8: memref<8x128x64xf32, #tpu.memory_space<vmem>>, %arg9: memref<14336x64xf32, #tpu.memory_space<vmem_shared>>, %arg10: memref<!tpu.dma_semaphore, #tpu.memory_space<semaphore_mem>>, %arg11: memref<!tpu.dma_semaphore, #tpu.memory_space<semaphore_mem>>, %arg12: memref<!tpu.dma_semaphore, #tpu.memory_space<semaphore_mem>>) attributes {dimension_semantics = [#tpu.dimension_semantics<core_parallel>, #tpu.dimension_semantics<subcore_parallel>], iteration_bounds = array<i64: 2, 16>, scalar_prefetch = 0 : i64, scratch_operands = 7 : i64, tpu.core_type = #tpu.core_type<sc_vector_subcore>, window_params = [{transform_indices = #map}, {transform_indices = #map}, {transform_indices = #map}, {transform_indices = #map}]} {
    %mul3A = arith.constant 896 : i32
    %mul3A_0 = arith.muli %arg1, %mul3A : i32
    %mul3A_1 = arith.constant 896 : i32
    %mul3A_2 = arith.muli %arg1, %mul3A_1 : i32
    "tpu.region"() ({
      %run_scoped3A = tpu.sem_alloc : memref<!tpu.dma_semaphore, #tpu.memory_space<semaphore_mem>>
      %dma_start3A_566 = arith.constant 0 : i32
      %dma_start3A_567 = tpu.memref_slice %arg9[%mul3A_2, %dma_start3A_566] : memref<14336x64xf32, #tpu.memory_space<vmem_shared>> -> memref<896x64xf32, #tpu.memory_space<vmem_shared>>
      %dma_start3A_568 = arith.constant 0 : i32
      %dma_start3A_569 = tpu.memref_slice %arg4[%mul3A_0, %dma_start3A_568] : memref<14336x64xf32, #tpu.memory_space<hbm>> -> memref<896x64xf32, #tpu.memory_space<hbm>>
      tpu.enqueue_dma source(%dma_start3A_569 : memref<896x64xf32, #tpu.memory_space<hbm>>) target(%dma_start3A_567 : memref<896x64xf32, #tpu.memory_space<vmem_shared>>) target_semaphore(%run_scoped3A : memref<!tpu.dma_semaphore, #tpu.memory_space<semaphore_mem>>)
      %dma_wait3A_570 = arith.constant 0 : i32
      %dma_wait3A_571 = tpu.memref_slice %arg9[%mul3A_2, %dma_wait3A_570] : memref<14336x64xf32, #tpu.memory_space<vmem_shared>> -> memref<896x64xf32, #tpu.memory_space<vmem_shared>>
      %dma_wait3A_572 = arith.constant 0 : i32
      %dma_wait3A_573 = tpu.memref_slice %arg4[%mul3A_0, %dma_wait3A_572] : memref<14336x64xf32, #tpu.memory_space<hbm>> -> memref<896x64xf32, #tpu.memory_space<hbm>>
      tpu.wait_dma2 semaphore(%run_scoped3A : memref<!tpu.dma_semaphore, #tpu.memory_space<semaphore_mem>>) src(%dma_wait3A_573 : memref<896x64xf32, #tpu.memory_space<hbm>>) dst(%dma_wait3A_571 : memref<896x64xf32, #tpu.memory_space<vmem_shared>>)
      tpu.yield
    }) : () -> ()
    %barrier3A = arith.constant 0 : index
    tpu.barrier barrier_id(%barrier3A)
    %mul3A_3 = arith.constant 28672 : i32
    %mul3A_4 = arith.muli %arg1, %mul3A_3 : i32
    %broadcast_in_dim3A = vector.broadcast %arg0 : i32 to vector<16xi32>
    %add3A = arith.constant 0 : i32
    %add3A_5 = arith.addi %mul3A_4, %add3A : i32
    %rem3A = arith.constant 0 : i32
    %rem3A_6 = arith.constant 8 : i32
    %rem3A_7 = arith.remsi %rem3A, %rem3A_6 : i32
    %dma_start3A = arith.constant 0 : i32
    %dma_start3A_8 = arith.constant 0 : i32
    %dma_start3A_9 = tpu.memref_slice %arg6[%rem3A_7, %dma_start3A, %dma_start3A_8] : memref<8x2x128xi32, #tpu.memory_space<vmem>> -> memref<1x2x128xi32, #tpu.memory_space<vmem>>
    %dma_start3A_10 = tpu.memref_squeeze %dma_start3A_9 : memref<1x2x128xi32, #tpu.memory_space<vmem>> -> memref<2x128xi32, #tpu.memory_space<vmem>>
    %dma_start3A_11 = arith.constant 0 : i32
    %dma_start3A_12 = tpu.memref_slice %arg3[%dma_start3A_11, %add3A_5] : memref<2x458752xi32, #tpu.memory_space<hbm>> -> memref<2x128xi32, #tpu.memory_space<hbm>>
    %dma_start3A_13 = arith.constant 0 : i32
    %dma_start3A_14 = arith.constant 0 : i32
    %dma_start3A_15 = tpu.memref_slice %arg6[%rem3A_7, %dma_start3A_13, %dma_start3A_14] : memref<8x2x128xi32, #tpu.memory_space<vmem>> -> memref<1x2x128xi32, #tpu.memory_space<vmem>>
    %dma_start3A_16 = tpu.memref_squeeze %dma_start3A_15 : memref<1x2x128xi32, #tpu.memory_space<vmem>> -> memref<2x128xi32, #tpu.memory_space<vmem>>
    %dma_start3A_17 = arith.constant 0 : i32
    %dma_start3A_18 = tpu.memref_slice %arg3[%dma_start3A_17, %add3A_5] : memref<2x458752xi32, #tpu.memory_space<hbm>> -> memref<2x128xi32, #tpu.memory_space<hbm>>
    tpu.enqueue_dma source(%dma_start3A_18 : memref<2x128xi32, #tpu.memory_space<hbm>>) target(%dma_start3A_16 : memref<2x128xi32, #tpu.memory_space<vmem>>) target_semaphore(%arg10 : memref<!tpu.dma_semaphore, #tpu.memory_space<semaphore_mem>>)
    %add3A_19 = arith.constant 128 : i32
    %add3A_20 = arith.addi %mul3A_4, %add3A_19 : i32
    %rem3A_21 = arith.constant 1 : i32
    %rem3A_22 = arith.constant 8 : i32
    %rem3A_23 = arith.remsi %rem3A_21, %rem3A_22 : i32
    %dma_start3A_24 = arith.constant 0 : i32
    %dma_start3A_25 = arith.constant 0 : i32
    %dma_start3A_26 = tpu.memref_slice %arg6[%rem3A_23, %dma_start3A_24, %dma_start3A_25] : memref<8x2x128xi32, #tpu.memory_space<vmem>> -> memref<1x2x128xi32, #tpu.memory_space<vmem>>
    %dma_start3A_27 = tpu.memref_squeeze %dma_start3A_26 : memref<1x2x128xi32, #tpu.memory_space<vmem>> -> memref<2x128xi32, #tpu.memory_space<vmem>>
    %dma_start3A_28 = arith.constant 0 : i32
    %dma_start3A_29 = tpu.memref_slice %arg3[%dma_start3A_28, %add3A_20] : memref<2x458752xi32, #tpu.memory_space<hbm>> -> memref<2x128xi32, #tpu.memory_space<hbm>>
    %dma_start3A_30 = arith.constant 0 : i32
    %dma_start3A_31 = arith.constant 0 : i32
    %dma_start3A_32 = tpu.memref_slice %arg6[%rem3A_23, %dma_start3A_30, %dma_start3A_31] : memref<8x2x128xi32, #tpu.memory_space<vmem>> -> memref<1x2x128xi32, #tpu.memory_space<vmem>>
    %dma_start3A_33 = tpu.memref_squeeze %dma_start3A_32 : memref<1x2x128xi32, #tpu.memory_space<vmem>> -> memref<2x128xi32, #tpu.memory_space<vmem>>
    %dma_start3A_34 = arith.constant 0 : i32
    %dma_start3A_35 = tpu.memref_slice %arg3[%dma_start3A_34, %add3A_20] : memref<2x458752xi32, #tpu.memory_space<hbm>> -> memref<2x128xi32, #tpu.memory_space<hbm>>
    tpu.enqueue_dma source(%dma_start3A_35 : memref<2x128xi32, #tpu.memory_space<hbm>>) target(%dma_start3A_33 : memref<2x128xi32, #tpu.memory_space<vmem>>) target_semaphore(%arg10 : memref<!tpu.dma_semaphore, #tpu.memory_space<semaphore_mem>>)
    %add3A_36 = arith.constant 256 : i32
    %add3A_37 = arith.addi %mul3A_4, %add3A_36 : i32
    %rem3A_38 = arith.constant 2 : i32
    %rem3A_39 = arith.constant 8 : i32
    %rem3A_40 = arith.remsi %rem3A_38, %rem3A_39 : i32
    %dma_start3A_41 = arith.constant 0 : i32
    %dma_start3A_42 = arith.constant 0 : i32
    %dma_start3A_43 = tpu.memref_slice %arg6[%rem3A_40, %dma_start3A_41, %dma_start3A_42] : memref<8x2x128xi32, #tpu.memory_space<vmem>> -> memref<1x2x128xi32, #tpu.memory_space<vmem>>
    %dma_start3A_44 = tpu.memref_squeeze %dma_start3A_43 : memref<1x2x128xi32, #tpu.memory_space<vmem>> -> memref<2x128xi32, #tpu.memory_space<vmem>>
    %dma_start3A_45 = arith.constant 0 : i32
    %dma_start3A_46 = tpu.memref_slice %arg3[%dma_start3A_45, %add3A_37] : memref<2x458752xi32, #tpu.memory_space<hbm>> -> memref<2x128xi32, #tpu.memory_space<hbm>>
    %dma_start3A_47 = arith.constant 0 : i32
    %dma_start3A_48 = arith.constant 0 : i32
    %dma_start3A_49 = tpu.memref_slice %arg6[%rem3A_40, %dma_start3A_47, %dma_start3A_48] : memref<8x2x128xi32, #tpu.memory_space<vmem>> -> memref<1x2x128xi32, #tpu.memory_space<vmem>>
    %dma_start3A_50 = tpu.memref_squeeze %dma_start3A_49 : memref<1x2x128xi32, #tpu.memory_space<vmem>> -> memref<2x128xi32, #tpu.memory_space<vmem>>
    %dma_start3A_51 = arith.constant 0 : i32
    %dma_start3A_52 = tpu.memref_slice %arg3[%dma_start3A_51, %add3A_37] : memref<2x458752xi32, #tpu.memory_space<hbm>> -> memref<2x128xi32, #tpu.memory_space<hbm>>
    tpu.enqueue_dma source(%dma_start3A_52 : memref<2x128xi32, #tpu.memory_space<hbm>>) target(%dma_start3A_50 : memref<2x128xi32, #tpu.memory_space<vmem>>) target_semaphore(%arg10 : memref<!tpu.dma_semaphore, #tpu.memory_space<semaphore_mem>>)
    %add3A_53 = arith.constant 384 : i32
    %add3A_54 = arith.addi %mul3A_4, %add3A_53 : i32
    %rem3A_55 = arith.constant 3 : i32
    %rem3A_56 = arith.constant 8 : i32
    %rem3A_57 = arith.remsi %rem3A_55, %rem3A_56 : i32
    %dma_start3A_58 = arith.constant 0 : i32
    %dma_start3A_59 = arith.constant 0 : i32
    %dma_start3A_60 = tpu.memref_slice %arg6[%rem3A_57, %dma_start3A_58, %dma_start3A_59] : memref<8x2x128xi32, #tpu.memory_space<vmem>> -> memref<1x2x128xi32, #tpu.memory_space<vmem>>
    %dma_start3A_61 = tpu.memref_squeeze %dma_start3A_60 : memref<1x2x128xi32, #tpu.memory_space<vmem>> -> memref<2x128xi32, #tpu.memory_space<vmem>>
    %dma_start3A_62 = arith.constant 0 : i32
    %dma_start3A_63 = tpu.memref_slice %arg3[%dma_start3A_62, %add3A_54] : memref<2x458752xi32, #tpu.memory_space<hbm>> -> memref<2x128xi32, #tpu.memory_space<hbm>>
    %dma_start3A_64 = arith.constant 0 : i32
    %dma_start3A_65 = arith.constant 0 : i32
    %dma_start3A_66 = tpu.memref_slice %arg6[%rem3A_57, %dma_start3A_64, %dma_start3A_65] : memref<8x2x128xi32, #tpu.memory_space<vmem>> -> memref<1x2x128xi32, #tpu.memory_space<vmem>>
    %dma_start3A_67 = tpu.memref_squeeze %dma_start3A_66 : memref<1x2x128xi32, #tpu.memory_space<vmem>> -> memref<2x128xi32, #tpu.memory_space<vmem>>
    %dma_start3A_68 = arith.constant 0 : i32
    %dma_start3A_69 = tpu.memref_slice %arg3[%dma_start3A_68, %add3A_54] : memref<2x458752xi32, #tpu.memory_space<hbm>> -> memref<2x128xi32, #tpu.memory_space<hbm>>
    tpu.enqueue_dma source(%dma_start3A_69 : memref<2x128xi32, #tpu.memory_space<hbm>>) target(%dma_start3A_67 : memref<2x128xi32, #tpu.memory_space<vmem>>) target_semaphore(%arg10 : memref<!tpu.dma_semaphore, #tpu.memory_space<semaphore_mem>>)
    %rem3A_70 = arith.constant 0 : i32
    %rem3A_71 = arith.constant 8 : i32
    %rem3A_72 = arith.remsi %rem3A_70, %rem3A_71 : i32
    %dma_wait3A = arith.constant 0 : i32
    %dma_wait3A_73 = arith.constant 0 : i32
    %dma_wait3A_74 = tpu.memref_slice %arg6[%rem3A_72, %dma_wait3A, %dma_wait3A_73] : memref<8x2x128xi32, #tpu.memory_space<vmem>> -> memref<1x2x128xi32, #tpu.memory_space<vmem>>
    %dma_wait3A_75 = tpu.memref_squeeze %dma_wait3A_74 : memref<1x2x128xi32, #tpu.memory_space<vmem>> -> memref<2x128xi32, #tpu.memory_space<vmem>>
    %dma_wait3A_76 = arith.constant 0 : i32
    %dma_wait3A_77 = arith.constant 0 : i32
    %dma_wait3A_78 = tpu.memref_slice %arg3[%dma_wait3A_76, %dma_wait3A_77] : memref<2x458752xi32, #tpu.memory_space<hbm>> -> memref<2x128xi32, #tpu.memory_space<hbm>>
    %dma_wait3A_79 = arith.constant 0 : i32
    %dma_wait3A_80 = arith.constant 0 : i32
    %dma_wait3A_81 = tpu.memref_slice %arg6[%rem3A_72, %dma_wait3A_79, %dma_wait3A_80] : memref<8x2x128xi32, #tpu.memory_space<vmem>> -> memref<1x2x128xi32, #tpu.memory_space<vmem>>
    %dma_wait3A_82 = tpu.memref_squeeze %dma_wait3A_81 : memref<1x2x128xi32, #tpu.memory_space<vmem>> -> memref<2x128xi32, #tpu.memory_space<vmem>>
    %dma_wait3A_83 = arith.constant 0 : i32
    %dma_wait3A_84 = arith.constant 0 : i32
    %dma_wait3A_85 = tpu.memref_slice %arg3[%dma_wait3A_83, %dma_wait3A_84] : memref<2x458752xi32, #tpu.memory_space<hbm>> -> memref<2x128xi32, #tpu.memory_space<hbm>>
    tpu.wait_dma2 semaphore(%arg10 : memref<!tpu.dma_semaphore, #tpu.memory_space<semaphore_mem>>) src(%dma_wait3A_85 : memref<2x128xi32, #tpu.memory_space<hbm>>) dst(%dma_wait3A_82 : memref<2x128xi32, #tpu.memory_space<vmem>>)
    %rem3A_86 = arith.constant 0 : i32
    %rem3A_87 = arith.constant 8 : i32
    %rem3A_88 = arith.remsi %rem3A_86, %rem3A_87 : i32
    %get3A = arith.constant 0 : i32
    %get3A_89 = arith.index_cast %rem3A_88 : i32 to index
    %get3A_90 = arith.index_cast %get3A : i32 to index
    %get3A_91 = arith.constant 0 : index
    %get3A_92 = tpu.vector_load %arg6[%get3A_89, %get3A_90, %get3A_91] {strides = array<i32>} : memref<8x2x128xi32, #tpu.memory_space<vmem>>, vector<1x1x16xi32>,
    %get3A_93 = vector.shape_cast %get3A_92 : vector<1x1x16xi32> to vector<16xi32>
    %mul3A_94 = arith.constant 2 : i32
    %mul3A_95 = vector.broadcast %mul3A_94 : i32 to vector<16xi32>
    %mul3A_96 = arith.muli %get3A_93, %mul3A_95 : vector<16xi32>
    %add3A_97 = arith.addi %mul3A_96, %broadcast_in_dim3A : vector<16xi32>
    %swap3A = arith.index_cast %rem3A_88 : i32 to index
    %swap3A_98 = arith.constant 0 : index
    %swap3A_99 = tpu.vector_load %arg7[%swap3A, %swap3A_98] {strides = array<i32>} : memref<8x128xi32, #tpu.memory_space<vmem>>, vector<1x16xi32>,
    %swap3A_100 = vector.shape_cast %swap3A_99 : vector<1x16xi32> to vector<16xi32>
    %swap3A_101 = vector.shape_cast %add3A_97 : vector<16xi32> to vector<1x16xi32>
    tpu.vector_store %arg7[%swap3A, %swap3A_98], %swap3A_101 {strides = array<i32>} : memref<8x128xi32, #tpu.memory_space<vmem>>, vector<1x16xi32>,
    %get3A_102 = arith.constant 0 : i32
    %get3A_103 = arith.index_cast %rem3A_88 : i32 to index
    %get3A_104 = arith.index_cast %get3A_102 : i32 to index
    %get3A_105 = arith.constant 16 : index
    %get3A_106 = tpu.vector_load %arg6[%get3A_103, %get3A_104, %get3A_105] {strides = array<i32>} : memref<8x2x128xi32, #tpu.memory_space<vmem>>, vector<1x1x16xi32>,
    %get3A_107 = vector.shape_cast %get3A_106 : vector<1x1x16xi32> to vector<16xi32>
    %mul3A_108 = arith.constant 2 : i32
    %mul3A_109 = vector.broadcast %mul3A_108 : i32 to vector<16xi32>
    %mul3A_110 = arith.muli %get3A_107, %mul3A_109 : vector<16xi32>
    %add3A_111 = arith.addi %mul3A_110, %broadcast_in_dim3A : vector<16xi32>
    %swap3A_112 = arith.index_cast %rem3A_88 : i32 to index
    %swap3A_113 = arith.constant 16 : index
    %swap3A_114 = tpu.vector_load %arg7[%swap3A_112, %swap3A_113] {strides = array<i32>} : memref<8x128xi32, #tpu.memory_space<vmem>>, vector<1x16xi32>,
    %swap3A_115 = vector.shape_cast %swap3A_114 : vector<1x16xi32> to vector<16xi32>
    %swap3A_116 = vector.shape_cast %add3A_111 : vector<16xi32> to vector<1x16xi32>
    tpu.vector_store %arg7[%swap3A_112, %swap3A_113], %swap3A_116 {strides = array<i32>} : memref<8x128xi32, #tpu.memory_space<vmem>>, vector<1x16xi32>,
    %get3A_117 = arith.constant 0 : i32
    %get3A_118 = arith.index_cast %rem3A_88 : i32 to index
    %get3A_119 = arith.index_cast %get3A_117 : i32 to index
    %get3A_120 = arith.constant 32 : index
    %get3A_121 = tpu.vector_load %arg6[%get3A_118, %get3A_119, %get3A_120] {strides = array<i32>} : memref<8x2x128xi32, #tpu.memory_space<vmem>>, vector<1x1x16xi32>,
    %get3A_122 = vector.shape_cast %get3A_121 : vector<1x1x16xi32> to vector<16xi32>
    %mul3A_123 = arith.constant 2 : i32
    %mul3A_124 = vector.broadcast %mul3A_123 : i32 to vector<16xi32>
    %mul3A_125 = arith.muli %get3A_122, %mul3A_124 : vector<16xi32>
    %add3A_126 = arith.addi %mul3A_125, %broadcast_in_dim3A : vector<16xi32>
    %swap3A_127 = arith.index_cast %rem3A_88 : i32 to index
    %swap3A_128 = arith.constant 32 : index
    %swap3A_129 = tpu.vector_load %arg7[%swap3A_127, %swap3A_128] {strides = array<i32>} : memref<8x128xi32, #tpu.memory_space<vmem>>, vector<1x16xi32>,
    %swap3A_130 = vector.shape_cast %swap3A_129 : vector<1x16xi32> to vector<16xi32>
    %swap3A_131 = vector.shape_cast %add3A_126 : vector<16xi32> to vector<1x16xi32>
    tpu.vector_store %arg7[%swap3A_127, %swap3A_128], %swap3A_131 {strides = array<i32>} : memref<8x128xi32, #tpu.memory_space<vmem>>, vector<1x16xi32>,
    %get3A_132 = arith.constant 0 : i32
    %get3A_133 = arith.index_cast %rem3A_88 : i32 to index
    %get3A_134 = arith.index_cast %get3A_132 : i32 to index
    %get3A_135 = arith.constant 48 : index
    %get3A_136 = tpu.vector_load %arg6[%get3A_133, %get3A_134, %get3A_135] {strides = array<i32>} : memref<8x2x128xi32, #tpu.memory_space<vmem>>, vector<1x1x16xi32>,
    %get3A_137 = vector.shape_cast %get3A_136 : vector<1x1x16xi32> to vector<16xi32>
    %mul3A_138 = arith.constant 2 : i32
    %mul3A_139 = vector.broadcast %mul3A_138 : i32 to vector<16xi32>
    %mul3A_140 = arith.muli %get3A_137, %mul3A_139 : vector<16xi32>
    %add3A_141 = arith.addi %mul3A_140, %broadcast_in_dim3A : vector<16xi32>
    %swap3A_142 = arith.index_cast %rem3A_88 : i32 to index
    %swap3A_143 = arith.constant 48 : index
    %swap3A_144 = tpu.vector_load %arg7[%swap3A_142, %swap3A_143] {strides = array<i32>} : memref<8x128xi32, #tpu.memory_space<vmem>>, vector<1x16xi32>,
    %swap3A_145 = vector.shape_cast %swap3A_144 : vector<1x16xi32> to vector<16xi32>
    %swap3A_146 = vector.shape_cast %add3A_141 : vector<16xi32> to vector<1x16xi32>
    tpu.vector_store %arg7[%swap3A_142, %swap3A_143], %swap3A_146 {strides = array<i32>} : memref<8x128xi32, #tpu.memory_space<vmem>>, vector<1x16xi32>,
    %get3A_147 = arith.constant 0 : i32
    %get3A_148 = arith.index_cast %rem3A_88 : i32 to index
    %get3A_149 = arith.index_cast %get3A_147 : i32 to index
    %get3A_150 = arith.constant 64 : index
    %get3A_151 = tpu.vector_load %arg6[%get3A_148, %get3A_149, %get3A_150] {strides = array<i32>} : memref<8x2x128xi32, #tpu.memory_space<vmem>>, vector<1x1x16xi32>,
    %get3A_152 = vector.shape_cast %get3A_151 : vector<1x1x16xi32> to vector<16xi32>
    %mul3A_153 = arith.constant 2 : i32
    %mul3A_154 = vector.broadcast %mul3A_153 : i32 to vector<16xi32>
    %mul3A_155 = arith.muli %get3A_152, %mul3A_154 : vector<16xi32>
    %add3A_156 = arith.addi %mul3A_155, %broadcast_in_dim3A : vector<16xi32>
    %swap3A_157 = arith.index_cast %rem3A_88 : i32 to index
    %swap3A_158 = arith.constant 64 : index
    %swap3A_159 = tpu.vector_load %arg7[%swap3A_157, %swap3A_158] {strides = array<i32>} : memref<8x128xi32, #tpu.memory_space<vmem>>, vector<1x16xi32>,
    %swap3A_160 = vector.shape_cast %swap3A_159 : vector<1x16xi32> to vector<16xi32>
    %swap3A_161 = vector.shape_cast %add3A_156 : vector<16xi32> to vector<1x16xi32>
    tpu.vector_store %arg7[%swap3A_157, %swap3A_158], %swap3A_161 {strides = array<i32>} : memref<8x128xi32, #tpu.memory_space<vmem>>, vector<1x16xi32>,
    %get3A_162 = arith.constant 0 : i32
    %get3A_163 = arith.index_cast %rem3A_88 : i32 to index
    %get3A_164 = arith.index_cast %get3A_162 : i32 to index
    %get3A_165 = arith.constant 80 : index
    %get3A_166 = tpu.vector_load %arg6[%get3A_163, %get3A_164, %get3A_165] {strides = array<i32>} : memref<8x2x128xi32, #tpu.memory_space<vmem>>, vector<1x1x16xi32>,
    %get3A_167 = vector.shape_cast %get3A_166 : vector<1x1x16xi32> to vector<16xi32>
    %mul3A_168 = arith.constant 2 : i32
    %mul3A_169 = vector.broadcast %mul3A_168 : i32 to vector<16xi32>
    %mul3A_170 = arith.muli %get3A_167, %mul3A_169 : vector<16xi32>
    %add3A_171 = arith.addi %mul3A_170, %broadcast_in_dim3A : vector<16xi32>
    %swap3A_172 = arith.index_cast %rem3A_88 : i32 to index
    %swap3A_173 = arith.constant 80 : index
    %swap3A_174 = tpu.vector_load %arg7[%swap3A_172, %swap3A_173] {strides = array<i32>} : memref<8x128xi32, #tpu.memory_space<vmem>>, vector<1x16xi32>,
    %swap3A_175 = vector.shape_cast %swap3A_174 : vector<1x16xi32> to vector<16xi32>
    %swap3A_176 = vector.shape_cast %add3A_171 : vector<16xi32> to vector<1x16xi32>
    tpu.vector_store %arg7[%swap3A_172, %swap3A_173], %swap3A_176 {strides = array<i32>} : memref<8x128xi32, #tpu.memory_space<vmem>>, vector<1x16xi32>,
    %get3A_177 = arith.constant 0 : i32
    %get3A_178 = arith.index_cast %rem3A_88 : i32 to index
    %get3A_179 = arith.index_cast %get3A_177 : i32 to index
    %get3A_180 = arith.constant 96 : index
    %get3A_181 = tpu.vector_load %arg6[%get3A_178, %get3A_179, %get3A_180] {strides = array<i32>} : memref<8x2x128xi32, #tpu.memory_space<vmem>>, vector<1x1x16xi32>,
    %get3A_182 = vector.shape_cast %get3A_181 : vector<1x1x16xi32> to vector<16xi32>
    %mul3A_183 = arith.constant 2 : i32
    %mul3A_184 = vector.broadcast %mul3A_183 : i32 to vector<16xi32>
    %mul3A_185 = arith.muli %get3A_182, %mul3A_184 : vector<16xi32>
    %add3A_186 = arith.addi %mul3A_185, %broadcast_in_dim3A : vector<16xi32>
    %swap3A_187 = arith.index_cast %rem3A_88 : i32 to index
    %swap3A_188 = arith.constant 96 : index
    %swap3A_189 = tpu.vector_load %arg7[%swap3A_187, %swap3A_188] {strides = array<i32>} : memref<8x128xi32, #tpu.memory_space<vmem>>, vector<1x16xi32>,
    %swap3A_190 = vector.shape_cast %swap3A_189 : vector<1x16xi32> to vector<16xi32>
    %swap3A_191 = vector.shape_cast %add3A_186 : vector<16xi32> to vector<1x16xi32>
    tpu.vector_store %arg7[%swap3A_187, %swap3A_188], %swap3A_191 {strides = array<i32>} : memref<8x128xi32, #tpu.memory_space<vmem>>, vector<1x16xi32>,
    %get3A_192 = arith.constant 0 : i32
    %get3A_193 = arith.index_cast %rem3A_88 : i32 to index
    %get3A_194 = arith.index_cast %get3A_192 : i32 to index
    %get3A_195 = arith.constant 112 : index
    %get3A_196 = tpu.vector_load %arg6[%get3A_193, %get3A_194, %get3A_195] {strides = array<i32>} : memref<8x2x128xi32, #tpu.memory_space<vmem>>, vector<1x1x16xi32>,
    %get3A_197 = vector.shape_cast %get3A_196 : vector<1x1x16xi32> to vector<16xi32>
    %mul3A_198 = arith.constant 2 : i32
    %mul3A_199 = vector.broadcast %mul3A_198 : i32 to vector<16xi32>
    %mul3A_200 = arith.muli %get3A_197, %mul3A_199 : vector<16xi32>
    %add3A_201 = arith.addi %mul3A_200, %broadcast_in_dim3A : vector<16xi32>
    %swap3A_202 = arith.index_cast %rem3A_88 : i32 to index
    %swap3A_203 = arith.constant 112 : index
    %swap3A_204 = tpu.vector_load %arg7[%swap3A_202, %swap3A_203] {strides = array<i32>} : memref<8x128xi32, #tpu.memory_space<vmem>>, vector<1x16xi32>,
    %swap3A_205 = vector.shape_cast %swap3A_204 : vector<1x16xi32> to vector<16xi32>
    %swap3A_206 = vector.shape_cast %add3A_201 : vector<16xi32> to vector<1x16xi32>
    tpu.vector_store %arg7[%swap3A_202, %swap3A_203], %swap3A_206 {strides = array<i32>} : memref<8x128xi32, #tpu.memory_space<vmem>>, vector<1x16xi32>,
    %rem3A_207 = arith.constant 0 : i32
    %rem3A_208 = arith.constant 8 : i32
    %rem3A_209 = arith.remsi %rem3A_207, %rem3A_208 : i32
    %dma_start3A_210 = arith.constant 0 : i32
    %dma_start3A_211 = arith.constant 0 : i32
    %dma_start3A_212 = tpu.memref_slice %arg8[%rem3A_209, %dma_start3A_210, %dma_start3A_211] : memref<8x128x64xf32, #tpu.memory_space<vmem>> -> memref<1x128x64xf32, #tpu.memory_space<vmem>>
    %dma_start3A_213 = tpu.memref_squeeze %dma_start3A_212 : memref<1x128x64xf32, #tpu.memory_space<vmem>> -> memref<128x64xf32, #tpu.memory_space<vmem>>
    %dma_start3A_214 = arith.constant 0 : i32
    %dma_start3A_215 = tpu.memref_slice %arg7[%rem3A_209, %dma_start3A_214] : memref<8x128xi32, #tpu.memory_space<vmem>> -> memref<1x128xi32, #tpu.memory_space<vmem>>
    %dma_start3A_216 = tpu.memref_squeeze %dma_start3A_215 : memref<1x128xi32, #tpu.memory_space<vmem>> -> memref<128xi32, #tpu.memory_space<vmem>>
    %dma_start3A_217 = arith.constant 0 : i32
    %dma_start3A_218 = arith.constant 0 : i32
    %dma_start3A_219 = tpu.memref_slice %arg2[%dma_start3A_217, %dma_start3A_218] : memref<28672x64xf32, #tpu.memory_space<hbm>> -> memref<28672x64xf32, #tpu.memory_space<hbm>>
    tpu.enqueue_indirect_dma source(%dma_start3A_219 : memref<28672x64xf32, #tpu.memory_space<hbm>>) target(%dma_start3A_213 : memref<128x64xf32, #tpu.memory_space<vmem>>) offsets(%dma_start3A_216 : memref<128xi32, #tpu.memory_space<vmem>>) semaphore(%arg11 : memref<!tpu.dma_semaphore, #tpu.memory_space<semaphore_mem>>)
    %rem3A_220 = arith.constant 1 : i32
    %rem3A_221 = arith.constant 8 : i32
    %rem3A_222 = arith.remsi %rem3A_220, %rem3A_221 : i32
    %dma_wait3A_223 = arith.constant 0 : i32
    %dma_wait3A_224 = arith.constant 0 : i32
    %dma_wait3A_225 = tpu.memref_slice %arg6[%rem3A_222, %dma_wait3A_223, %dma_wait3A_224] : memref<8x2x128xi32, #tpu.memory_space<vmem>> -> memref<1x2x128xi32, #tpu.memory_space<vmem>>
    %dma_wait3A_226 = tpu.memref_squeeze %dma_wait3A_225 : memref<1x2x128xi32, #tpu.memory_space<vmem>> -> memref<2x128xi32, #tpu.memory_space<vmem>>
    %dma_wait3A_227 = arith.constant 0 : i32
    %dma_wait3A_228 = arith.constant 0 : i32
    %dma_wait3A_229 = tpu.memref_slice %arg3[%dma_wait3A_227, %dma_wait3A_228] : memref<2x458752xi32, #tpu.memory_space<hbm>> -> memref<2x128xi32, #tpu.memory_space<hbm>>
    %dma_wait3A_230 = arith.constant 0 : i32
    %dma_wait3A_231 = arith.constant 0 : i32
    %dma_wait3A_232 = tpu.memref_slice %arg6[%rem3A_222, %dma_wait3A_230, %dma_wait3A_231] : memref<8x2x128xi32, #tpu.memory_space<vmem>> -> memref<1x2x128xi32, #tpu.memory_space<vmem>>
    %dma_wait3A_233 = tpu.memref_squeeze %dma_wait3A_232 : memref<1x2x128xi32, #tpu.memory_space<vmem>> -> memref<2x128xi32, #tpu.memory_space<vmem>>
    %dma_wait3A_234 = arith.constant 0 : i32
    %dma_wait3A_235 = arith.constant 0 : i32
    %dma_wait3A_236 = tpu.memref_slice %arg3[%dma_wait3A_234, %dma_wait3A_235] : memref<2x458752xi32, #tpu.memory_space<hbm>> -> memref<2x128xi32, #tpu.memory_space<hbm>>
    tpu.wait_dma2 semaphore(%arg10 : memref<!tpu.dma_semaphore, #tpu.memory_space<semaphore_mem>>) src(%dma_wait3A_236 : memref<2x128xi32, #tpu.memory_space<hbm>>) dst(%dma_wait3A_233 : memref<2x128xi32, #tpu.memory_space<vmem>>)
    %rem3A_237 = arith.constant 1 : i32
    %rem3A_238 = arith.constant 8 : i32
    %rem3A_239 = arith.remsi %rem3A_237, %rem3A_238 : i32
    %get3A_240 = arith.constant 0 : i32
    %get3A_241 = arith.index_cast %rem3A_239 : i32 to index
    %get3A_242 = arith.index_cast %get3A_240 : i32 to index
    %get3A_243 = arith.constant 0 : index
    %get3A_244 = tpu.vector_load %arg6[%get3A_241, %get3A_242, %get3A_243] {strides = array<i32>} : memref<8x2x128xi32, #tpu.memory_space<vmem>>, vector<1x1x16xi32>,
    %get3A_245 = vector.shape_cast %get3A_244 : vector<1x1x16xi32> to vector<16xi32>
    %mul3A_246 = arith.constant 2 : i32
    %mul3A_247 = vector.broadcast %mul3A_246 : i32 to vector<16xi32>
    %mul3A_248 = arith.muli %get3A_245, %mul3A_247 : vector<16xi32>
    %add3A_249 = arith.addi %mul3A_248, %broadcast_in_dim3A : vector<16xi32>
    %swap3A_250 = arith.index_cast %rem3A_239 : i32 to index
    %swap3A_251 = arith.constant 0 : index
    %swap3A_252 = tpu.vector_load %arg7[%swap3A_250, %swap3A_251] {strides = array<i32>} : memref<8x128xi32, #tpu.memory_space<vmem>>, vector<1x16xi32>,
    %swap3A_253 = vector.shape_cast %swap3A_252 : vector<1x16xi32> to vector<16xi32>
    %swap3A_254 = vector.shape_cast %add3A_249 : vector<16xi32> to vector<1x16xi32>
    tpu.vector_store %arg7[%swap3A_250, %swap3A_251], %swap3A_254 {strides = array<i32>} : memref<8x128xi32, #tpu.memory_space<vmem>>, vector<1x16xi32>,
    %get3A_255 = arith.constant 0 : i32
    %get3A_256 = arith.index_cast %rem3A_239 : i32 to index
    %get3A_257 = arith.index_cast %get3A_255 : i32 to index
    %get3A_258 = arith.constant 16 : index
    %get3A_259 = tpu.vector_load %arg6[%get3A_256, %get3A_257, %get3A_258] {strides = array<i32>} : memref<8x2x128xi32, #tpu.memory_space<vmem>>, vector<1x1x16xi32>,
    %get3A_260 = vector.shape_cast %get3A_259 : vector<1x1x16xi32> to vector<16xi32>
    %mul3A_261 = arith.constant 2 : i32
    %mul3A_262 = vector.broadcast %mul3A_261 : i32 to vector<16xi32>
    %mul3A_263 = arith.muli %get3A_260, %mul3A_262 : vector<16xi32>
    %add3A_264 = arith.addi %mul3A_263, %broadcast_in_dim3A : vector<16xi32>
    %swap3A_265 = arith.index_cast %rem3A_239 : i32 to index
    %swap3A_266 = arith.constant 16 : index
    %swap3A_267 = tpu.vector_load %arg7[%swap3A_265, %swap3A_266] {strides = array<i32>} : memref<8x128xi32, #tpu.memory_space<vmem>>, vector<1x16xi32>,
    %swap3A_268 = vector.shape_cast %swap3A_267 : vector<1x16xi32> to vector<16xi32>
    %swap3A_269 = vector.shape_cast %add3A_264 : vector<16xi32> to vector<1x16xi32>
    tpu.vector_store %arg7[%swap3A_265, %swap3A_266], %swap3A_269 {strides = array<i32>} : memref<8x128xi32, #tpu.memory_space<vmem>>, vector<1x16xi32>,
    %get3A_270 = arith.constant 0 : i32
    %get3A_271 = arith.index_cast %rem3A_239 : i32 to index
    %get3A_272 = arith.index_cast %get3A_270 : i32 to index
    %get3A_273 = arith.constant 32 : index
    %get3A_274 = tpu.vector_load %arg6[%get3A_271, %get3A_272, %get3A_273] {strides = array<i32>} : memref<8x2x128xi32, #tpu.memory_space<vmem>>, vector<1x1x16xi32>,
    %get3A_275 = vector.shape_cast %get3A_274 : vector<1x1x16xi32> to vector<16xi32>
    %mul3A_276 = arith.constant 2 : i32
    %mul3A_277 = vector.broadcast %mul3A_276 : i32 to vector<16xi32>
    %mul3A_278 = arith.muli %get3A_275, %mul3A_277 : vector<16xi32>
    %add3A_279 = arith.addi %mul3A_278, %broadcast_in_dim3A : vector<16xi32>
    %swap3A_280 = arith.index_cast %rem3A_239 : i32 to index
    %swap3A_281 = arith.constant 32 : index
    %swap3A_282 = tpu.vector_load %arg7[%swap3A_280, %swap3A_281] {strides = array<i32>} : memref<8x128xi32, #tpu.memory_space<vmem>>, vector<1x16xi32>,
    %swap3A_283 = vector.shape_cast %swap3A_282 : vector<1x16xi32> to vector<16xi32>
    %swap3A_284 = vector.shape_cast %add3A_279 : vector<16xi32> to vector<1x16xi32>
    tpu.vector_store %arg7[%swap3A_280, %swap3A_281], %swap3A_284 {strides = array<i32>} : memref<8x128xi32, #tpu.memory_space<vmem>>, vector<1x16xi32>,
    %get3A_285 = arith.constant 0 : i32
    %get3A_286 = arith.index_cast %rem3A_239 : i32 to index
    %get3A_287 = arith.index_cast %get3A_285 : i32 to index
    %get3A_288 = arith.constant 48 : index
    %get3A_289 = tpu.vector_load %arg6[%get3A_286, %get3A_287, %get3A_288] {strides = array<i32>} : memref<8x2x128xi32, #tpu.memory_space<vmem>>, vector<1x1x16xi32>,
    %get3A_290 = vector.shape_cast %get3A_289 : vector<1x1x16xi32> to vector<16xi32>
    %mul3A_291 = arith.constant 2 : i32
    %mul3A_292 = vector.broadcast %mul3A_291 : i32 to vector<16xi32>
    %mul3A_293 = arith.muli %get3A_290, %mul3A_292 : vector<16xi32>
    %add3A_294 = arith.addi %mul3A_293, %broadcast_in_dim3A : vector<16xi32>
    %swap3A_295 = arith.index_cast %rem3A_239 : i32 to index
    %swap3A_296 = arith.constant 48 : index
    %swap3A_297 = tpu.vector_load %arg7[%swap3A_295, %swap3A_296] {strides = array<i32>} : memref<8x128xi32, #tpu.memory_space<vmem>>, vector<1x16xi32>,
    %swap3A_298 = vector.shape_cast %swap3A_297 : vector<1x16xi32> to vector<16xi32>
    %swap3A_299 = vector.shape_cast %add3A_294 : vector<16xi32> to vector<1x16xi32>
    tpu.vector_store %arg7[%swap3A_295, %swap3A_296], %swap3A_299 {strides = array<i32>} : memref<8x128xi32, #tpu.memory_space<vmem>>, vector<1x16xi32>,
    %get3A_300 = arith.constant 0 : i32
    %get3A_301 = arith.index_cast %rem3A_239 : i32 to index
    %get3A_302 = arith.index_cast %get3A_300 : i32 to index
    %get3A_303 = arith.constant 64 : index
    %get3A_304 = tpu.vector_load %arg6[%get3A_301, %get3A_302, %get3A_303] {strides = array<i32>} : memref<8x2x128xi32, #tpu.memory_space<vmem>>, vector<1x1x16xi32>,
    %get3A_305 = vector.shape_cast %get3A_304 : vector<1x1x16xi32> to vector<16xi32>
    %mul3A_306 = arith.constant 2 : i32
    %mul3A_307 = vector.broadcast %mul3A_306 : i32 to vector<16xi32>
    %mul3A_308 = arith.muli %get3A_305, %mul3A_307 : vector<16xi32>
    %add3A_309 = arith.addi %mul3A_308, %broadcast_in_dim3A : vector<16xi32>
    %swap3A_310 = arith.index_cast %rem3A_239 : i32 to index
    %swap3A_311 = arith.constant 64 : index
    %swap3A_312 = tpu.vector_load %arg7[%swap3A_310, %swap3A_311] {strides = array<i32>} : memref<8x128xi32, #tpu.memory_space<vmem>>, vector<1x16xi32>,
    %swap3A_313 = vector.shape_cast %swap3A_312 : vector<1x16xi32> to vector<16xi32>
    %swap3A_314 = vector.shape_cast %add3A_309 : vector<16xi32> to vector<1x16xi32>
    tpu.vector_store %arg7[%swap3A_310, %swap3A_311], %swap3A_314 {strides = array<i32>} : memref<8x128xi32, #tpu.memory_space<vmem>>, vector<1x16xi32>,
    %get3A_315 = arith.constant 0 : i32
    %get3A_316 = arith.index_cast %rem3A_239 : i32 to index
    %get3A_317 = arith.index_cast %get3A_315 : i32 to index
    %get3A_318 = arith.constant 80 : index
    %get3A_319 = tpu.vector_load %arg6[%get3A_316, %get3A_317, %get3A_318] {strides = array<i32>} : memref<8x2x128xi32, #tpu.memory_space<vmem>>, vector<1x1x16xi32>,
    %get3A_320 = vector.shape_cast %get3A_319 : vector<1x1x16xi32> to vector<16xi32>
    %mul3A_321 = arith.constant 2 : i32
    %mul3A_322 = vector.broadcast %mul3A_321 : i32 to vector<16xi32>
    %mul3A_323 = arith.muli %get3A_320, %mul3A_322 : vector<16xi32>
    %add3A_324 = arith.addi %mul3A_323, %broadcast_in_dim3A : vector<16xi32>
    %swap3A_325 = arith.index_cast %rem3A_239 : i32 to index
    %swap3A_326 = arith.constant 80 : index
    %swap3A_327 = tpu.vector_load %arg7[%swap3A_325, %swap3A_326] {strides = array<i32>} : memref<8x128xi32, #tpu.memory_space<vmem>>, vector<1x16xi32>,
    %swap3A_328 = vector.shape_cast %swap3A_327 : vector<1x16xi32> to vector<16xi32>
    %swap3A_329 = vector.shape_cast %add3A_324 : vector<16xi32> to vector<1x16xi32>
    tpu.vector_store %arg7[%swap3A_325, %swap3A_326], %swap3A_329 {strides = array<i32>} : memref<8x128xi32, #tpu.memory_space<vmem>>, vector<1x16xi32>,
    %get3A_330 = arith.constant 0 : i32
    %get3A_331 = arith.index_cast %rem3A_239 : i32 to index
    %get3A_332 = arith.index_cast %get3A_330 : i32 to index
    %get3A_333 = arith.constant 96 : index
    %get3A_334 = tpu.vector_load %arg6[%get3A_331, %get3A_332, %get3A_333] {strides = array<i32>} : memref<8x2x128xi32, #tpu.memory_space<vmem>>, vector<1x1x16xi32>,
    %get3A_335 = vector.shape_cast %get3A_334 : vector<1x1x16xi32> to vector<16xi32>
    %mul3A_336 = arith.constant 2 : i32
    %mul3A_337 = vector.broadcast %mul3A_336 : i32 to vector<16xi32>
    %mul3A_338 = arith.muli %get3A_335, %mul3A_337 : vector<16xi32>
    %add3A_339 = arith.addi %mul3A_338, %broadcast_in_dim3A : vector<16xi32>
    %swap3A_340 = arith.index_cast %rem3A_239 : i32 to index
    %swap3A_341 = arith.constant 96 : index
    %swap3A_342 = tpu.vector_load %arg7[%swap3A_340, %swap3A_341] {strides = array<i32>} : memref<8x128xi32, #tpu.memory_space<vmem>>, vector<1x16xi32>,
    %swap3A_343 = vector.shape_cast %swap3A_342 : vector<1x16xi32> to vector<16xi32>
    %swap3A_344 = vector.shape_cast %add3A_339 : vector<16xi32> to vector<1x16xi32>
    tpu.vector_store %arg7[%swap3A_340, %swap3A_341], %swap3A_344 {strides = array<i32>} : memref<8x128xi32, #tpu.memory_space<vmem>>, vector<1x16xi32>,
    %get3A_345 = arith.constant 0 : i32
    %get3A_346 = arith.index_cast %rem3A_239 : i32 to index
    %get3A_347 = arith.index_cast %get3A_345 : i32 to index
    %get3A_348 = arith.constant 112 : index
    %get3A_349 = tpu.vector_load %arg6[%get3A_346, %get3A_347, %get3A_348] {strides = array<i32>} : memref<8x2x128xi32, #tpu.memory_space<vmem>>, vector<1x1x16xi32>,
    %get3A_350 = vector.shape_cast %get3A_349 : vector<1x1x16xi32> to vector<16xi32>
    %mul3A_351 = arith.constant 2 : i32
    %mul3A_352 = vector.broadcast %mul3A_351 : i32 to vector<16xi32>
    %mul3A_353 = arith.muli %get3A_350, %mul3A_352 : vector<16xi32>
    %add3A_354 = arith.addi %mul3A_353, %broadcast_in_dim3A : vector<16xi32>
    %swap3A_355 = arith.index_cast %rem3A_239 : i32 to index
    %swap3A_356 = arith.constant 112 : index
    %swap3A_357 = tpu.vector_load %arg7[%swap3A_355, %swap3A_356] {strides = array<i32>} : memref<8x128xi32, #tpu.memory_space<vmem>>, vector<1x16xi32>,
    %swap3A_358 = vector.shape_cast %swap3A_357 : vector<1x16xi32> to vector<16xi32>
    %swap3A_359 = vector.shape_cast %add3A_354 : vector<16xi32> to vector<1x16xi32>
    tpu.vector_store %arg7[%swap3A_355, %swap3A_356], %swap3A_359 {strides = array<i32>} : memref<8x128xi32, #tpu.memory_space<vmem>>, vector<1x16xi32>,
    %rem3A_360 = arith.constant 1 : i32
    %rem3A_361 = arith.constant 8 : i32
    %rem3A_362 = arith.remsi %rem3A_360, %rem3A_361 : i32
    %dma_start3A_363 = arith.constant 0 : i32
    %dma_start3A_364 = arith.constant 0 : i32
    %dma_start3A_365 = tpu.memref_slice %arg8[%rem3A_362, %dma_start3A_363, %dma_start3A_364] : memref<8x128x64xf32, #tpu.memory_space<vmem>> -> memref<1x128x64xf32, #tpu.memory_space<vmem>>
    %dma_start3A_366 = tpu.memref_squeeze %dma_start3A_365 : memref<1x128x64xf32, #tpu.memory_space<vmem>> -> memref<128x64xf32, #tpu.memory_space<vmem>>
    %dma_start3A_367 = arith.constant 0 : i32
    %dma_start3A_368 = tpu.memref_slice %arg7[%rem3A_362, %dma_start3A_367] : memref<8x128xi32, #tpu.memory_space<vmem>> -> memref<1x128xi32, #tpu.memory_space<vmem>>
    %dma_start3A_369 = tpu.memref_squeeze %dma_start3A_368 : memref<1x128xi32, #tpu.memory_space<vmem>> -> memref<128xi32, #tpu.memory_space<vmem>>
    %dma_start3A_370 = arith.constant 0 : i32
    %dma_start3A_371 = arith.constant 0 : i32
    %dma_start3A_372 = tpu.memref_slice %arg2[%dma_start3A_370, %dma_start3A_371] : memref<28672x64xf32, #tpu.memory_space<hbm>> -> memref<28672x64xf32, #tpu.memory_space<hbm>>
    tpu.enqueue_indirect_dma source(%dma_start3A_372 : memref<28672x64xf32, #tpu.memory_space<hbm>>) target(%dma_start3A_366 : memref<128x64xf32, #tpu.memory_space<vmem>>) offsets(%dma_start3A_369 : memref<128xi32, #tpu.memory_space<vmem>>) semaphore(%arg11 : memref<!tpu.dma_semaphore, #tpu.memory_space<semaphore_mem>>)
    %rem3A_373 = arith.constant 2 : i32
    %rem3A_374 = arith.constant 8 : i32
    %rem3A_375 = arith.remsi %rem3A_373, %rem3A_374 : i32
    %dma_wait3A_376 = arith.constant 0 : i32
    %dma_wait3A_377 = arith.constant 0 : i32
    %dma_wait3A_378 = tpu.memref_slice %arg6[%rem3A_375, %dma_wait3A_376, %dma_wait3A_377] : memref<8x2x128xi32, #tpu.memory_space<vmem>> -> memref<1x2x128xi32, #tpu.memory_space<vmem>>
    %dma_wait3A_379 = tpu.memref_squeeze %dma_wait3A_378 : memref<1x2x128xi32, #tpu.memory_space<vmem>> -> memref<2x128xi32, #tpu.memory_space<vmem>>
    %dma_wait3A_380 = arith.constant 0 : i32
    %dma_wait3A_381 = arith.constant 0 : i32
    %dma_wait3A_382 = tpu.memref_slice %arg3[%dma_wait3A_380, %dma_wait3A_381] : memref<2x458752xi32, #tpu.memory_space<hbm>> -> memref<2x128xi32, #tpu.memory_space<hbm>>
    %dma_wait3A_383 = arith.constant 0 : i32
    %dma_wait3A_384 = arith.constant 0 : i32
    %dma_wait3A_385 = tpu.memref_slice %arg6[%rem3A_375, %dma_wait3A_383, %dma_wait3A_384] : memref<8x2x128xi32, #tpu.memory_space<vmem>> -> memref<1x2x128xi32, #tpu.memory_space<vmem>>
    %dma_wait3A_386 = tpu.memref_squeeze %dma_wait3A_385 : memref<1x2x128xi32, #tpu.memory_space<vmem>> -> memref<2x128xi32, #tpu.memory_space<vmem>>
    %dma_wait3A_387 = arith.constant 0 : i32
    %dma_wait3A_388 = arith.constant 0 : i32
    %dma_wait3A_389 = tpu.memref_slice %arg3[%dma_wait3A_387, %dma_wait3A_388] : memref<2x458752xi32, #tpu.memory_space<hbm>> -> memref<2x128xi32, #tpu.memory_space<hbm>>
    tpu.wait_dma2 semaphore(%arg10 : memref<!tpu.dma_semaphore, #tpu.memory_space<semaphore_mem>>) src(%dma_wait3A_389 : memref<2x128xi32, #tpu.memory_space<hbm>>) dst(%dma_wait3A_386 : memref<2x128xi32, #tpu.memory_space<vmem>>)
    %rem3A_390 = arith.constant 2 : i32
    %rem3A_391 = arith.constant 8 : i32
    %rem3A_392 = arith.remsi %rem3A_390, %rem3A_391 : i32
    %get3A_393 = arith.constant 0 : i32
    %get3A_394 = arith.index_cast %rem3A_392 : i32 to index
    %get3A_395 = arith.index_cast %get3A_393 : i32 to index
    %get3A_396 = arith.constant 0 : index
    %get3A_397 = tpu.vector_load %arg6[%get3A_394, %get3A_395, %get3A_396] {strides = array<i32>} : memref<8x2x128xi32, #tpu.memory_space<vmem>>, vector<1x1x16xi32>,
    %get3A_398 = vector.shape_cast %get3A_397 : vector<1x1x16xi32> to vector<16xi32>
    %mul3A_399 = arith.constant 2 : i32
    %mul3A_400 = vector.broadcast %mul3A_399 : i32 to vector<16xi32>
    %mul3A_401 = arith.muli %get3A_398, %mul3A_400 : vector<16xi32>
    %add3A_402 = arith.addi %mul3A_401, %broadcast_in_dim3A : vector<16xi32>
    %swap3A_403 = arith.index_cast %rem3A_392 : i32 to index
    %swap3A_404 = arith.constant 0 : index
    %swap3A_405 = tpu.vector_load %arg7[%swap3A_403, %swap3A_404] {strides = array<i32>} : memref<8x128xi32, #tpu.memory_space<vmem>>, vector<1x16xi32>,
    %swap3A_406 = vector.shape_cast %swap3A_405 : vector<1x16xi32> to vector<16xi32>
    %swap3A_407 = vector.shape_cast %add3A_402 : vector<16xi32> to vector<1x16xi32>
    tpu.vector_store %arg7[%swap3A_403, %swap3A_404], %swap3A_407 {strides = array<i32>} : memref<8x128xi32, #tpu.memory_space<vmem>>, vector<1x16xi32>,
    %get3A_408 = arith.constant 0 : i32
    %get3A_409 = arith.index_cast %rem3A_392 : i32 to index
    %get3A_410 = arith.index_cast %get3A_408 : i32 to index
    %get3A_411 = arith.constant 16 : index
    %get3A_412 = tpu.vector_load %arg6[%get3A_409, %get3A_410, %get3A_411] {strides = array<i32>} : memref<8x2x128xi32, #tpu.memory_space<vmem>>, vector<1x1x16xi32>,
    %get3A_413 = vector.shape_cast %get3A_412 : vector<1x1x16xi32> to vector<16xi32>
    %mul3A_414 = arith.constant 2 : i32
    %mul3A_415 = vector.broadcast %mul3A_414 : i32 to vector<16xi32>
    %mul3A_416 = arith.muli %get3A_413, %mul3A_415 : vector<16xi32>
    %add3A_417 = arith.addi %mul3A_416, %broadcast_in_dim3A : vector<16xi32>
    %swap3A_418 = arith.index_cast %rem3A_392 : i32 to index
    %swap3A_419 = arith.constant 16 : index
    %swap3A_420 = tpu.vector_load %arg7[%swap3A_418, %swap3A_419] {strides = array<i32>} : memref<8x128xi32, #tpu.memory_space<vmem>>, vector<1x16xi32>,
    %swap3A_421 = vector.shape_cast %swap3A_420 : vector<1x16xi32> to vector<16xi32>
    %swap3A_422 = vector.shape_cast %add3A_417 : vector<16xi32> to vector<1x16xi32>
    tpu.vector_store %arg7[%swap3A_418, %swap3A_419], %swap3A_422 {strides = array<i32>} : memref<8x128xi32, #tpu.memory_space<vmem>>, vector<1x16xi32>,
    %get3A_423 = arith.constant 0 : i32
    %get3A_424 = arith.index_cast %rem3A_392 : i32 to index
    %get3A_425 = arith.index_cast %get3A_423 : i32 to index
    %get3A_426 = arith.constant 32 : index
    %get3A_427 = tpu.vector_load %arg6[%get3A_424, %get3A_425, %get3A_426] {strides = array<i32>} : memref<8x2x128xi32, #tpu.memory_space<vmem>>, vector<1x1x16xi32>,
    %get3A_428 = vector.shape_cast %get3A_427 : vector<1x1x16xi32> to vector<16xi32>
    %mul3A_429 = arith.constant 2 : i32
    %mul3A_430 = vector.broadcast %mul3A_429 : i32 to vector<16xi32>
    %mul3A_431 = arith.muli %get3A_428, %mul3A_430 : vector<16xi32>
    %add3A_432 = arith.addi %mul3A_431, %broadcast_in_dim3A : vector<16xi32>
    %swap3A_433 = arith.index_cast %rem3A_392 : i32 to index
    %swap3A_434 = arith.constant 32 : index
    %swap3A_435 = tpu.vector_load %arg7[%swap3A_433, %swap3A_434] {strides = array<i32>} : memref<8x128xi32, #tpu.memory_space<vmem>>, vector<1x16xi32>,
    %swap3A_436 = vector.shape_cast %swap3A_435 : vector<1x16xi32> to vector<16xi32>
    %swap3A_437 = vector.shape_cast %add3A_432 : vector<16xi32> to vector<1x16xi32>
    tpu.vector_store %arg7[%swap3A_433, %swap3A_434], %swap3A_437 {strides = array<i32>} : memref<8x128xi32, #tpu.memory_space<vmem>>, vector<1x16xi32>,
    %get3A_438 = arith.constant 0 : i32
    %get3A_439 = arith.index_cast %rem3A_392 : i32 to index
    %get3A_440 = arith.index_cast %get3A_438 : i32 to index
    %get3A_441 = arith.constant 48 : index
    %get3A_442 = tpu.vector_load %arg6[%get3A_439, %get3A_440, %get3A_441] {strides = array<i32>} : memref<8x2x128xi32, #tpu.memory_space<vmem>>, vector<1x1x16xi32>,
    %get3A_443 = vector.shape_cast %get3A_442 : vector<1x1x16xi32> to vector<16xi32>
    %mul3A_444 = arith.constant 2 : i32
    %mul3A_445 = vector.broadcast %mul3A_444 : i32 to vector<16xi32>
    %mul3A_446 = arith.muli %get3A_443, %mul3A_445 : vector<16xi32>
    %add3A_447 = arith.addi %mul3A_446, %broadcast_in_dim3A : vector<16xi32>
    %swap3A_448 = arith.index_cast %rem3A_392 : i32 to index
    %swap3A_449 = arith.constant 48 : index
    %swap3A_450 = tpu.vector_load %arg7[%swap3A_448, %swap3A_449] {strides = array<i32>} : memref<8x128xi32, #tpu.memory_space<vmem>>, vector<1x16xi32>,
    %swap3A_451 = vector.shape_cast %swap3A_450 : vector<1x16xi32> to vector<16xi32>
    %swap3A_452 = vector.shape_cast %add3A_447 : vector<16xi32> to vector<1x16xi32>
    tpu.vector_store %arg7[%swap3A_448, %swap3A_449], %swap3A_452 {strides = array<i32>} : memref<8x128xi32, #tpu.memory_space<vmem>>, vector<1x16xi32>,
    %get3A_453 = arith.constant 0 : i32
    %get3A_454 = arith.index_cast %rem3A_392 : i32 to index
    %get3A_455 = arith.index_cast %get3A_453 : i32 to index
    %get3A_456 = arith.constant 64 : index
    %get3A_457 = tpu.vector_load %arg6[%get3A_454, %get3A_455, %get3A_456] {strides = array<i32>} : memref<8x2x128xi32, #tpu.memory_space<vmem>>, vector<1x1x16xi32>,
    %get3A_458 = vector.shape_cast %get3A_457 : vector<1x1x16xi32> to vector<16xi32>
    %mul3A_459 = arith.constant 2 : i32
    %mul3A_460 = vector.broadcast %mul3A_459 : i32 to vector<16xi32>
    %mul3A_461 = arith.muli %get3A_458, %mul3A_460 : vector<16xi32>
    %add3A_462 = arith.addi %mul3A_461, %broadcast_in_dim3A : vector<16xi32>
    %swap3A_463 = arith.index_cast %rem3A_392 : i32 to index
    %swap3A_464 = arith.constant 64 : index
    %swap3A_465 = tpu.vector_load %arg7[%swap3A_463, %swap3A_464] {strides = array<i32>} : memref<8x128xi32, #tpu.memory_space<vmem>>, vector<1x16xi32>,
    %swap3A_466 = vector.shape_cast %swap3A_465 : vector<1x16xi32> to vector<16xi32>
    %swap3A_467 = vector.shape_cast %add3A_462 : vector<16xi32> to vector<1x16xi32>
    tpu.vector_store %arg7[%swap3A_463, %swap3A_464], %swap3A_467 {strides = array<i32>} : memref<8x128xi32, #tpu.memory_space<vmem>>, vector<1x16xi32>,
    %get3A_468 = arith.constant 0 : i32
    %get3A_469 = arith.index_cast %rem3A_392 : i32 to index
    %get3A_470 = arith.index_cast %get3A_468 : i32 to index
    %get3A_471 = arith.constant 80 : index
    %get3A_472 = tpu.vector_load %arg6[%get3A_469, %get3A_470, %get3A_471] {strides = array<i32>} : memref<8x2x128xi32, #tpu.memory_space<vmem>>, vector<1x1x16xi32>,
    %get3A_473 = vector.shape_cast %get3A_472 : vector<1x1x16xi32> to vector<16xi32>
    %mul3A_474 = arith.constant 2 : i32
    %mul3A_475 = vector.broadcast %mul3A_474 : i32 to vector<16xi32>
    %mul3A_476 = arith.muli %get3A_473, %mul3A_475 : vector<16xi32>
    %add3A_477 = arith.addi %mul3A_476, %broadcast_in_dim3A : vector<16xi32>
    %swap3A_478 = arith.index_cast %rem3A_392 : i32 to index
    %swap3A_479 = arith.constant 80 : index
    %swap3A_480 = tpu.vector_load %arg7[%swap3A_478, %swap3A_479] {strides = array<i32>} : memref<8x128xi32, #tpu.memory_space<vmem>>, vector<1x16xi32>,
    %swap3A_481 = vector.shape_cast %swap3A_480 : vector<1x16xi32> to vector<16xi32>
    %swap3A_482 = vector.shape_cast %add3A_477 : vector<16xi32> to vector<1x16xi32>
    tpu.vector_store %arg7[%swap3A_478, %swap3A_479], %swap3A_482 {strides = array<i32>} : memref<8x128xi32, #tpu.memory_space<vmem>>, vector<1x16xi32>,
    %get3A_483 = arith.constant 0 : i32
    %get3A_484 = arith.index_cast %rem3A_392 : i32 to index
    %get3A_485 = arith.index_cast %get3A_483 : i32 to index
    %get3A_486 = arith.constant 96 : index
    %get3A_487 = tpu.vector_load %arg6[%get3A_484, %get3A_485, %get3A_486] {strides = array<i32>} : memref<8x2x128xi32, #tpu.memory_space<vmem>>, vector<1x1x16xi32>,
    %get3A_488 = vector.shape_cast %get3A_487 : vector<1x1x16xi32> to vector<16xi32>
    %mul3A_489 = arith.constant 2 : i32
    %mul3A_490 = vector.broadcast %mul3A_489 : i32 to vector<16xi32>
    %mul3A_491 = arith.muli %get3A_488, %mul3A_490 : vector<16xi32>
    %add3A_492 = arith.addi %mul3A_491, %broadcast_in_dim3A : vector<16xi32>
    %swap3A_493 = arith.index_cast %rem3A_392 : i32 to index
    %swap3A_494 = arith.constant 96 : index
    %swap3A_495 = tpu.vector_load %arg7[%swap3A_493, %swap3A_494] {strides = array<i32>} : memref<8x128xi32, #tpu.memory_space<vmem>>, vector<1x16xi32>,
    %swap3A_496 = vector.shape_cast %swap3A_495 : vector<1x16xi32> to vector<16xi32>
    %swap3A_497 = vector.shape_cast %add3A_492 : vector<16xi32> to vector<1x16xi32>
    tpu.vector_store %arg7[%swap3A_493, %swap3A_494], %swap3A_497 {strides = array<i32>} : memref<8x128xi32, #tpu.memory_space<vmem>>, vector<1x16xi32>,
    %get3A_498 = arith.constant 0 : i32
    %get3A_499 = arith.index_cast %rem3A_392 : i32 to index
    %get3A_500 = arith.index_cast %get3A_498 : i32 to index
    %get3A_501 = arith.constant 112 : index
    %get3A_502 = tpu.vector_load %arg6[%get3A_499, %get3A_500, %get3A_501] {strides = array<i32>} : memref<8x2x128xi32, #tpu.memory_space<vmem>>, vector<1x1x16xi32>,
    %get3A_503 = vector.shape_cast %get3A_502 : vector<1x1x16xi32> to vector<16xi32>
    %mul3A_504 = arith.constant 2 : i32
    %mul3A_505 = vector.broadcast %mul3A_504 : i32 to vector<16xi32>
    %mul3A_506 = arith.muli %get3A_503, %mul3A_505 : vector<16xi32>
    %add3A_507 = arith.addi %mul3A_506, %broadcast_in_dim3A : vector<16xi32>
    %swap3A_508 = arith.index_cast %rem3A_392 : i32 to index
    %swap3A_509 = arith.constant 112 : index
    %swap3A_510 = tpu.vector_load %arg7[%swap3A_508, %swap3A_509] {strides = array<i32>} : memref<8x128xi32, #tpu.memory_space<vmem>>, vector<1x16xi32>,
    %swap3A_511 = vector.shape_cast %swap3A_510 : vector<1x16xi32> to vector<16xi32>
    %swap3A_512 = vector.shape_cast %add3A_507 : vector<16xi32> to vector<1x16xi32>
    tpu.vector_store %arg7[%swap3A_508, %swap3A_509], %swap3A_512 {strides = array<i32>} : memref<8x128xi32, #tpu.memory_space<vmem>>, vector<1x16xi32>,
    %rem3A_513 = arith.constant 2 : i32
    %rem3A_514 = arith.constant 8 : i32
    %rem3A_515 = arith.remsi %rem3A_513, %rem3A_514 : i32
    %dma_start3A_516 = arith.constant 0 : i32
    %dma_start3A_517 = arith.constant 0 : i32
    %dma_start3A_518 = tpu.memref_slice %arg8[%rem3A_515, %dma_start3A_516, %dma_start3A_517] : memref<8x128x64xf32, #tpu.memory_space<vmem>> -> memref<1x128x64xf32, #tpu.memory_space<vmem>>
    %dma_start3A_519 = tpu.memref_squeeze %dma_start3A_518 : memref<1x128x64xf32, #tpu.memory_space<vmem>> -> memref<128x64xf32, #tpu.memory_space<vmem>>
    %dma_start3A_520 = arith.constant 0 : i32
    %dma_start3A_521 = tpu.memref_slice %arg7[%rem3A_515, %dma_start3A_520] : memref<8x128xi32, #tpu.memory_space<vmem>> -> memref<1x128xi32, #tpu.memory_space<vmem>>
    %dma_start3A_522 = tpu.memref_squeeze %dma_start3A_521 : memref<1x128xi32, #tpu.memory_space<vmem>> -> memref<128xi32, #tpu.memory_space<vmem>>
    %dma_start3A_523 = arith.constant 0 : i32
    %dma_start3A_524 = arith.constant 0 : i32
    %dma_start3A_525 = tpu.memref_slice %arg2[%dma_start3A_523, %dma_start3A_524] : memref<28672x64xf32, #tpu.memory_space<hbm>> -> memref<28672x64xf32, #tpu.memory_space<hbm>>
    tpu.enqueue_indirect_dma source(%dma_start3A_525 : memref<28672x64xf32, #tpu.memory_space<hbm>>) target(%dma_start3A_519 : memref<128x64xf32, #tpu.memory_space<vmem>>) offsets(%dma_start3A_522 : memref<128xi32, #tpu.memory_space<vmem>>) semaphore(%arg11 : memref<!tpu.dma_semaphore, #tpu.memory_space<semaphore_mem>>)
    %scan3A = arith.constant 0 : i32
    %scan3A_526 = arith.constant 224 : i32
    %scan3A_527 = arith.addi %scan3A, %scan3A_526 : i32
    %scan3A_528 = arith.constant 1 : i32
    scf.for %scan3A_566 = %scan3A to %scan3A_527 step %scan3A_528  : i32 {
      %mul3A_567 = arith.constant 1 : i32
      %mul3A_568 = arith.muli %scan3A_566, %mul3A_567 : i32
      %add3A_569 = arith.constant 0 : i32
      %add3A_570 = arith.addi %add3A_569, %mul3A_568 : i32
      %rem3A_571 = arith.constant 8 : i32
      %rem3A_572 = arith.remsi %add3A_570, %rem3A_571 : i32
      %dma_wait3A_573 = arith.constant 0 : i32
      %dma_wait3A_574 = arith.constant 0 : i32
      %dma_wait3A_575 = tpu.memref_slice %arg8[%rem3A_572, %dma_wait3A_573, %dma_wait3A_574] : memref<8x128x64xf32, #tpu.memory_space<vmem>> -> memref<1x128x64xf32, #tpu.memory_space<vmem>>
      %dma_wait3A_576 = tpu.memref_squeeze %dma_wait3A_575 : memref<1x128x64xf32, #tpu.memory_space<vmem>> -> memref<128x64xf32, #tpu.memory_space<vmem>>
      %dma_wait3A_577 = arith.constant 0 : i32
      %dma_wait3A_578 = tpu.memref_slice %arg7[%rem3A_572, %dma_wait3A_577] : memref<8x128xi32, #tpu.memory_space<vmem>> -> memref<1x128xi32, #tpu.memory_space<vmem>>
      %dma_wait3A_579 = tpu.memref_squeeze %dma_wait3A_578 : memref<1x128xi32, #tpu.memory_space<vmem>> -> memref<128xi32, #tpu.memory_space<vmem>>
      %dma_wait3A_580 = arith.constant 0 : i32
      %dma_wait3A_581 = arith.constant 0 : i32
      %dma_wait3A_582 = tpu.memref_slice %arg2[%dma_wait3A_580, %dma_wait3A_581] : memref<28672x64xf32, #tpu.memory_space<hbm>> -> memref<28672x64xf32, #tpu.memory_space<hbm>>
      tpu.wait_indirect_dma semaphore(%arg11 : memref<!tpu.dma_semaphore, #tpu.memory_space<semaphore_mem>>) src(%dma_wait3A_582 : memref<28672x64xf32, #tpu.memory_space<hbm>>) dst(%dma_wait3A_576 : memref<128x64xf32, #tpu.memory_space<vmem>>)
      %rem3A_583 = arith.constant 8 : i32
      %rem3A_584 = arith.remsi %add3A_570, %rem3A_583 : i32
      %dma_start3A_585 = arith.constant 1 : i32
      %dma_start3A_586 = arith.constant 0 : i32
      %dma_start3A_587 = arith.constant 0 : i32
      %dma_start3A_588 = tpu.memref_slice %arg8[%rem3A_584, %dma_start3A_586, %dma_start3A_587] : memref<8x128x64xf32, #tpu.memory_space<vmem>> -> memref<1x128x64xf32, #tpu.memory_space<vmem>>
      %dma_start3A_589 = tpu.memref_squeeze %dma_start3A_588 : memref<1x128x64xf32, #tpu.memory_space<vmem>> -> memref<128x64xf32, #tpu.memory_space<vmem>>
      %dma_start3A_590 = arith.constant 0 : i32
      %dma_start3A_591 = tpu.memref_slice %arg6[%rem3A_584, %dma_start3A_585, %dma_start3A_590] : memref<8x2x128xi32, #tpu.memory_space<vmem>> -> memref<1x1x128xi32, #tpu.memory_space<vmem>>
      %dma_start3A_592 = tpu.memref_squeeze %dma_start3A_591 : memref<1x1x128xi32, #tpu.memory_space<vmem>> -> memref<128xi32, #tpu.memory_space<vmem>>
      %dma_start3A_593 = arith.constant 0 : i32
      %dma_start3A_594 = arith.constant 0 : i32
      %dma_start3A_595 = tpu.memref_slice %arg9[%dma_start3A_593, %dma_start3A_594] : memref<14336x64xf32, #tpu.memory_space<vmem_shared>> -> memref<14336x64xf32, #tpu.memory_space<vmem_shared>>
      tpu.enqueue_indirect_dma source(%dma_start3A_589 : memref<128x64xf32, #tpu.memory_space<vmem>>) target(%dma_start3A_595 : memref<14336x64xf32, #tpu.memory_space<vmem_shared>>) offsets(%dma_start3A_592 : memref<128xi32, #tpu.memory_space<vmem>>) semaphore(%arg12 : memref<!tpu.dma_semaphore, #tpu.memory_space<semaphore_mem>>) {add = true}
      %ge3A = arith.constant 2 : i32
      %ge3A_596 = arith.cmpi sge, %add3A_570, %ge3A : i32
      %convert_element_type3A_597 = arith.extui %ge3A_596 : i1 to i32
      %cond3A_598 = arith.constant 0 : i32
      %cond3A_599 = arith.cmpi ne, %convert_element_type3A_597, %cond3A_598 : i32
      scf.if %cond3A_599 {
        %sub3A = arith.constant 2 : i32
        %sub3A_613 = arith.subi %add3A_570, %sub3A : i32
        %rem3A_614 = arith.constant 8 : i32
        %rem3A_615 = arith.remsi %sub3A_613, %rem3A_614 : i32
        %dma_wait3A_616 = arith.constant 1 : i32
        %dma_wait3A_617 = arith.constant 0 : i32
        %dma_wait3A_618 = arith.constant 0 : i32
        %dma_wait3A_619 = tpu.memref_slice %arg8[%rem3A_615, %dma_wait3A_617, %dma_wait3A_618] : memref<8x128x64xf32, #tpu.memory_space<vmem>> -> memref<1x128x64xf32, #tpu.memory_space<vmem>>
        %dma_wait3A_620 = tpu.memref_squeeze %dma_wait3A_619 : memref<1x128x64xf32, #tpu.memory_space<vmem>> -> memref<128x64xf32, #tpu.memory_space<vmem>>
        %dma_wait3A_621 = arith.constant 0 : i32
        %dma_wait3A_622 = tpu.memref_slice %arg6[%rem3A_615, %dma_wait3A_616, %dma_wait3A_621] : memref<8x2x128xi32, #tpu.memory_space<vmem>> -> memref<1x1x128xi32, #tpu.memory_space<vmem>>
        %dma_wait3A_623 = tpu.memref_squeeze %dma_wait3A_622 : memref<1x1x128xi32, #tpu.memory_space<vmem>> -> memref<128xi32, #tpu.memory_space<vmem>>
        %dma_wait3A_624 = arith.constant 0 : i32
        %dma_wait3A_625 = arith.constant 0 : i32
        %dma_wait3A_626 = tpu.memref_slice %arg9[%dma_wait3A_624, %dma_wait3A_625] : memref<14336x64xf32, #tpu.memory_space<vmem_shared>> -> memref<14336x64xf32, #tpu.memory_space<vmem_shared>>
        tpu.wait_indirect_dma semaphore(%arg12 : memref<!tpu.dma_semaphore, #tpu.memory_space<semaphore_mem>>) src(%dma_wait3A_620 : memref<128x64xf32, #tpu.memory_space<vmem>>) dst(%dma_wait3A_626 : memref<14336x64xf32, #tpu.memory_space<vmem_shared>>)
      } else {
      }
      %add3A_600 = arith.constant 3 : i32
      %add3A_601 = arith.addi %add3A_570, %add3A_600 : i32
      %lt3A = arith.constant 224 : i32
      %lt3A_602 = arith.cmpi slt, %add3A_601, %lt3A : i32
      %convert_element_type3A_603 = arith.extui %lt3A_602 : i1 to i32
      %cond3A_604 = arith.constant 0 : i32
      %cond3A_605 = arith.cmpi ne, %convert_element_type3A_603, %cond3A_604 : i32
      scf.if %cond3A_605 {
        %add3A_613 = arith.constant 3 : i32
        %add3A_614 = arith.addi %add3A_570, %add3A_613 : i32
        %rem3A_615 = arith.constant 8 : i32
        %rem3A_616 = arith.remsi %add3A_614, %rem3A_615 : i32
        %dma_wait3A_617 = arith.constant 0 : i32
        %dma_wait3A_618 = arith.constant 0 : i32
        %dma_wait3A_619 = tpu.memref_slice %arg6[%rem3A_616, %dma_wait3A_617, %dma_wait3A_618] : memref<8x2x128xi32, #tpu.memory_space<vmem>> -> memref<1x2x128xi32, #tpu.memory_space<vmem>>
        %dma_wait3A_620 = tpu.memref_squeeze %dma_wait3A_619 : memref<1x2x128xi32, #tpu.memory_space<vmem>> -> memref<2x128xi32, #tpu.memory_space<vmem>>
        %dma_wait3A_621 = arith.constant 0 : i32
        %dma_wait3A_622 = arith.constant 0 : i32
        %dma_wait3A_623 = tpu.memref_slice %arg3[%dma_wait3A_621, %dma_wait3A_622] : memref<2x458752xi32, #tpu.memory_space<hbm>> -> memref<2x128xi32, #tpu.memory_space<hbm>>
        %dma_wait3A_624 = arith.constant 0 : i32
        %dma_wait3A_625 = arith.constant 0 : i32
        %dma_wait3A_626 = tpu.memref_slice %arg6[%rem3A_616, %dma_wait3A_624, %dma_wait3A_625] : memref<8x2x128xi32, #tpu.memory_space<vmem>> -> memref<1x2x128xi32, #tpu.memory_space<vmem>>
        %dma_wait3A_627 = tpu.memref_squeeze %dma_wait3A_626 : memref<1x2x128xi32, #tpu.memory_space<vmem>> -> memref<2x128xi32, #tpu.memory_space<vmem>>
        %dma_wait3A_628 = arith.constant 0 : i32
        %dma_wait3A_629 = arith.constant 0 : i32
        %dma_wait3A_630 = tpu.memref_slice %arg3[%dma_wait3A_628, %dma_wait3A_629] : memref<2x458752xi32, #tpu.memory_space<hbm>> -> memref<2x128xi32, #tpu.memory_space<hbm>>
        tpu.wait_dma2 semaphore(%arg10 : memref<!tpu.dma_semaphore, #tpu.memory_space<semaphore_mem>>) src(%dma_wait3A_630 : memref<2x128xi32, #tpu.memory_space<hbm>>) dst(%dma_wait3A_627 : memref<2x128xi32, #tpu.memory_space<vmem>>)
        %add3A_631 = arith.constant 3 : i32
        %add3A_632 = arith.addi %add3A_570, %add3A_631 : i32
        %rem3A_633 = arith.constant 8 : i32
        %rem3A_634 = arith.remsi %add3A_632, %rem3A_633 : i32
        %get3A_635 = arith.constant 0 : i32
        %get3A_636 = arith.index_cast %rem3A_634 : i32 to index
        %get3A_637 = arith.index_cast %get3A_635 : i32 to index
        %get3A_638 = arith.constant 0 : index
        %get3A_639 = tpu.vector_load %arg6[%get3A_636, %get3A_637, %get3A_638] {strides = array<i32>} : memref<8x2x128xi32, #tpu.memory_space<vmem>>, vector<1x1x16xi32>,
        %get3A_640 = vector.shape_cast %get3A_639 : vector<1x1x16xi32> to vector<16xi32>
        %mul3A_641 = arith.constant 2 : i32
        %mul3A_642 = vector.broadcast %mul3A_641 : i32 to vector<16xi32>
        %mul3A_643 = arith.muli %get3A_640, %mul3A_642 : vector<16xi32>
        %add3A_644 = arith.addi %mul3A_643, %broadcast_in_dim3A : vector<16xi32>
        %swap3A_645 = arith.index_cast %rem3A_634 : i32 to index
        %swap3A_646 = arith.constant 0 : index
        %swap3A_647 = tpu.vector_load %arg7[%swap3A_645, %swap3A_646] {strides = array<i32>} : memref<8x128xi32, #tpu.memory_space<vmem>>, vector<1x16xi32>,
        %swap3A_648 = vector.shape_cast %swap3A_647 : vector<1x16xi32> to vector<16xi32>
        %swap3A_649 = vector.shape_cast %add3A_644 : vector<16xi32> to vector<1x16xi32>
        tpu.vector_store %arg7[%swap3A_645, %swap3A_646], %swap3A_649 {strides = array<i32>} : memref<8x128xi32, #tpu.memory_space<vmem>>, vector<1x16xi32>,
        %get3A_650 = arith.constant 0 : i32
        %get3A_651 = arith.index_cast %rem3A_634 : i32 to index
        %get3A_652 = arith.index_cast %get3A_650 : i32 to index
        %get3A_653 = arith.constant 16 : index
        %get3A_654 = tpu.vector_load %arg6[%get3A_651, %get3A_652, %get3A_653] {strides = array<i32>} : memref<8x2x128xi32, #tpu.memory_space<vmem>>, vector<1x1x16xi32>,
        %get3A_655 = vector.shape_cast %get3A_654 : vector<1x1x16xi32> to vector<16xi32>
        %mul3A_656 = arith.constant 2 : i32
        %mul3A_657 = vector.broadcast %mul3A_656 : i32 to vector<16xi32>
        %mul3A_658 = arith.muli %get3A_655, %mul3A_657 : vector<16xi32>
        %add3A_659 = arith.addi %mul3A_658, %broadcast_in_dim3A : vector<16xi32>
        %swap3A_660 = arith.index_cast %rem3A_634 : i32 to index
        %swap3A_661 = arith.constant 16 : index
        %swap3A_662 = tpu.vector_load %arg7[%swap3A_660, %swap3A_661] {strides = array<i32>} : memref<8x128xi32, #tpu.memory_space<vmem>>, vector<1x16xi32>,
        %swap3A_663 = vector.shape_cast %swap3A_662 : vector<1x16xi32> to vector<16xi32>
        %swap3A_664 = vector.shape_cast %add3A_659 : vector<16xi32> to vector<1x16xi32>
        tpu.vector_store %arg7[%swap3A_660, %swap3A_661], %swap3A_664 {strides = array<i32>} : memref<8x128xi32, #tpu.memory_space<vmem>>, vector<1x16xi32>,
        %get3A_665 = arith.constant 0 : i32
        %get3A_666 = arith.index_cast %rem3A_634 : i32 to index
        %get3A_667 = arith.index_cast %get3A_665 : i32 to index
        %get3A_668 = arith.constant 32 : index
        %get3A_669 = tpu.vector_load %arg6[%get3A_666, %get3A_667, %get3A_668] {strides = array<i32>} : memref<8x2x128xi32, #tpu.memory_space<vmem>>, vector<1x1x16xi32>,
        %get3A_670 = vector.shape_cast %get3A_669 : vector<1x1x16xi32> to vector<16xi32>
        %mul3A_671 = arith.constant 2 : i32
        %mul3A_672 = vector.broadcast %mul3A_671 : i32 to vector<16xi32>
        %mul3A_673 = arith.muli %get3A_670, %mul3A_672 : vector<16xi32>
        %add3A_674 = arith.addi %mul3A_673, %broadcast_in_dim3A : vector<16xi32>
        %swap3A_675 = arith.index_cast %rem3A_634 : i32 to index
        %swap3A_676 = arith.constant 32 : index
        %swap3A_677 = tpu.vector_load %arg7[%swap3A_675, %swap3A_676] {strides = array<i32>} : memref<8x128xi32, #tpu.memory_space<vmem>>, vector<1x16xi32>,
        %swap3A_678 = vector.shape_cast %swap3A_677 : vector<1x16xi32> to vector<16xi32>
        %swap3A_679 = vector.shape_cast %add3A_674 : vector<16xi32> to vector<1x16xi32>
        tpu.vector_store %arg7[%swap3A_675, %swap3A_676], %swap3A_679 {strides = array<i32>} : memref<8x128xi32, #tpu.memory_space<vmem>>, vector<1x16xi32>,
        %get3A_680 = arith.constant 0 : i32
        %get3A_681 = arith.index_cast %rem3A_634 : i32 to index
        %get3A_682 = arith.index_cast %get3A_680 : i32 to index
        %get3A_683 = arith.constant 48 : index
        %get3A_684 = tpu.vector_load %arg6[%get3A_681, %get3A_682, %get3A_683] {strides = array<i32>} : memref<8x2x128xi32, #tpu.memory_space<vmem>>, vector<1x1x16xi32>,
        %get3A_685 = vector.shape_cast %get3A_684 : vector<1x1x16xi32> to vector<16xi32>
        %mul3A_686 = arith.constant 2 : i32
        %mul3A_687 = vector.broadcast %mul3A_686 : i32 to vector<16xi32>
        %mul3A_688 = arith.muli %get3A_685, %mul3A_687 : vector<16xi32>
        %add3A_689 = arith.addi %mul3A_688, %broadcast_in_dim3A : vector<16xi32>
        %swap3A_690 = arith.index_cast %rem3A_634 : i32 to index
        %swap3A_691 = arith.constant 48 : index
        %swap3A_692 = tpu.vector_load %arg7[%swap3A_690, %swap3A_691] {strides = array<i32>} : memref<8x128xi32, #tpu.memory_space<vmem>>, vector<1x16xi32>,
        %swap3A_693 = vector.shape_cast %swap3A_692 : vector<1x16xi32> to vector<16xi32>
        %swap3A_694 = vector.shape_cast %add3A_689 : vector<16xi32> to vector<1x16xi32>
        tpu.vector_store %arg7[%swap3A_690, %swap3A_691], %swap3A_694 {strides = array<i32>} : memref<8x128xi32, #tpu.memory_space<vmem>>, vector<1x16xi32>,
        %get3A_695 = arith.constant 0 : i32
        %get3A_696 = arith.index_cast %rem3A_634 : i32 to index
        %get3A_697 = arith.index_cast %get3A_695 : i32 to index
        %get3A_698 = arith.constant 64 : index
        %get3A_699 = tpu.vector_load %arg6[%get3A_696, %get3A_697, %get3A_698] {strides = array<i32>} : memref<8x2x128xi32, #tpu.memory_space<vmem>>, vector<1x1x16xi32>,
        %get3A_700 = vector.shape_cast %get3A_699 : vector<1x1x16xi32> to vector<16xi32>
        %mul3A_701 = arith.constant 2 : i32
        %mul3A_702 = vector.broadcast %mul3A_701 : i32 to vector<16xi32>
        %mul3A_703 = arith.muli %get3A_700, %mul3A_702 : vector<16xi32>
        %add3A_704 = arith.addi %mul3A_703, %broadcast_in_dim3A : vector<16xi32>
        %swap3A_705 = arith.index_cast %rem3A_634 : i32 to index
        %swap3A_706 = arith.constant 64 : index
        %swap3A_707 = tpu.vector_load %arg7[%swap3A_705, %swap3A_706] {strides = array<i32>} : memref<8x128xi32, #tpu.memory_space<vmem>>, vector<1x16xi32>,
        %swap3A_708 = vector.shape_cast %swap3A_707 : vector<1x16xi32> to vector<16xi32>
        %swap3A_709 = vector.shape_cast %add3A_704 : vector<16xi32> to vector<1x16xi32>
        tpu.vector_store %arg7[%swap3A_705, %swap3A_706], %swap3A_709 {strides = array<i32>} : memref<8x128xi32, #tpu.memory_space<vmem>>, vector<1x16xi32>,
        %get3A_710 = arith.constant 0 : i32
        %get3A_711 = arith.index_cast %rem3A_634 : i32 to index
        %get3A_712 = arith.index_cast %get3A_710 : i32 to index
        %get3A_713 = arith.constant 80 : index
        %get3A_714 = tpu.vector_load %arg6[%get3A_711, %get3A_712, %get3A_713] {strides = array<i32>} : memref<8x2x128xi32, #tpu.memory_space<vmem>>, vector<1x1x16xi32>,
        %get3A_715 = vector.shape_cast %get3A_714 : vector<1x1x16xi32> to vector<16xi32>
        %mul3A_716 = arith.constant 2 : i32
        %mul3A_717 = vector.broadcast %mul3A_716 : i32 to vector<16xi32>
        %mul3A_718 = arith.muli %get3A_715, %mul3A_717 : vector<16xi32>
        %add3A_719 = arith.addi %mul3A_718, %broadcast_in_dim3A : vector<16xi32>
        %swap3A_720 = arith.index_cast %rem3A_634 : i32 to index
        %swap3A_721 = arith.constant 80 : index
        %swap3A_722 = tpu.vector_load %arg7[%swap3A_720, %swap3A_721] {strides = array<i32>} : memref<8x128xi32, #tpu.memory_space<vmem>>, vector<1x16xi32>,
        %swap3A_723 = vector.shape_cast %swap3A_722 : vector<1x16xi32> to vector<16xi32>
        %swap3A_724 = vector.shape_cast %add3A_719 : vector<16xi32> to vector<1x16xi32>
        tpu.vector_store %arg7[%swap3A_720, %swap3A_721], %swap3A_724 {strides = array<i32>} : memref<8x128xi32, #tpu.memory_space<vmem>>, vector<1x16xi32>,
        %get3A_725 = arith.constant 0 : i32
        %get3A_726 = arith.index_cast %rem3A_634 : i32 to index
        %get3A_727 = arith.index_cast %get3A_725 : i32 to index
        %get3A_728 = arith.constant 96 : index
        %get3A_729 = tpu.vector_load %arg6[%get3A_726, %get3A_727, %get3A_728] {strides = array<i32>} : memref<8x2x128xi32, #tpu.memory_space<vmem>>, vector<1x1x16xi32>,
        %get3A_730 = vector.shape_cast %get3A_729 : vector<1x1x16xi32> to vector<16xi32>
        %mul3A_731 = arith.constant 2 : i32
        %mul3A_732 = vector.broadcast %mul3A_731 : i32 to vector<16xi32>
        %mul3A_733 = arith.muli %get3A_730, %mul3A_732 : vector<16xi32>
        %add3A_734 = arith.addi %mul3A_733, %broadcast_in_dim3A : vector<16xi32>
        %swap3A_735 = arith.index_cast %rem3A_634 : i32 to index
        %swap3A_736 = arith.constant 96 : index
        %swap3A_737 = tpu.vector_load %arg7[%swap3A_735, %swap3A_736] {strides = array<i32>} : memref<8x128xi32, #tpu.memory_space<vmem>>, vector<1x16xi32>,
        %swap3A_738 = vector.shape_cast %swap3A_737 : vector<1x16xi32> to vector<16xi32>
        %swap3A_739 = vector.shape_cast %add3A_734 : vector<16xi32> to vector<1x16xi32>
        tpu.vector_store %arg7[%swap3A_735, %swap3A_736], %swap3A_739 {strides = array<i32>} : memref<8x128xi32, #tpu.memory_space<vmem>>, vector<1x16xi32>,
        %get3A_740 = arith.constant 0 : i32
        %get3A_741 = arith.index_cast %rem3A_634 : i32 to index
        %get3A_742 = arith.index_cast %get3A_740 : i32 to index
        %get3A_743 = arith.constant 112 : index
        %get3A_744 = tpu.vector_load %arg6[%get3A_741, %get3A_742, %get3A_743] {strides = array<i32>} : memref<8x2x128xi32, #tpu.memory_space<vmem>>, vector<1x1x16xi32>,
        %get3A_745 = vector.shape_cast %get3A_744 : vector<1x1x16xi32> to vector<16xi32>
        %mul3A_746 = arith.constant 2 : i32
        %mul3A_747 = vector.broadcast %mul3A_746 : i32 to vector<16xi32>
        %mul3A_748 = arith.muli %get3A_745, %mul3A_747 : vector<16xi32>
        %add3A_749 = arith.addi %mul3A_748, %broadcast_in_dim3A : vector<16xi32>
        %swap3A_750 = arith.index_cast %rem3A_634 : i32 to index
        %swap3A_751 = arith.constant 112 : index
        %swap3A_752 = tpu.vector_load %arg7[%swap3A_750, %swap3A_751] {strides = array<i32>} : memref<8x128xi32, #tpu.memory_space<vmem>>, vector<1x16xi32>,
        %swap3A_753 = vector.shape_cast %swap3A_752 : vector<1x16xi32> to vector<16xi32>
        %swap3A_754 = vector.shape_cast %add3A_749 : vector<16xi32> to vector<1x16xi32>
        tpu.vector_store %arg7[%swap3A_750, %swap3A_751], %swap3A_754 {strides = array<i32>} : memref<8x128xi32, #tpu.memory_space<vmem>>, vector<1x16xi32>,
        %add3A_755 = arith.constant 3 : i32
        %add3A_756 = arith.addi %add3A_570, %add3A_755 : i32
        %rem3A_757 = arith.constant 8 : i32
        %rem3A_758 = arith.remsi %add3A_756, %rem3A_757 : i32
        %dma_start3A_759 = arith.constant 0 : i32
        %dma_start3A_760 = arith.constant 0 : i32
        %dma_start3A_761 = tpu.memref_slice %arg8[%rem3A_758, %dma_start3A_759, %dma_start3A_760] : memref<8x128x64xf32, #tpu.memory_space<vmem>> -> memref<1x128x64xf32, #tpu.memory_space<vmem>>
        %dma_start3A_762 = tpu.memref_squeeze %dma_start3A_761 : memref<1x128x64xf32, #tpu.memory_space<vmem>> -> memref<128x64xf32, #tpu.memory_space<vmem>>
        %dma_start3A_763 = arith.constant 0 : i32
        %dma_start3A_764 = tpu.memref_slice %arg7[%rem3A_758, %dma_start3A_763] : memref<8x128xi32, #tpu.memory_space<vmem>> -> memref<1x128xi32, #tpu.memory_space<vmem>>
        %dma_start3A_765 = tpu.memref_squeeze %dma_start3A_764 : memref<1x128xi32, #tpu.memory_space<vmem>> -> memref<128xi32, #tpu.memory_space<vmem>>
        %dma_start3A_766 = arith.constant 0 : i32
        %dma_start3A_767 = arith.constant 0 : i32
        %dma_start3A_768 = tpu.memref_slice %arg2[%dma_start3A_766, %dma_start3A_767] : memref<28672x64xf32, #tpu.memory_space<hbm>> -> memref<28672x64xf32, #tpu.memory_space<hbm>>
        tpu.enqueue_indirect_dma source(%dma_start3A_768 : memref<28672x64xf32, #tpu.memory_space<hbm>>) target(%dma_start3A_762 : memref<128x64xf32, #tpu.memory_space<vmem>>) offsets(%dma_start3A_765 : memref<128xi32, #tpu.memory_space<vmem>>) semaphore(%arg11 : memref<!tpu.dma_semaphore, #tpu.memory_space<semaphore_mem>>)
      } else {
      }
      %add3A_606 = arith.constant 4 : i32
      %add3A_607 = arith.addi %add3A_570, %add3A_606 : i32
      %lt3A_608 = arith.constant 224 : i32
      %lt3A_609 = arith.cmpi slt, %add3A_607, %lt3A_608 : i32
      %convert_element_type3A_610 = arith.extui %lt3A_609 : i1 to i32
      %cond3A_611 = arith.constant 0 : i32
      %cond3A_612 = arith.cmpi ne, %convert_element_type3A_610, %cond3A_611 : i32
      scf.if %cond3A_612 {
        %add3A_613 = arith.constant 4 : i32
        %add3A_614 = arith.addi %add3A_570, %add3A_613 : i32
        %mul3A_615 = arith.constant 128 : i32
        %mul3A_616 = arith.muli %add3A_614, %mul3A_615 : i32
        %add3A_617 = arith.addi %mul3A_4, %mul3A_616 : i32
        %rem3A_618 = arith.constant 8 : i32
        %rem3A_619 = arith.remsi %add3A_614, %rem3A_618 : i32
        %dma_start3A_620 = arith.constant 0 : i32
        %dma_start3A_621 = arith.constant 0 : i32
        %dma_start3A_622 = tpu.memref_slice %arg6[%rem3A_619, %dma_start3A_620, %dma_start3A_621] : memref<8x2x128xi32, #tpu.memory_space<vmem>> -> memref<1x2x128xi32, #tpu.memory_space<vmem>>
        %dma_start3A_623 = tpu.memref_squeeze %dma_start3A_622 : memref<1x2x128xi32, #tpu.memory_space<vmem>> -> memref<2x128xi32, #tpu.memory_space<vmem>>
        %dma_start3A_624 = arith.constant 0 : i32
        %dma_start3A_625 = tpu.memref_slice %arg3[%dma_start3A_624, %add3A_617] : memref<2x458752xi32, #tpu.memory_space<hbm>> -> memref<2x128xi32, #tpu.memory_space<hbm>>
        %dma_start3A_626 = arith.constant 0 : i32
        %dma_start3A_627 = arith.constant 0 : i32
        %dma_start3A_628 = tpu.memref_slice %arg6[%rem3A_619, %dma_start3A_626, %dma_start3A_627] : memref<8x2x128xi32, #tpu.memory_space<vmem>> -> memref<1x2x128xi32, #tpu.memory_space<vmem>>
        %dma_start3A_629 = tpu.memref_squeeze %dma_start3A_628 : memref<1x2x128xi32, #tpu.memory_space<vmem>> -> memref<2x128xi32, #tpu.memory_space<vmem>>
        %dma_start3A_630 = arith.constant 0 : i32
        %dma_start3A_631 = tpu.memref_slice %arg3[%dma_start3A_630, %add3A_617] : memref<2x458752xi32, #tpu.memory_space<hbm>> -> memref<2x128xi32, #tpu.memory_space<hbm>>
        tpu.enqueue_dma source(%dma_start3A_631 : memref<2x128xi32, #tpu.memory_space<hbm>>) target(%dma_start3A_629 : memref<2x128xi32, #tpu.memory_space<vmem>>) target_semaphore(%arg10 : memref<!tpu.dma_semaphore, #tpu.memory_space<semaphore_mem>>)
      } else {
      }
    }
    %scan3A_529 = arith.constant 224 : i32
    %rem3A_530 = arith.constant 222 : i32
    %rem3A_531 = arith.constant 8 : i32
    %rem3A_532 = arith.remsi %rem3A_530, %rem3A_531 : i32
    %dma_wait3A_533 = arith.constant 1 : i32
    %dma_wait3A_534 = arith.constant 0 : i32
    %dma_wait3A_535 = arith.constant 0 : i32
    %dma_wait3A_536 = tpu.memref_slice %arg8[%rem3A_532, %dma_wait3A_534, %dma_wait3A_535] : memref<8x128x64xf32, #tpu.memory_space<vmem>> -> memref<1x128x64xf32, #tpu.memory_space<vmem>>
    %dma_wait3A_537 = tpu.memref_squeeze %dma_wait3A_536 : memref<1x128x64xf32, #tpu.memory_space<vmem>> -> memref<128x64xf32, #tpu.memory_space<vmem>>
    %dma_wait3A_538 = arith.constant 0 : i32
    %dma_wait3A_539 = tpu.memref_slice %arg6[%rem3A_532, %dma_wait3A_533, %dma_wait3A_538] : memref<8x2x128xi32, #tpu.memory_space<vmem>> -> memref<1x1x128xi32, #tpu.memory_space<vmem>>
    %dma_wait3A_540 = tpu.memref_squeeze %dma_wait3A_539 : memref<1x1x128xi32, #tpu.memory_space<vmem>> -> memref<128xi32, #tpu.memory_space<vmem>>
    %dma_wait3A_541 = arith.constant 0 : i32
    %dma_wait3A_542 = arith.constant 0 : i32
    %dma_wait3A_543 = tpu.memref_slice %arg9[%dma_wait3A_541, %dma_wait3A_542] : memref<14336x64xf32, #tpu.memory_space<vmem_shared>> -> memref<14336x64xf32, #tpu.memory_space<vmem_shared>>
    tpu.wait_indirect_dma semaphore(%arg12 : memref<!tpu.dma_semaphore, #tpu.memory_space<semaphore_mem>>) src(%dma_wait3A_537 : memref<128x64xf32, #tpu.memory_space<vmem>>) dst(%dma_wait3A_543 : memref<14336x64xf32, #tpu.memory_space<vmem_shared>>)
    %rem3A_544 = arith.constant 223 : i32
    %rem3A_545 = arith.constant 8 : i32
    %rem3A_546 = arith.remsi %rem3A_544, %rem3A_545 : i32
    %dma_wait3A_547 = arith.constant 1 : i32
    %dma_wait3A_548 = arith.constant 0 : i32
    %dma_wait3A_549 = arith.constant 0 : i32
    %dma_wait3A_550 = tpu.memref_slice %arg8[%rem3A_546, %dma_wait3A_548, %dma_wait3A_549] : memref<8x128x64xf32, #tpu.memory_space<vmem>> -> memref<1x128x64xf32, #tpu.memory_space<vmem>>
    %dma_wait3A_551 = tpu.memref_squeeze %dma_wait3A_550 : memref<1x128x64xf32, #tpu.memory_space<vmem>> -> memref<128x64xf32, #tpu.memory_space<vmem>>
    %dma_wait3A_552 = arith.constant 0 : i32
    %dma_wait3A_553 = tpu.memref_slice %arg6[%rem3A_546, %dma_wait3A_547, %dma_wait3A_552] : memref<8x2x128xi32, #tpu.memory_space<vmem>> -> memref<1x1x128xi32, #tpu.memory_space<vmem>>
    %dma_wait3A_554 = tpu.memref_squeeze %dma_wait3A_553 : memref<1x1x128xi32, #tpu.memory_space<vmem>> -> memref<128xi32, #tpu.memory_space<vmem>>
    %dma_wait3A_555 = arith.constant 0 : i32
    %dma_wait3A_556 = arith.constant 0 : i32
    %dma_wait3A_557 = tpu.memref_slice %arg9[%dma_wait3A_555, %dma_wait3A_556] : memref<14336x64xf32, #tpu.memory_space<vmem_shared>> -> memref<14336x64xf32, #tpu.memory_space<vmem_shared>>
    tpu.wait_indirect_dma semaphore(%arg12 : memref<!tpu.dma_semaphore, #tpu.memory_space<semaphore_mem>>) src(%dma_wait3A_551 : memref<128x64xf32, #tpu.memory_space<vmem>>) dst(%dma_wait3A_557 : memref<14336x64xf32, #tpu.memory_space<vmem_shared>>)
    %barrier3A_558 = arith.constant 0 : index
    tpu.barrier barrier_id(%barrier3A_558)
    %eq3A = arith.constant 0 : i32
    %eq3A_559 = arith.cmpi eq, %arg0, %eq3A : i32
    %convert_element_type3A = arith.extui %eq3A_559 : i1 to i32
    %cond3A = arith.constant 0 : i32
    %cond3A_560 = arith.cmpi ne, %convert_element_type3A, %cond3A : i32
    scf.if %cond3A_560 {
      %mul3A_566 = arith.constant 896 : i32
      %mul3A_567 = arith.muli %arg1, %mul3A_566 : i32
      %mul3A_568 = arith.constant 896 : i32
      %mul3A_569 = arith.muli %arg1, %mul3A_568 : i32
      "tpu.region"() ({
        %run_scoped3A = tpu.sem_alloc : memref<!tpu.dma_semaphore, #tpu.memory_space<semaphore_mem>>
        %dma_start3A_570 = arith.constant 0 : i32
        %dma_start3A_571 = tpu.memref_slice %arg5[%mul3A_569, %dma_start3A_570] : memref<14336x128xf32, #tpu.memory_space<hbm>> -> memref<896x64xf32, #tpu.memory_space<hbm>>
        %dma_start3A_572 = arith.constant 0 : i32
        %dma_start3A_573 = tpu.memref_slice %arg9[%mul3A_567, %dma_start3A_572] : memref<14336x64xf32, #tpu.memory_space<vmem_shared>> -> memref<896x64xf32, #tpu.memory_space<vmem_shared>>
        tpu.enqueue_dma source(%dma_start3A_573 : memref<896x64xf32, #tpu.memory_space<vmem_shared>>) target(%dma_start3A_571 : memref<896x64xf32, #tpu.memory_space<hbm>>) target_semaphore(%run_scoped3A : memref<!tpu.dma_semaphore, #tpu.memory_space<semaphore_mem>>)
        %dma_wait3A_574 = arith.constant 0 : i32
        %dma_wait3A_575 = tpu.memref_slice %arg5[%mul3A_569, %dma_wait3A_574] : memref<14336x128xf32, #tpu.memory_space<hbm>> -> memref<896x64xf32, #tpu.memory_space<hbm>>
        %dma_wait3A_576 = arith.constant 0 : i32
        %dma_wait3A_577 = tpu.memref_slice %arg9[%mul3A_567, %dma_wait3A_576] : memref<14336x64xf32, #tpu.memory_space<vmem_shared>> -> memref<896x64xf32, #tpu.memory_space<vmem_shared>>
        tpu.wait_dma2 semaphore(%run_scoped3A : memref<!tpu.dma_semaphore, #tpu.memory_space<semaphore_mem>>) src(%dma_wait3A_577 : memref<896x64xf32, #tpu.memory_space<vmem_shared>>) dst(%dma_wait3A_575 : memref<896x64xf32, #tpu.memory_space<hbm>>)
        tpu.yield
      }) : () -> ()
    } else {
    }
    %eq3A_561 = arith.constant 1 : i32
    %eq3A_562 = arith.cmpi eq, %arg0, %eq3A_561 : i32
    %convert_element_type3A_563 = arith.extui %eq3A_562 : i1 to i32
    %cond3A_564 = arith.constant 0 : i32
    %cond3A_565 = arith.cmpi ne, %convert_element_type3A_563, %cond3A_564 : i32
    scf.if %cond3A_565 {
      %mul3A_566 = arith.constant 896 : i32
      %mul3A_567 = arith.muli %arg1, %mul3A_566 : i32
      %mul3A_568 = arith.constant 896 : i32
      %mul3A_569 = arith.muli %arg1, %mul3A_568 : i32
      "tpu.region"() ({
        %run_scoped3A = tpu.sem_alloc : memref<!tpu.dma_semaphore, #tpu.memory_space<semaphore_mem>>
        %dma_start3A_570 = arith.constant 64 : i32
        %dma_start3A_571 = tpu.memref_slice %arg5[%mul3A_569, %dma_start3A_570] : memref<14336x128xf32, #tpu.memory_space<hbm>> -> memref<896x64xf32, #tpu.memory_space<hbm>>
        %dma_start3A_572 = arith.constant 0 : i32
        %dma_start3A_573 = tpu.memref_slice %arg9[%mul3A_567, %dma_start3A_572] : memref<14336x64xf32, #tpu.memory_space<vmem_shared>> -> memref<896x64xf32, #tpu.memory_space<vmem_shared>>
        tpu.enqueue_dma source(%dma_start3A_573 : memref<896x64xf32, #tpu.memory_space<vmem_shared>>) target(%dma_start3A_571 : memref<896x64xf32, #tpu.memory_space<hbm>>) target_semaphore(%run_scoped3A : memref<!tpu.dma_semaphore, #tpu.memory_space<semaphore_mem>>)
        %dma_wait3A_574 = arith.constant 64 : i32
        %dma_wait3A_575 = tpu.memref_slice %arg5[%mul3A_569, %dma_wait3A_574] : memref<14336x128xf32, #tpu.memory_space<hbm>> -> memref<896x64xf32, #tpu.memory_space<hbm>>
        %dma_wait3A_576 = arith.constant 0 : i32
        %dma_wait3A_577 = tpu.memref_slice %arg9[%mul3A_567, %dma_wait3A_576] : memref<14336x64xf32, #tpu.memory_space<vmem_shared>> -> memref<896x64xf32, #tpu.memory_space<vmem_shared>>
        tpu.wait_dma2 semaphore(%run_scoped3A : memref<!tpu.dma_semaphore, #tpu.memory_space<semaphore_mem>>) src(%dma_wait3A_577 : memref<896x64xf32, #tpu.memory_space<vmem_shared>>) dst(%dma_wait3A_575 : memref<896x64xf32, #tpu.memory_space<hbm>>)
        tpu.yield
      }) : () -> ()
    } else {
    }
    return
  }
}

module attributes {stable_mosaic.version = 14 : i64} {
  func.func @_tc1_body(%arg0: i32, %arg1: memref<1792x128xf32, #tpu.memory_space<vmem>>, %arg2: memref<128x128xf32, #tpu.memory_space<vmem>>, %arg3: memref<1792x16xf32, #tpu.memory_space<vmem>>, %arg4: memref<1792x128xf32, #tpu.memory_space<vmem>>, %arg5: memref<1792x1xf32, #tpu.memory_space<vmem>>) attributes {dimension_semantics = [#tpu.dimension_semantics<arbitrary>], iteration_bounds = array<i64: 8>, scalar_prefetch = 0 : i64, scratch_operands = 0 : i64, tpu.core_type = #tpu.core_type<tc>, window_params = [{transform_indices = @transform_0, window_bounds = array<i64: 1792, 128>}, {pipeline_mode = #tpu.pipeline_mode<synchronous>, transform_indices = @transform_1, window_bounds = array<i64: 128, 128>}, {transform_indices = @transform_2, window_bounds = array<i64: 1792, 16>}, {transform_indices = @transform_3, window_bounds = array<i64: 1792, 128>}, {transform_indices = @transform_4, window_bounds = array<i64: 1792, 1>}]} {
    %get3A = arith.constant 0 : index
    %get3A_0 = arith.constant 0 : index
    %get3A_1 = vector.load %arg3[%get3A, %get3A_0] : memref<1792x16xf32, #tpu.memory_space<vmem>>, vector<1792x16xf32>
    %reduce_sum3A = arith.constant dense<0.000000e+00> : vector<1792xf32>
    %reduce_sum3A_2 = vector.multi_reduction <add>, %get3A_1, %reduce_sum3A [1] : vector<1792x16xf32> to vector<1792xf32>
    %broadcast_in_dim3A = vector.shape_cast %reduce_sum3A_2 : vector<1792xf32> to vector<1792x1xf32>
    %mul3A = arith.constant 1.250000e-01 : f32
    %mul3A_3 = vector.broadcast %mul3A : f32 to vector<1792x1xf32>
    %mul3A_4 = arith.mulf %broadcast_in_dim3A, %mul3A_3 : vector<1792x1xf32>
    %add3A = arith.constant 1.000000e+00 : f32
    %add3A_5 = vector.broadcast %add3A : f32 to vector<1792x1xf32>
    %add3A_6 = arith.addf %mul3A_4, %add3A_5 : vector<1792x1xf32>
    %rsqrt3A = math.rsqrt %add3A_6 : vector<1792x1xf32>
    %get3A_7 = arith.constant 0 : index
    %get3A_8 = arith.constant 0 : index
    %get3A_9 = vector.load %arg1[%get3A_7, %get3A_8] : memref<1792x128xf32, #tpu.memory_space<vmem>>, vector<1792x128xf32>
    %get3A_10 = arith.constant 0 : index
    %get3A_11 = arith.constant 0 : index
    %get3A_12 = vector.load %arg2[%get3A_10, %get3A_11] : memref<128x128xf32, #tpu.memory_space<vmem>>, vector<128x128xf32>
    %dot_general3A = arith.constant dense<0.000000e+00> : vector<1792x128xf32>
    %dot_general3A_13 = tpu.matmul %get3A_9, %get3A_12, %dot_general3A {dimension_numbers = #tpu.dot_dimension_numbers<[1], [0], [0], [1], [0, 0, 1, 1], [], []>, transpose_lhs_hint = false} : vector<1792x128xf32>, vector<128x128xf32>, vector<1792x128xf32> -> vector<1792x128xf32>
    %mul3A_14 = vector.broadcast %rsqrt3A : vector<1792x1xf32> to vector<1792x128xf32>
    %mul3A_15 = arith.mulf %dot_general3A_13, %mul3A_14 : vector<1792x128xf32>
    %swap3A = arith.constant 0 : index
    %swap3A_16 = arith.constant 0 : index
    %swap3A_17 = vector.load %arg4[%swap3A, %swap3A_16] : memref<1792x128xf32, #tpu.memory_space<vmem>>, vector<1792x128xf32>
    tpu.vector_store %arg4[%swap3A, %swap3A_16], %mul3A_15 {strides = array<i32>} : memref<1792x128xf32, #tpu.memory_space<vmem>>, vector<1792x128xf32>,
    %swap3A_18 = arith.constant 0 : index
    %swap3A_19 = arith.constant 0 : index
    %swap3A_20 = vector.load %arg5[%swap3A_18, %swap3A_19] : memref<1792x1xf32, #tpu.memory_space<vmem>>, vector<1792x1xf32>
    tpu.vector_store %arg5[%swap3A_18, %swap3A_19], %rsqrt3A {strides = array<i32>} : memref<1792x1xf32, #tpu.memory_space<vmem>>, vector<1792x1xf32>,
    return
  }
  func.func @transform_0(%arg0: i32) -> (i32, i32) {
    %c0_i32 = arith.constant 0 : i32
    %c0_i32_0 = arith.constant 0 : i32
    return %arg0, %c0_i32 : i32, i32
  }
  func.func @transform_1(%arg0: i32) -> (i32, i32) {
    %c0_i32 = arith.constant 0 : i32
    %c0_i32_0 = arith.constant 0 : i32
    %c0_i32_1 = arith.constant 0 : i32
    return %c0_i32, %c0_i32_0 : i32, i32
  }
  func.func @transform_2(%arg0: i32) -> (i32, i32) {
    %c0_i32 = arith.constant 0 : i32
    %c0_i32_0 = arith.constant 0 : i32
    return %arg0, %c0_i32 : i32, i32
  }
  func.func @transform_3(%arg0: i32) -> (i32, i32) {
    %c0_i32 = arith.constant 0 : i32
    %c0_i32_0 = arith.constant 0 : i32
    return %arg0, %c0_i32 : i32, i32
  }
  func.func @transform_4(%arg0: i32) -> (i32, i32) {
    %c0_i32 = arith.constant 0 : i32
    %c0_i32_0 = arith.constant 0 : i32
    return %arg0, %c0_i32 : i32, i32
  }
}

module attributes {stable_mosaic.version = 14 : i64} {
  func.func @_tc2_body(%arg0: i32, %arg1: memref<128x14x128xf32, #tpu.memory_space<vmem>>, %arg2: memref<128x14x128xf32, #tpu.memory_space<vmem>>, %arg3: memref<128x14x128xf32, #tpu.memory_space<vmem>>, %arg4: memref<128x14x1xf32, #tpu.memory_space<vmem>>, %arg5: memref<128x28xf32, #tpu.memory_space<vmem>>, %arg6: memref<1x128xf32, #tpu.memory_space<vmem>>, %arg7: memref<128x64xf32, #tpu.memory_space<vmem>>, %arg8: memref<128x64xf32, #tpu.memory_space<vmem>>, %arg9: memref<1x64xf32, #tpu.memory_space<vmem>>, %arg10: memref<1x64xf32, #tpu.memory_space<vmem>>, %arg11: memref<64x64xf32, #tpu.memory_space<vmem>>, %arg12: memref<1x64xf32, #tpu.memory_space<vmem>>, %arg13: memref<64x1xf32, #tpu.memory_space<vmem>>, %arg14: memref<1x1xf32, #tpu.memory_space<vmem>>, %arg15: memref<128x1xf32, #tpu.memory_space<vmem>>, %arg16: memref<14x128x64xf32, #tpu.memory_space<vmem>>, %arg17: memref<14x128x64xf32, #tpu.memory_space<vmem>>) attributes {dimension_semantics = [#tpu.dimension_semantics<arbitrary>], iteration_bounds = array<i64: 8>, scalar_prefetch = 0 : i64, scratch_operands = 2 : i64, tpu.core_type = #tpu.core_type<tc>, window_params = [{transform_indices = @transform_0, window_bounds = array<i64: 128, 14, 128>}, {transform_indices = @transform_1, window_bounds = array<i64: 128, 14, 128>}, {transform_indices = @transform_2, window_bounds = array<i64: 128, 14, 128>}, {transform_indices = @transform_3, window_bounds = array<i64: 128, 14, 1>}, {transform_indices = @transform_4, window_bounds = array<i64: 128, 28>}, {pipeline_mode = #tpu.pipeline_mode<synchronous>, transform_indices = @transform_5, window_bounds = array<i64: 1, 128>}, {pipeline_mode = #tpu.pipeline_mode<synchronous>, transform_indices = @transform_6, window_bounds = array<i64: 128, 64>}, {pipeline_mode = #tpu.pipeline_mode<synchronous>, transform_indices = @transform_7, window_bounds = array<i64: 128, 64>}, {pipeline_mode = #tpu.pipeline_mode<synchronous>, transform_indices = @transform_8, window_bounds = array<i64: 1, 64>}, {pipeline_mode = #tpu.pipeline_mode<synchronous>, transform_indices = @transform_9, window_bounds = array<i64: 1, 64>}, {pipeline_mode = #tpu.pipeline_mode<synchronous>, transform_indices = @transform_10, window_bounds = array<i64: 64, 64>}, {pipeline_mode = #tpu.pipeline_mode<synchronous>, transform_indices = @transform_11, window_bounds = array<i64: 1, 64>}, {pipeline_mode = #tpu.pipeline_mode<synchronous>, transform_indices = @transform_12, window_bounds = array<i64: 64, 1>}, {pipeline_mode = #tpu.pipeline_mode<synchronous>, transform_indices = @transform_13, window_bounds = array<i64: 1, 1>}, {transform_indices = @transform_14, window_bounds = array<i64: 128, 1>}]} {
    %get3A = arith.constant 0 : index
    %get3A_0 = arith.constant 0 : index
    %get3A_1 = vector.load %arg7[%get3A, %get3A_0] : memref<128x64xf32, #tpu.memory_space<vmem>>, vector<128x64xf32>
    %get3A_2 = arith.constant 0 : index
    %get3A_3 = arith.constant 0 : index
    %get3A_4 = vector.load %arg8[%get3A_2, %get3A_3] : memref<128x64xf32, #tpu.memory_space<vmem>>, vector<128x64xf32>
    %get3A_5 = arith.constant 0 : index
    %get3A_6 = arith.constant 0 : index
    %get3A_7 = vector.load %arg6[%get3A_5, %get3A_6] : memref<1x128xf32, #tpu.memory_space<vmem>>, vector<1x128xf32>
    %get3A_8 = arith.constant 0 : index
    %get3A_9 = arith.constant 0 : index
    %get3A_10 = arith.constant 0 : index
    %get3A_11 = vector.load %arg1[%get3A_8, %get3A_9, %get3A_10] : memref<128x14x128xf32, #tpu.memory_space<vmem>>, vector<128x1x128xf32>
    %get3A_12 = vector.shape_cast %get3A_11 : vector<128x1x128xf32> to vector<128x128xf32>
    %get3A_13 = arith.constant 0 : index
    %get3A_14 = arith.constant 0 : index
    %get3A_15 = arith.constant 0 : index
    %get3A_16 = vector.load %arg2[%get3A_13, %get3A_14, %get3A_15] : memref<128x14x128xf32, #tpu.memory_space<vmem>>, vector<128x1x128xf32>
    %get3A_17 = vector.shape_cast %get3A_16 : vector<128x1x128xf32> to vector<128x128xf32>
    %add3A = arith.addf %get3A_12, %get3A_17 : vector<128x128xf32>
    %get3A_18 = arith.constant 0 : index
    %get3A_19 = arith.constant 0 : index
    %get3A_20 = arith.constant 0 : index
    %get3A_21 = vector.load %arg4[%get3A_18, %get3A_19, %get3A_20] : memref<128x14x1xf32, #tpu.memory_space<vmem>>, vector<128x1x1xf32>
    %get3A_22 = vector.shape_cast %get3A_21 : vector<128x1x1xf32> to vector<128x1xf32>
    %mul3A = vector.broadcast %get3A_22 : vector<128x1xf32> to vector<128x128xf32>
    %mul3A_23 = arith.mulf %add3A, %mul3A : vector<128x128xf32>
    %add3A_24 = vector.broadcast %get3A_7 : vector<1x128xf32> to vector<128x128xf32>
    %add3A_25 = arith.addf %mul3A_23, %add3A_24 : vector<128x128xf32>
    %max3A = arith.constant 0.000000e+00 : f32
    %max3A_26 = vector.broadcast %max3A : f32 to vector<128x128xf32>
    %max3A_27 = arith.maximumf %add3A_25, %max3A_26 : vector<128x128xf32>
    %get3A_28 = arith.constant 0 : index
    %get3A_29 = arith.constant 0 : index
    %get3A_30 = arith.constant 0 : index
    %get3A_31 = vector.load %arg3[%get3A_28, %get3A_29, %get3A_30] : memref<128x14x128xf32, #tpu.memory_space<vmem>>, vector<128x1x128xf32>
    %get3A_32 = vector.shape_cast %get3A_31 : vector<128x1x128xf32> to vector<128x128xf32>
    %add3A_33 = arith.addf %max3A_27, %get3A_32 : vector<128x128xf32>
    %dot_general3A = arith.constant dense<0.000000e+00> : vector<128x64xf32>
    %dot_general3A_34 = tpu.matmul %add3A_33, %get3A_1, %dot_general3A {dimension_numbers = #tpu.dot_dimension_numbers<[1], [0], [0], [1], [0, 0, 1, 1], [], []>, transpose_lhs_hint = false} : vector<128x128xf32>, vector<128x64xf32>, vector<128x64xf32> -> vector<128x64xf32>
    %swap3A = arith.constant 0 : index
    %swap3A_35 = arith.constant 0 : index
    %swap3A_36 = arith.constant 0 : index
    %swap3A_37 = vector.load %arg16[%swap3A, %swap3A_35, %swap3A_36] : memref<14x128x64xf32, #tpu.memory_space<vmem>>, vector<1x128x64xf32>
    %swap3A_38 = vector.shape_cast %swap3A_37 : vector<1x128x64xf32> to vector<128x64xf32>
    %swap3A_39 = vector.shape_cast %dot_general3A_34 : vector<128x64xf32> to vector<1x128x64xf32>
    tpu.vector_store %arg16[%swap3A, %swap3A_35, %swap3A_36], %swap3A_39 {strides = array<i32>} : memref<14x128x64xf32, #tpu.memory_space<vmem>>, vector<1x128x64xf32>,
    %dot_general3A_40 = arith.constant dense<0.000000e+00> : vector<128x64xf32>
    %dot_general3A_41 = tpu.matmul %add3A_33, %get3A_4, %dot_general3A_40 {dimension_numbers = #tpu.dot_dimension_numbers<[1], [0], [0], [1], [0, 0, 1, 1], [], []>, transpose_lhs_hint = false} : vector<128x128xf32>, vector<128x64xf32>, vector<128x64xf32> -> vector<128x64xf32>
    %swap3A_42 = arith.constant 0 : index
    %swap3A_43 = arith.constant 0 : index
    %swap3A_44 = arith.constant 0 : index
    %swap3A_45 = vector.load %arg17[%swap3A_42, %swap3A_43, %swap3A_44] : memref<14x128x64xf32, #tpu.memory_space<vmem>>, vector<1x128x64xf32>
    %swap3A_46 = vector.shape_cast %swap3A_45 : vector<1x128x64xf32> to vector<128x64xf32>
    %swap3A_47 = vector.shape_cast %dot_general3A_41 : vector<128x64xf32> to vector<1x128x64xf32>
    tpu.vector_store %arg17[%swap3A_42, %swap3A_43, %swap3A_44], %swap3A_47 {strides = array<i32>} : memref<14x128x64xf32, #tpu.memory_space<vmem>>, vector<1x128x64xf32>,
    %get3A_48 = arith.constant 0 : index
    %get3A_49 = arith.constant 1 : index
    %get3A_50 = arith.constant 0 : index
    %get3A_51 = vector.load %arg1[%get3A_48, %get3A_49, %get3A_50] : memref<128x14x128xf32, #tpu.memory_space<vmem>>, vector<128x1x128xf32>
    %get3A_52 = vector.shape_cast %get3A_51 : vector<128x1x128xf32> to vector<128x128xf32>
    %get3A_53 = arith.constant 0 : index
    %get3A_54 = arith.constant 1 : index
    %get3A_55 = arith.constant 0 : index
    %get3A_56 = vector.load %arg2[%get3A_53, %get3A_54, %get3A_55] : memref<128x14x128xf32, #tpu.memory_space<vmem>>, vector<128x1x128xf32>
    %get3A_57 = vector.shape_cast %get3A_56 : vector<128x1x128xf32> to vector<128x128xf32>
    %add3A_58 = arith.addf %get3A_52, %get3A_57 : vector<128x128xf32>
    %get3A_59 = arith.constant 0 : index
    %get3A_60 = arith.constant 1 : index
    %get3A_61 = arith.constant 0 : index
    %get3A_62 = vector.load %arg4[%get3A_59, %get3A_60, %get3A_61] : memref<128x14x1xf32, #tpu.memory_space<vmem>>, vector<128x1x1xf32>
    %get3A_63 = vector.shape_cast %get3A_62 : vector<128x1x1xf32> to vector<128x1xf32>
    %mul3A_64 = vector.broadcast %get3A_63 : vector<128x1xf32> to vector<128x128xf32>
    %mul3A_65 = arith.mulf %add3A_58, %mul3A_64 : vector<128x128xf32>
    %add3A_66 = vector.broadcast %get3A_7 : vector<1x128xf32> to vector<128x128xf32>
    %add3A_67 = arith.addf %mul3A_65, %add3A_66 : vector<128x128xf32>
    %max3A_68 = arith.constant 0.000000e+00 : f32
    %max3A_69 = vector.broadcast %max3A_68 : f32 to vector<128x128xf32>
    %max3A_70 = arith.maximumf %add3A_67, %max3A_69 : vector<128x128xf32>
    %get3A_71 = arith.constant 0 : index
    %get3A_72 = arith.constant 1 : index
    %get3A_73 = arith.constant 0 : index
    %get3A_74 = vector.load %arg3[%get3A_71, %get3A_72, %get3A_73] : memref<128x14x128xf32, #tpu.memory_space<vmem>>, vector<128x1x128xf32>
    %get3A_75 = vector.shape_cast %get3A_74 : vector<128x1x128xf32> to vector<128x128xf32>
    %add3A_76 = arith.addf %max3A_70, %get3A_75 : vector<128x128xf32>
    %dot_general3A_77 = arith.constant dense<0.000000e+00> : vector<128x64xf32>
    %dot_general3A_78 = tpu.matmul %add3A_76, %get3A_1, %dot_general3A_77 {dimension_numbers = #tpu.dot_dimension_numbers<[1], [0], [0], [1], [0, 0, 1, 1], [], []>, transpose_lhs_hint = false} : vector<128x128xf32>, vector<128x64xf32>, vector<128x64xf32> -> vector<128x64xf32>
    %swap3A_79 = arith.constant 1 : index
    %swap3A_80 = arith.constant 0 : index
    %swap3A_81 = arith.constant 0 : index
    %swap3A_82 = vector.load %arg16[%swap3A_79, %swap3A_80, %swap3A_81] : memref<14x128x64xf32, #tpu.memory_space<vmem>>, vector<1x128x64xf32>
    %swap3A_83 = vector.shape_cast %swap3A_82 : vector<1x128x64xf32> to vector<128x64xf32>
    %swap3A_84 = vector.shape_cast %dot_general3A_78 : vector<128x64xf32> to vector<1x128x64xf32>
    tpu.vector_store %arg16[%swap3A_79, %swap3A_80, %swap3A_81], %swap3A_84 {strides = array<i32>} : memref<14x128x64xf32, #tpu.memory_space<vmem>>, vector<1x128x64xf32>,
    %dot_general3A_85 = arith.constant dense<0.000000e+00> : vector<128x64xf32>
    %dot_general3A_86 = tpu.matmul %add3A_76, %get3A_4, %dot_general3A_85 {dimension_numbers = #tpu.dot_dimension_numbers<[1], [0], [0], [1], [0, 0, 1, 1], [], []>, transpose_lhs_hint = false} : vector<128x128xf32>, vector<128x64xf32>, vector<128x64xf32> -> vector<128x64xf32>
    %swap3A_87 = arith.constant 1 : index
    %swap3A_88 = arith.constant 0 : index
    %swap3A_89 = arith.constant 0 : index
    %swap3A_90 = vector.load %arg17[%swap3A_87, %swap3A_88, %swap3A_89] : memref<14x128x64xf32, #tpu.memory_space<vmem>>, vector<1x128x64xf32>
    %swap3A_91 = vector.shape_cast %swap3A_90 : vector<1x128x64xf32> to vector<128x64xf32>
    %swap3A_92 = vector.shape_cast %dot_general3A_86 : vector<128x64xf32> to vector<1x128x64xf32>
    tpu.vector_store %arg17[%swap3A_87, %swap3A_88, %swap3A_89], %swap3A_92 {strides = array<i32>} : memref<14x128x64xf32, #tpu.memory_space<vmem>>, vector<1x128x64xf32>,
    %get3A_93 = arith.constant 0 : index
    %get3A_94 = arith.constant 2 : index
    %get3A_95 = arith.constant 0 : index
    %get3A_96 = vector.load %arg1[%get3A_93, %get3A_94, %get3A_95] : memref<128x14x128xf32, #tpu.memory_space<vmem>>, vector<128x1x128xf32>
    %get3A_97 = vector.shape_cast %get3A_96 : vector<128x1x128xf32> to vector<128x128xf32>
    %get3A_98 = arith.constant 0 : index
    %get3A_99 = arith.constant 2 : index
    %get3A_100 = arith.constant 0 : index
    %get3A_101 = vector.load %arg2[%get3A_98, %get3A_99, %get3A_100] : memref<128x14x128xf32, #tpu.memory_space<vmem>>, vector<128x1x128xf32>
    %get3A_102 = vector.shape_cast %get3A_101 : vector<128x1x128xf32> to vector<128x128xf32>
    %add3A_103 = arith.addf %get3A_97, %get3A_102 : vector<128x128xf32>
    %get3A_104 = arith.constant 0 : index
    %get3A_105 = arith.constant 2 : index
    %get3A_106 = arith.constant 0 : index
    %get3A_107 = vector.load %arg4[%get3A_104, %get3A_105, %get3A_106] : memref<128x14x1xf32, #tpu.memory_space<vmem>>, vector<128x1x1xf32>
    %get3A_108 = vector.shape_cast %get3A_107 : vector<128x1x1xf32> to vector<128x1xf32>
    %mul3A_109 = vector.broadcast %get3A_108 : vector<128x1xf32> to vector<128x128xf32>
    %mul3A_110 = arith.mulf %add3A_103, %mul3A_109 : vector<128x128xf32>
    %add3A_111 = vector.broadcast %get3A_7 : vector<1x128xf32> to vector<128x128xf32>
    %add3A_112 = arith.addf %mul3A_110, %add3A_111 : vector<128x128xf32>
    %max3A_113 = arith.constant 0.000000e+00 : f32
    %max3A_114 = vector.broadcast %max3A_113 : f32 to vector<128x128xf32>
    %max3A_115 = arith.maximumf %add3A_112, %max3A_114 : vector<128x128xf32>
    %get3A_116 = arith.constant 0 : index
    %get3A_117 = arith.constant 2 : index
    %get3A_118 = arith.constant 0 : index
    %get3A_119 = vector.load %arg3[%get3A_116, %get3A_117, %get3A_118] : memref<128x14x128xf32, #tpu.memory_space<vmem>>, vector<128x1x128xf32>
    %get3A_120 = vector.shape_cast %get3A_119 : vector<128x1x128xf32> to vector<128x128xf32>
    %add3A_121 = arith.addf %max3A_115, %get3A_120 : vector<128x128xf32>
    %dot_general3A_122 = arith.constant dense<0.000000e+00> : vector<128x64xf32>
    %dot_general3A_123 = tpu.matmul %add3A_121, %get3A_1, %dot_general3A_122 {dimension_numbers = #tpu.dot_dimension_numbers<[1], [0], [0], [1], [0, 0, 1, 1], [], []>, transpose_lhs_hint = false} : vector<128x128xf32>, vector<128x64xf32>, vector<128x64xf32> -> vector<128x64xf32>
    %swap3A_124 = arith.constant 2 : index
    %swap3A_125 = arith.constant 0 : index
    %swap3A_126 = arith.constant 0 : index
    %swap3A_127 = vector.load %arg16[%swap3A_124, %swap3A_125, %swap3A_126] : memref<14x128x64xf32, #tpu.memory_space<vmem>>, vector<1x128x64xf32>
    %swap3A_128 = vector.shape_cast %swap3A_127 : vector<1x128x64xf32> to vector<128x64xf32>
    %swap3A_129 = vector.shape_cast %dot_general3A_123 : vector<128x64xf32> to vector<1x128x64xf32>
    tpu.vector_store %arg16[%swap3A_124, %swap3A_125, %swap3A_126], %swap3A_129 {strides = array<i32>} : memref<14x128x64xf32, #tpu.memory_space<vmem>>, vector<1x128x64xf32>,
    %dot_general3A_130 = arith.constant dense<0.000000e+00> : vector<128x64xf32>
    %dot_general3A_131 = tpu.matmul %add3A_121, %get3A_4, %dot_general3A_130 {dimension_numbers = #tpu.dot_dimension_numbers<[1], [0], [0], [1], [0, 0, 1, 1], [], []>, transpose_lhs_hint = false} : vector<128x128xf32>, vector<128x64xf32>, vector<128x64xf32> -> vector<128x64xf32>
    %swap3A_132 = arith.constant 2 : index
    %swap3A_133 = arith.constant 0 : index
    %swap3A_134 = arith.constant 0 : index
    %swap3A_135 = vector.load %arg17[%swap3A_132, %swap3A_133, %swap3A_134] : memref<14x128x64xf32, #tpu.memory_space<vmem>>, vector<1x128x64xf32>
    %swap3A_136 = vector.shape_cast %swap3A_135 : vector<1x128x64xf32> to vector<128x64xf32>
    %swap3A_137 = vector.shape_cast %dot_general3A_131 : vector<128x64xf32> to vector<1x128x64xf32>
    tpu.vector_store %arg17[%swap3A_132, %swap3A_133, %swap3A_134], %swap3A_137 {strides = array<i32>} : memref<14x128x64xf32, #tpu.memory_space<vmem>>, vector<1x128x64xf32>,
    %get3A_138 = arith.constant 0 : index
    %get3A_139 = arith.constant 3 : index
    %get3A_140 = arith.constant 0 : index
    %get3A_141 = vector.load %arg1[%get3A_138, %get3A_139, %get3A_140] : memref<128x14x128xf32, #tpu.memory_space<vmem>>, vector<128x1x128xf32>
    %get3A_142 = vector.shape_cast %get3A_141 : vector<128x1x128xf32> to vector<128x128xf32>
    %get3A_143 = arith.constant 0 : index
    %get3A_144 = arith.constant 3 : index
    %get3A_145 = arith.constant 0 : index
    %get3A_146 = vector.load %arg2[%get3A_143, %get3A_144, %get3A_145] : memref<128x14x128xf32, #tpu.memory_space<vmem>>, vector<128x1x128xf32>
    %get3A_147 = vector.shape_cast %get3A_146 : vector<128x1x128xf32> to vector<128x128xf32>
    %add3A_148 = arith.addf %get3A_142, %get3A_147 : vector<128x128xf32>
    %get3A_149 = arith.constant 0 : index
    %get3A_150 = arith.constant 3 : index
    %get3A_151 = arith.constant 0 : index
    %get3A_152 = vector.load %arg4[%get3A_149, %get3A_150, %get3A_151] : memref<128x14x1xf32, #tpu.memory_space<vmem>>, vector<128x1x1xf32>
    %get3A_153 = vector.shape_cast %get3A_152 : vector<128x1x1xf32> to vector<128x1xf32>
    %mul3A_154 = vector.broadcast %get3A_153 : vector<128x1xf32> to vector<128x128xf32>
    %mul3A_155 = arith.mulf %add3A_148, %mul3A_154 : vector<128x128xf32>
    %add3A_156 = vector.broadcast %get3A_7 : vector<1x128xf32> to vector<128x128xf32>
    %add3A_157 = arith.addf %mul3A_155, %add3A_156 : vector<128x128xf32>
    %max3A_158 = arith.constant 0.000000e+00 : f32
    %max3A_159 = vector.broadcast %max3A_158 : f32 to vector<128x128xf32>
    %max3A_160 = arith.maximumf %add3A_157, %max3A_159 : vector<128x128xf32>
    %get3A_161 = arith.constant 0 : index
    %get3A_162 = arith.constant 3 : index
    %get3A_163 = arith.constant 0 : index
    %get3A_164 = vector.load %arg3[%get3A_161, %get3A_162, %get3A_163] : memref<128x14x128xf32, #tpu.memory_space<vmem>>, vector<128x1x128xf32>
    %get3A_165 = vector.shape_cast %get3A_164 : vector<128x1x128xf32> to vector<128x128xf32>
    %add3A_166 = arith.addf %max3A_160, %get3A_165 : vector<128x128xf32>
    %dot_general3A_167 = arith.constant dense<0.000000e+00> : vector<128x64xf32>
    %dot_general3A_168 = tpu.matmul %add3A_166, %get3A_1, %dot_general3A_167 {dimension_numbers = #tpu.dot_dimension_numbers<[1], [0], [0], [1], [0, 0, 1, 1], [], []>, transpose_lhs_hint = false} : vector<128x128xf32>, vector<128x64xf32>, vector<128x64xf32> -> vector<128x64xf32>
    %swap3A_169 = arith.constant 3 : index
    %swap3A_170 = arith.constant 0 : index
    %swap3A_171 = arith.constant 0 : index
    %swap3A_172 = vector.load %arg16[%swap3A_169, %swap3A_170, %swap3A_171] : memref<14x128x64xf32, #tpu.memory_space<vmem>>, vector<1x128x64xf32>
    %swap3A_173 = vector.shape_cast %swap3A_172 : vector<1x128x64xf32> to vector<128x64xf32>
    %swap3A_174 = vector.shape_cast %dot_general3A_168 : vector<128x64xf32> to vector<1x128x64xf32>
    tpu.vector_store %arg16[%swap3A_169, %swap3A_170, %swap3A_171], %swap3A_174 {strides = array<i32>} : memref<14x128x64xf32, #tpu.memory_space<vmem>>, vector<1x128x64xf32>,
    %dot_general3A_175 = arith.constant dense<0.000000e+00> : vector<128x64xf32>
    %dot_general3A_176 = tpu.matmul %add3A_166, %get3A_4, %dot_general3A_175 {dimension_numbers = #tpu.dot_dimension_numbers<[1], [0], [0], [1], [0, 0, 1, 1], [], []>, transpose_lhs_hint = false} : vector<128x128xf32>, vector<128x64xf32>, vector<128x64xf32> -> vector<128x64xf32>
    %swap3A_177 = arith.constant 3 : index
    %swap3A_178 = arith.constant 0 : index
    %swap3A_179 = arith.constant 0 : index
    %swap3A_180 = vector.load %arg17[%swap3A_177, %swap3A_178, %swap3A_179] : memref<14x128x64xf32, #tpu.memory_space<vmem>>, vector<1x128x64xf32>
    %swap3A_181 = vector.shape_cast %swap3A_180 : vector<1x128x64xf32> to vector<128x64xf32>
    %swap3A_182 = vector.shape_cast %dot_general3A_176 : vector<128x64xf32> to vector<1x128x64xf32>
    tpu.vector_store %arg17[%swap3A_177, %swap3A_178, %swap3A_179], %swap3A_182 {strides = array<i32>} : memref<14x128x64xf32, #tpu.memory_space<vmem>>, vector<1x128x64xf32>,
    %get3A_183 = arith.constant 0 : index
    %get3A_184 = arith.constant 4 : index
    %get3A_185 = arith.constant 0 : index
    %get3A_186 = vector.load %arg1[%get3A_183, %get3A_184, %get3A_185] : memref<128x14x128xf32, #tpu.memory_space<vmem>>, vector<128x1x128xf32>
    %get3A_187 = vector.shape_cast %get3A_186 : vector<128x1x128xf32> to vector<128x128xf32>
    %get3A_188 = arith.constant 0 : index
    %get3A_189 = arith.constant 4 : index
    %get3A_190 = arith.constant 0 : index
    %get3A_191 = vector.load %arg2[%get3A_188, %get3A_189, %get3A_190] : memref<128x14x128xf32, #tpu.memory_space<vmem>>, vector<128x1x128xf32>
    %get3A_192 = vector.shape_cast %get3A_191 : vector<128x1x128xf32> to vector<128x128xf32>
    %add3A_193 = arith.addf %get3A_187, %get3A_192 : vector<128x128xf32>
    %get3A_194 = arith.constant 0 : index
    %get3A_195 = arith.constant 4 : index
    %get3A_196 = arith.constant 0 : index
    %get3A_197 = vector.load %arg4[%get3A_194, %get3A_195, %get3A_196] : memref<128x14x1xf32, #tpu.memory_space<vmem>>, vector<128x1x1xf32>
    %get3A_198 = vector.shape_cast %get3A_197 : vector<128x1x1xf32> to vector<128x1xf32>
    %mul3A_199 = vector.broadcast %get3A_198 : vector<128x1xf32> to vector<128x128xf32>
    %mul3A_200 = arith.mulf %add3A_193, %mul3A_199 : vector<128x128xf32>
    %add3A_201 = vector.broadcast %get3A_7 : vector<1x128xf32> to vector<128x128xf32>
    %add3A_202 = arith.addf %mul3A_200, %add3A_201 : vector<128x128xf32>
    %max3A_203 = arith.constant 0.000000e+00 : f32
    %max3A_204 = vector.broadcast %max3A_203 : f32 to vector<128x128xf32>
    %max3A_205 = arith.maximumf %add3A_202, %max3A_204 : vector<128x128xf32>
    %get3A_206 = arith.constant 0 : index
    %get3A_207 = arith.constant 4 : index
    %get3A_208 = arith.constant 0 : index
    %get3A_209 = vector.load %arg3[%get3A_206, %get3A_207, %get3A_208] : memref<128x14x128xf32, #tpu.memory_space<vmem>>, vector<128x1x128xf32>
    %get3A_210 = vector.shape_cast %get3A_209 : vector<128x1x128xf32> to vector<128x128xf32>
    %add3A_211 = arith.addf %max3A_205, %get3A_210 : vector<128x128xf32>
    %dot_general3A_212 = arith.constant dense<0.000000e+00> : vector<128x64xf32>
    %dot_general3A_213 = tpu.matmul %add3A_211, %get3A_1, %dot_general3A_212 {dimension_numbers = #tpu.dot_dimension_numbers<[1], [0], [0], [1], [0, 0, 1, 1], [], []>, transpose_lhs_hint = false} : vector<128x128xf32>, vector<128x64xf32>, vector<128x64xf32> -> vector<128x64xf32>
    %swap3A_214 = arith.constant 4 : index
    %swap3A_215 = arith.constant 0 : index
    %swap3A_216 = arith.constant 0 : index
    %swap3A_217 = vector.load %arg16[%swap3A_214, %swap3A_215, %swap3A_216] : memref<14x128x64xf32, #tpu.memory_space<vmem>>, vector<1x128x64xf32>
    %swap3A_218 = vector.shape_cast %swap3A_217 : vector<1x128x64xf32> to vector<128x64xf32>
    %swap3A_219 = vector.shape_cast %dot_general3A_213 : vector<128x64xf32> to vector<1x128x64xf32>
    tpu.vector_store %arg16[%swap3A_214, %swap3A_215, %swap3A_216], %swap3A_219 {strides = array<i32>} : memref<14x128x64xf32, #tpu.memory_space<vmem>>, vector<1x128x64xf32>,
    %dot_general3A_220 = arith.constant dense<0.000000e+00> : vector<128x64xf32>
    %dot_general3A_221 = tpu.matmul %add3A_211, %get3A_4, %dot_general3A_220 {dimension_numbers = #tpu.dot_dimension_numbers<[1], [0], [0], [1], [0, 0, 1, 1], [], []>, transpose_lhs_hint = false} : vector<128x128xf32>, vector<128x64xf32>, vector<128x64xf32> -> vector<128x64xf32>
    %swap3A_222 = arith.constant 4 : index
    %swap3A_223 = arith.constant 0 : index
    %swap3A_224 = arith.constant 0 : index
    %swap3A_225 = vector.load %arg17[%swap3A_222, %swap3A_223, %swap3A_224] : memref<14x128x64xf32, #tpu.memory_space<vmem>>, vector<1x128x64xf32>
    %swap3A_226 = vector.shape_cast %swap3A_225 : vector<1x128x64xf32> to vector<128x64xf32>
    %swap3A_227 = vector.shape_cast %dot_general3A_221 : vector<128x64xf32> to vector<1x128x64xf32>
    tpu.vector_store %arg17[%swap3A_222, %swap3A_223, %swap3A_224], %swap3A_227 {strides = array<i32>} : memref<14x128x64xf32, #tpu.memory_space<vmem>>, vector<1x128x64xf32>,
    %get3A_228 = arith.constant 0 : index
    %get3A_229 = arith.constant 5 : index
    %get3A_230 = arith.constant 0 : index
    %get3A_231 = vector.load %arg1[%get3A_228, %get3A_229, %get3A_230] : memref<128x14x128xf32, #tpu.memory_space<vmem>>, vector<128x1x128xf32>
    %get3A_232 = vector.shape_cast %get3A_231 : vector<128x1x128xf32> to vector<128x128xf32>
    %get3A_233 = arith.constant 0 : index
    %get3A_234 = arith.constant 5 : index
    %get3A_235 = arith.constant 0 : index
    %get3A_236 = vector.load %arg2[%get3A_233, %get3A_234, %get3A_235] : memref<128x14x128xf32, #tpu.memory_space<vmem>>, vector<128x1x128xf32>
    %get3A_237 = vector.shape_cast %get3A_236 : vector<128x1x128xf32> to vector<128x128xf32>
    %add3A_238 = arith.addf %get3A_232, %get3A_237 : vector<128x128xf32>
    %get3A_239 = arith.constant 0 : index
    %get3A_240 = arith.constant 5 : index
    %get3A_241 = arith.constant 0 : index
    %get3A_242 = vector.load %arg4[%get3A_239, %get3A_240, %get3A_241] : memref<128x14x1xf32, #tpu.memory_space<vmem>>, vector<128x1x1xf32>
    %get3A_243 = vector.shape_cast %get3A_242 : vector<128x1x1xf32> to vector<128x1xf32>
    %mul3A_244 = vector.broadcast %get3A_243 : vector<128x1xf32> to vector<128x128xf32>
    %mul3A_245 = arith.mulf %add3A_238, %mul3A_244 : vector<128x128xf32>
    %add3A_246 = vector.broadcast %get3A_7 : vector<1x128xf32> to vector<128x128xf32>
    %add3A_247 = arith.addf %mul3A_245, %add3A_246 : vector<128x128xf32>
    %max3A_248 = arith.constant 0.000000e+00 : f32
    %max3A_249 = vector.broadcast %max3A_248 : f32 to vector<128x128xf32>
    %max3A_250 = arith.maximumf %add3A_247, %max3A_249 : vector<128x128xf32>
    %get3A_251 = arith.constant 0 : index
    %get3A_252 = arith.constant 5 : index
    %get3A_253 = arith.constant 0 : index
    %get3A_254 = vector.load %arg3[%get3A_251, %get3A_252, %get3A_253] : memref<128x14x128xf32, #tpu.memory_space<vmem>>, vector<128x1x128xf32>
    %get3A_255 = vector.shape_cast %get3A_254 : vector<128x1x128xf32> to vector<128x128xf32>
    %add3A_256 = arith.addf %max3A_250, %get3A_255 : vector<128x128xf32>
    %dot_general3A_257 = arith.constant dense<0.000000e+00> : vector<128x64xf32>
    %dot_general3A_258 = tpu.matmul %add3A_256, %get3A_1, %dot_general3A_257 {dimension_numbers = #tpu.dot_dimension_numbers<[1], [0], [0], [1], [0, 0, 1, 1], [], []>, transpose_lhs_hint = false} : vector<128x128xf32>, vector<128x64xf32>, vector<128x64xf32> -> vector<128x64xf32>
    %swap3A_259 = arith.constant 5 : index
    %swap3A_260 = arith.constant 0 : index
    %swap3A_261 = arith.constant 0 : index
    %swap3A_262 = vector.load %arg16[%swap3A_259, %swap3A_260, %swap3A_261] : memref<14x128x64xf32, #tpu.memory_space<vmem>>, vector<1x128x64xf32>
    %swap3A_263 = vector.shape_cast %swap3A_262 : vector<1x128x64xf32> to vector<128x64xf32>
    %swap3A_264 = vector.shape_cast %dot_general3A_258 : vector<128x64xf32> to vector<1x128x64xf32>
    tpu.vector_store %arg16[%swap3A_259, %swap3A_260, %swap3A_261], %swap3A_264 {strides = array<i32>} : memref<14x128x64xf32, #tpu.memory_space<vmem>>, vector<1x128x64xf32>,
    %dot_general3A_265 = arith.constant dense<0.000000e+00> : vector<128x64xf32>
    %dot_general3A_266 = tpu.matmul %add3A_256, %get3A_4, %dot_general3A_265 {dimension_numbers = #tpu.dot_dimension_numbers<[1], [0], [0], [1], [0, 0, 1, 1], [], []>, transpose_lhs_hint = false} : vector<128x128xf32>, vector<128x64xf32>, vector<128x64xf32> -> vector<128x64xf32>
    %swap3A_267 = arith.constant 5 : index
    %swap3A_268 = arith.constant 0 : index
    %swap3A_269 = arith.constant 0 : index
    %swap3A_270 = vector.load %arg17[%swap3A_267, %swap3A_268, %swap3A_269] : memref<14x128x64xf32, #tpu.memory_space<vmem>>, vector<1x128x64xf32>
    %swap3A_271 = vector.shape_cast %swap3A_270 : vector<1x128x64xf32> to vector<128x64xf32>
    %swap3A_272 = vector.shape_cast %dot_general3A_266 : vector<128x64xf32> to vector<1x128x64xf32>
    tpu.vector_store %arg17[%swap3A_267, %swap3A_268, %swap3A_269], %swap3A_272 {strides = array<i32>} : memref<14x128x64xf32, #tpu.memory_space<vmem>>, vector<1x128x64xf32>,
    %get3A_273 = arith.constant 0 : index
    %get3A_274 = arith.constant 6 : index
    %get3A_275 = arith.constant 0 : index
    %get3A_276 = vector.load %arg1[%get3A_273, %get3A_274, %get3A_275] : memref<128x14x128xf32, #tpu.memory_space<vmem>>, vector<128x1x128xf32>
    %get3A_277 = vector.shape_cast %get3A_276 : vector<128x1x128xf32> to vector<128x128xf32>
    %get3A_278 = arith.constant 0 : index
    %get3A_279 = arith.constant 6 : index
    %get3A_280 = arith.constant 0 : index
    %get3A_281 = vector.load %arg2[%get3A_278, %get3A_279, %get3A_280] : memref<128x14x128xf32, #tpu.memory_space<vmem>>, vector<128x1x128xf32>
    %get3A_282 = vector.shape_cast %get3A_281 : vector<128x1x128xf32> to vector<128x128xf32>
    %add3A_283 = arith.addf %get3A_277, %get3A_282 : vector<128x128xf32>
    %get3A_284 = arith.constant 0 : index
    %get3A_285 = arith.constant 6 : index
    %get3A_286 = arith.constant 0 : index
    %get3A_287 = vector.load %arg4[%get3A_284, %get3A_285, %get3A_286] : memref<128x14x1xf32, #tpu.memory_space<vmem>>, vector<128x1x1xf32>
    %get3A_288 = vector.shape_cast %get3A_287 : vector<128x1x1xf32> to vector<128x1xf32>
    %mul3A_289 = vector.broadcast %get3A_288 : vector<128x1xf32> to vector<128x128xf32>
    %mul3A_290 = arith.mulf %add3A_283, %mul3A_289 : vector<128x128xf32>
    %add3A_291 = vector.broadcast %get3A_7 : vector<1x128xf32> to vector<128x128xf32>
    %add3A_292 = arith.addf %mul3A_290, %add3A_291 : vector<128x128xf32>
    %max3A_293 = arith.constant 0.000000e+00 : f32
    %max3A_294 = vector.broadcast %max3A_293 : f32 to vector<128x128xf32>
    %max3A_295 = arith.maximumf %add3A_292, %max3A_294 : vector<128x128xf32>
    %get3A_296 = arith.constant 0 : index
    %get3A_297 = arith.constant 6 : index
    %get3A_298 = arith.constant 0 : index
    %get3A_299 = vector.load %arg3[%get3A_296, %get3A_297, %get3A_298] : memref<128x14x128xf32, #tpu.memory_space<vmem>>, vector<128x1x128xf32>
    %get3A_300 = vector.shape_cast %get3A_299 : vector<128x1x128xf32> to vector<128x128xf32>
    %add3A_301 = arith.addf %max3A_295, %get3A_300 : vector<128x128xf32>
    %dot_general3A_302 = arith.constant dense<0.000000e+00> : vector<128x64xf32>
    %dot_general3A_303 = tpu.matmul %add3A_301, %get3A_1, %dot_general3A_302 {dimension_numbers = #tpu.dot_dimension_numbers<[1], [0], [0], [1], [0, 0, 1, 1], [], []>, transpose_lhs_hint = false} : vector<128x128xf32>, vector<128x64xf32>, vector<128x64xf32> -> vector<128x64xf32>
    %swap3A_304 = arith.constant 6 : index
    %swap3A_305 = arith.constant 0 : index
    %swap3A_306 = arith.constant 0 : index
    %swap3A_307 = vector.load %arg16[%swap3A_304, %swap3A_305, %swap3A_306] : memref<14x128x64xf32, #tpu.memory_space<vmem>>, vector<1x128x64xf32>
    %swap3A_308 = vector.shape_cast %swap3A_307 : vector<1x128x64xf32> to vector<128x64xf32>
    %swap3A_309 = vector.shape_cast %dot_general3A_303 : vector<128x64xf32> to vector<1x128x64xf32>
    tpu.vector_store %arg16[%swap3A_304, %swap3A_305, %swap3A_306], %swap3A_309 {strides = array<i32>} : memref<14x128x64xf32, #tpu.memory_space<vmem>>, vector<1x128x64xf32>,
    %dot_general3A_310 = arith.constant dense<0.000000e+00> : vector<128x64xf32>
    %dot_general3A_311 = tpu.matmul %add3A_301, %get3A_4, %dot_general3A_310 {dimension_numbers = #tpu.dot_dimension_numbers<[1], [0], [0], [1], [0, 0, 1, 1], [], []>, transpose_lhs_hint = false} : vector<128x128xf32>, vector<128x64xf32>, vector<128x64xf32> -> vector<128x64xf32>
    %swap3A_312 = arith.constant 6 : index
    %swap3A_313 = arith.constant 0 : index
    %swap3A_314 = arith.constant 0 : index
    %swap3A_315 = vector.load %arg17[%swap3A_312, %swap3A_313, %swap3A_314] : memref<14x128x64xf32, #tpu.memory_space<vmem>>, vector<1x128x64xf32>
    %swap3A_316 = vector.shape_cast %swap3A_315 : vector<1x128x64xf32> to vector<128x64xf32>
    %swap3A_317 = vector.shape_cast %dot_general3A_311 : vector<128x64xf32> to vector<1x128x64xf32>
    tpu.vector_store %arg17[%swap3A_312, %swap3A_313, %swap3A_314], %swap3A_317 {strides = array<i32>} : memref<14x128x64xf32, #tpu.memory_space<vmem>>, vector<1x128x64xf32>,
    %get3A_318 = arith.constant 0 : index
    %get3A_319 = arith.constant 7 : index
    %get3A_320 = arith.constant 0 : index
    %get3A_321 = vector.load %arg1[%get3A_318, %get3A_319, %get3A_320] : memref<128x14x128xf32, #tpu.memory_space<vmem>>, vector<128x1x128xf32>
    %get3A_322 = vector.shape_cast %get3A_321 : vector<128x1x128xf32> to vector<128x128xf32>
    %get3A_323 = arith.constant 0 : index
    %get3A_324 = arith.constant 7 : index
    %get3A_325 = arith.constant 0 : index
    %get3A_326 = vector.load %arg2[%get3A_323, %get3A_324, %get3A_325] : memref<128x14x128xf32, #tpu.memory_space<vmem>>, vector<128x1x128xf32>
    %get3A_327 = vector.shape_cast %get3A_326 : vector<128x1x128xf32> to vector<128x128xf32>
    %add3A_328 = arith.addf %get3A_322, %get3A_327 : vector<128x128xf32>
    %get3A_329 = arith.constant 0 : index
    %get3A_330 = arith.constant 7 : index
    %get3A_331 = arith.constant 0 : index
    %get3A_332 = vector.load %arg4[%get3A_329, %get3A_330, %get3A_331] : memref<128x14x1xf32, #tpu.memory_space<vmem>>, vector<128x1x1xf32>
    %get3A_333 = vector.shape_cast %get3A_332 : vector<128x1x1xf32> to vector<128x1xf32>
    %mul3A_334 = vector.broadcast %get3A_333 : vector<128x1xf32> to vector<128x128xf32>
    %mul3A_335 = arith.mulf %add3A_328, %mul3A_334 : vector<128x128xf32>
    %add3A_336 = vector.broadcast %get3A_7 : vector<1x128xf32> to vector<128x128xf32>
    %add3A_337 = arith.addf %mul3A_335, %add3A_336 : vector<128x128xf32>
    %max3A_338 = arith.constant 0.000000e+00 : f32
    %max3A_339 = vector.broadcast %max3A_338 : f32 to vector<128x128xf32>
    %max3A_340 = arith.maximumf %add3A_337, %max3A_339 : vector<128x128xf32>
    %get3A_341 = arith.constant 0 : index
    %get3A_342 = arith.constant 7 : index
    %get3A_343 = arith.constant 0 : index
    %get3A_344 = vector.load %arg3[%get3A_341, %get3A_342, %get3A_343] : memref<128x14x128xf32, #tpu.memory_space<vmem>>, vector<128x1x128xf32>
    %get3A_345 = vector.shape_cast %get3A_344 : vector<128x1x128xf32> to vector<128x128xf32>
    %add3A_346 = arith.addf %max3A_340, %get3A_345 : vector<128x128xf32>
    %dot_general3A_347 = arith.constant dense<0.000000e+00> : vector<128x64xf32>
    %dot_general3A_348 = tpu.matmul %add3A_346, %get3A_1, %dot_general3A_347 {dimension_numbers = #tpu.dot_dimension_numbers<[1], [0], [0], [1], [0, 0, 1, 1], [], []>, transpose_lhs_hint = false} : vector<128x128xf32>, vector<128x64xf32>, vector<128x64xf32> -> vector<128x64xf32>
    %swap3A_349 = arith.constant 7 : index
    %swap3A_350 = arith.constant 0 : index
    %swap3A_351 = arith.constant 0 : index
    %swap3A_352 = vector.load %arg16[%swap3A_349, %swap3A_350, %swap3A_351] : memref<14x128x64xf32, #tpu.memory_space<vmem>>, vector<1x128x64xf32>
    %swap3A_353 = vector.shape_cast %swap3A_352 : vector<1x128x64xf32> to vector<128x64xf32>
    %swap3A_354 = vector.shape_cast %dot_general3A_348 : vector<128x64xf32> to vector<1x128x64xf32>
    tpu.vector_store %arg16[%swap3A_349, %swap3A_350, %swap3A_351], %swap3A_354 {strides = array<i32>} : memref<14x128x64xf32, #tpu.memory_space<vmem>>, vector<1x128x64xf32>,
    %dot_general3A_355 = arith.constant dense<0.000000e+00> : vector<128x64xf32>
    %dot_general3A_356 = tpu.matmul %add3A_346, %get3A_4, %dot_general3A_355 {dimension_numbers = #tpu.dot_dimension_numbers<[1], [0], [0], [1], [0, 0, 1, 1], [], []>, transpose_lhs_hint = false} : vector<128x128xf32>, vector<128x64xf32>, vector<128x64xf32> -> vector<128x64xf32>
    %swap3A_357 = arith.constant 7 : index
    %swap3A_358 = arith.constant 0 : index
    %swap3A_359 = arith.constant 0 : index
    %swap3A_360 = vector.load %arg17[%swap3A_357, %swap3A_358, %swap3A_359] : memref<14x128x64xf32, #tpu.memory_space<vmem>>, vector<1x128x64xf32>
    %swap3A_361 = vector.shape_cast %swap3A_360 : vector<1x128x64xf32> to vector<128x64xf32>
    %swap3A_362 = vector.shape_cast %dot_general3A_356 : vector<128x64xf32> to vector<1x128x64xf32>
    tpu.vector_store %arg17[%swap3A_357, %swap3A_358, %swap3A_359], %swap3A_362 {strides = array<i32>} : memref<14x128x64xf32, #tpu.memory_space<vmem>>, vector<1x128x64xf32>,
    %get3A_363 = arith.constant 0 : index
    %get3A_364 = arith.constant 8 : index
    %get3A_365 = arith.constant 0 : index
    %get3A_366 = vector.load %arg1[%get3A_363, %get3A_364, %get3A_365] : memref<128x14x128xf32, #tpu.memory_space<vmem>>, vector<128x1x128xf32>
    %get3A_367 = vector.shape_cast %get3A_366 : vector<128x1x128xf32> to vector<128x128xf32>
    %get3A_368 = arith.constant 0 : index
    %get3A_369 = arith.constant 8 : index
    %get3A_370 = arith.constant 0 : index
    %get3A_371 = vector.load %arg2[%get3A_368, %get3A_369, %get3A_370] : memref<128x14x128xf32, #tpu.memory_space<vmem>>, vector<128x1x128xf32>
    %get3A_372 = vector.shape_cast %get3A_371 : vector<128x1x128xf32> to vector<128x128xf32>
    %add3A_373 = arith.addf %get3A_367, %get3A_372 : vector<128x128xf32>
    %get3A_374 = arith.constant 0 : index
    %get3A_375 = arith.constant 8 : index
    %get3A_376 = arith.constant 0 : index
    %get3A_377 = vector.load %arg4[%get3A_374, %get3A_375, %get3A_376] : memref<128x14x1xf32, #tpu.memory_space<vmem>>, vector<128x1x1xf32>
    %get3A_378 = vector.shape_cast %get3A_377 : vector<128x1x1xf32> to vector<128x1xf32>
    %mul3A_379 = vector.broadcast %get3A_378 : vector<128x1xf32> to vector<128x128xf32>
    %mul3A_380 = arith.mulf %add3A_373, %mul3A_379 : vector<128x128xf32>
    %add3A_381 = vector.broadcast %get3A_7 : vector<1x128xf32> to vector<128x128xf32>
    %add3A_382 = arith.addf %mul3A_380, %add3A_381 : vector<128x128xf32>
    %max3A_383 = arith.constant 0.000000e+00 : f32
    %max3A_384 = vector.broadcast %max3A_383 : f32 to vector<128x128xf32>
    %max3A_385 = arith.maximumf %add3A_382, %max3A_384 : vector<128x128xf32>
    %get3A_386 = arith.constant 0 : index
    %get3A_387 = arith.constant 8 : index
    %get3A_388 = arith.constant 0 : index
    %get3A_389 = vector.load %arg3[%get3A_386, %get3A_387, %get3A_388] : memref<128x14x128xf32, #tpu.memory_space<vmem>>, vector<128x1x128xf32>
    %get3A_390 = vector.shape_cast %get3A_389 : vector<128x1x128xf32> to vector<128x128xf32>
    %add3A_391 = arith.addf %max3A_385, %get3A_390 : vector<128x128xf32>
    %dot_general3A_392 = arith.constant dense<0.000000e+00> : vector<128x64xf32>
    %dot_general3A_393 = tpu.matmul %add3A_391, %get3A_1, %dot_general3A_392 {dimension_numbers = #tpu.dot_dimension_numbers<[1], [0], [0], [1], [0, 0, 1, 1], [], []>, transpose_lhs_hint = false} : vector<128x128xf32>, vector<128x64xf32>, vector<128x64xf32> -> vector<128x64xf32>
    %swap3A_394 = arith.constant 8 : index
    %swap3A_395 = arith.constant 0 : index
    %swap3A_396 = arith.constant 0 : index
    %swap3A_397 = vector.load %arg16[%swap3A_394, %swap3A_395, %swap3A_396] : memref<14x128x64xf32, #tpu.memory_space<vmem>>, vector<1x128x64xf32>
    %swap3A_398 = vector.shape_cast %swap3A_397 : vector<1x128x64xf32> to vector<128x64xf32>
    %swap3A_399 = vector.shape_cast %dot_general3A_393 : vector<128x64xf32> to vector<1x128x64xf32>
    tpu.vector_store %arg16[%swap3A_394, %swap3A_395, %swap3A_396], %swap3A_399 {strides = array<i32>} : memref<14x128x64xf32, #tpu.memory_space<vmem>>, vector<1x128x64xf32>,
    %dot_general3A_400 = arith.constant dense<0.000000e+00> : vector<128x64xf32>
    %dot_general3A_401 = tpu.matmul %add3A_391, %get3A_4, %dot_general3A_400 {dimension_numbers = #tpu.dot_dimension_numbers<[1], [0], [0], [1], [0, 0, 1, 1], [], []>, transpose_lhs_hint = false} : vector<128x128xf32>, vector<128x64xf32>, vector<128x64xf32> -> vector<128x64xf32>
    %swap3A_402 = arith.constant 8 : index
    %swap3A_403 = arith.constant 0 : index
    %swap3A_404 = arith.constant 0 : index
    %swap3A_405 = vector.load %arg17[%swap3A_402, %swap3A_403, %swap3A_404] : memref<14x128x64xf32, #tpu.memory_space<vmem>>, vector<1x128x64xf32>
    %swap3A_406 = vector.shape_cast %swap3A_405 : vector<1x128x64xf32> to vector<128x64xf32>
    %swap3A_407 = vector.shape_cast %dot_general3A_401 : vector<128x64xf32> to vector<1x128x64xf32>
    tpu.vector_store %arg17[%swap3A_402, %swap3A_403, %swap3A_404], %swap3A_407 {strides = array<i32>} : memref<14x128x64xf32, #tpu.memory_space<vmem>>, vector<1x128x64xf32>,
    %get3A_408 = arith.constant 0 : index
    %get3A_409 = arith.constant 9 : index
    %get3A_410 = arith.constant 0 : index
    %get3A_411 = vector.load %arg1[%get3A_408, %get3A_409, %get3A_410] : memref<128x14x128xf32, #tpu.memory_space<vmem>>, vector<128x1x128xf32>
    %get3A_412 = vector.shape_cast %get3A_411 : vector<128x1x128xf32> to vector<128x128xf32>
    %get3A_413 = arith.constant 0 : index
    %get3A_414 = arith.constant 9 : index
    %get3A_415 = arith.constant 0 : index
    %get3A_416 = vector.load %arg2[%get3A_413, %get3A_414, %get3A_415] : memref<128x14x128xf32, #tpu.memory_space<vmem>>, vector<128x1x128xf32>
    %get3A_417 = vector.shape_cast %get3A_416 : vector<128x1x128xf32> to vector<128x128xf32>
    %add3A_418 = arith.addf %get3A_412, %get3A_417 : vector<128x128xf32>
    %get3A_419 = arith.constant 0 : index
    %get3A_420 = arith.constant 9 : index
    %get3A_421 = arith.constant 0 : index
    %get3A_422 = vector.load %arg4[%get3A_419, %get3A_420, %get3A_421] : memref<128x14x1xf32, #tpu.memory_space<vmem>>, vector<128x1x1xf32>
    %get3A_423 = vector.shape_cast %get3A_422 : vector<128x1x1xf32> to vector<128x1xf32>
    %mul3A_424 = vector.broadcast %get3A_423 : vector<128x1xf32> to vector<128x128xf32>
    %mul3A_425 = arith.mulf %add3A_418, %mul3A_424 : vector<128x128xf32>
    %add3A_426 = vector.broadcast %get3A_7 : vector<1x128xf32> to vector<128x128xf32>
    %add3A_427 = arith.addf %mul3A_425, %add3A_426 : vector<128x128xf32>
    %max3A_428 = arith.constant 0.000000e+00 : f32
    %max3A_429 = vector.broadcast %max3A_428 : f32 to vector<128x128xf32>
    %max3A_430 = arith.maximumf %add3A_427, %max3A_429 : vector<128x128xf32>
    %get3A_431 = arith.constant 0 : index
    %get3A_432 = arith.constant 9 : index
    %get3A_433 = arith.constant 0 : index
    %get3A_434 = vector.load %arg3[%get3A_431, %get3A_432, %get3A_433] : memref<128x14x128xf32, #tpu.memory_space<vmem>>, vector<128x1x128xf32>
    %get3A_435 = vector.shape_cast %get3A_434 : vector<128x1x128xf32> to vector<128x128xf32>
    %add3A_436 = arith.addf %max3A_430, %get3A_435 : vector<128x128xf32>
    %dot_general3A_437 = arith.constant dense<0.000000e+00> : vector<128x64xf32>
    %dot_general3A_438 = tpu.matmul %add3A_436, %get3A_1, %dot_general3A_437 {dimension_numbers = #tpu.dot_dimension_numbers<[1], [0], [0], [1], [0, 0, 1, 1], [], []>, transpose_lhs_hint = false} : vector<128x128xf32>, vector<128x64xf32>, vector<128x64xf32> -> vector<128x64xf32>
    %swap3A_439 = arith.constant 9 : index
    %swap3A_440 = arith.constant 0 : index
    %swap3A_441 = arith.constant 0 : index
    %swap3A_442 = vector.load %arg16[%swap3A_439, %swap3A_440, %swap3A_441] : memref<14x128x64xf32, #tpu.memory_space<vmem>>, vector<1x128x64xf32>
    %swap3A_443 = vector.shape_cast %swap3A_442 : vector<1x128x64xf32> to vector<128x64xf32>
    %swap3A_444 = vector.shape_cast %dot_general3A_438 : vector<128x64xf32> to vector<1x128x64xf32>
    tpu.vector_store %arg16[%swap3A_439, %swap3A_440, %swap3A_441], %swap3A_444 {strides = array<i32>} : memref<14x128x64xf32, #tpu.memory_space<vmem>>, vector<1x128x64xf32>,
    %dot_general3A_445 = arith.constant dense<0.000000e+00> : vector<128x64xf32>
    %dot_general3A_446 = tpu.matmul %add3A_436, %get3A_4, %dot_general3A_445 {dimension_numbers = #tpu.dot_dimension_numbers<[1], [0], [0], [1], [0, 0, 1, 1], [], []>, transpose_lhs_hint = false} : vector<128x128xf32>, vector<128x64xf32>, vector<128x64xf32> -> vector<128x64xf32>
    %swap3A_447 = arith.constant 9 : index
    %swap3A_448 = arith.constant 0 : index
    %swap3A_449 = arith.constant 0 : index
    %swap3A_450 = vector.load %arg17[%swap3A_447, %swap3A_448, %swap3A_449] : memref<14x128x64xf32, #tpu.memory_space<vmem>>, vector<1x128x64xf32>
    %swap3A_451 = vector.shape_cast %swap3A_450 : vector<1x128x64xf32> to vector<128x64xf32>
    %swap3A_452 = vector.shape_cast %dot_general3A_446 : vector<128x64xf32> to vector<1x128x64xf32>
    tpu.vector_store %arg17[%swap3A_447, %swap3A_448, %swap3A_449], %swap3A_452 {strides = array<i32>} : memref<14x128x64xf32, #tpu.memory_space<vmem>>, vector<1x128x64xf32>,
    %get3A_453 = arith.constant 0 : index
    %get3A_454 = arith.constant 10 : index
    %get3A_455 = arith.constant 0 : index
    %get3A_456 = vector.load %arg1[%get3A_453, %get3A_454, %get3A_455] : memref<128x14x128xf32, #tpu.memory_space<vmem>>, vector<128x1x128xf32>
    %get3A_457 = vector.shape_cast %get3A_456 : vector<128x1x128xf32> to vector<128x128xf32>
    %get3A_458 = arith.constant 0 : index
    %get3A_459 = arith.constant 10 : index
    %get3A_460 = arith.constant 0 : index
    %get3A_461 = vector.load %arg2[%get3A_458, %get3A_459, %get3A_460] : memref<128x14x128xf32, #tpu.memory_space<vmem>>, vector<128x1x128xf32>
    %get3A_462 = vector.shape_cast %get3A_461 : vector<128x1x128xf32> to vector<128x128xf32>
    %add3A_463 = arith.addf %get3A_457, %get3A_462 : vector<128x128xf32>
    %get3A_464 = arith.constant 0 : index
    %get3A_465 = arith.constant 10 : index
    %get3A_466 = arith.constant 0 : index
    %get3A_467 = vector.load %arg4[%get3A_464, %get3A_465, %get3A_466] : memref<128x14x1xf32, #tpu.memory_space<vmem>>, vector<128x1x1xf32>
    %get3A_468 = vector.shape_cast %get3A_467 : vector<128x1x1xf32> to vector<128x1xf32>
    %mul3A_469 = vector.broadcast %get3A_468 : vector<128x1xf32> to vector<128x128xf32>
    %mul3A_470 = arith.mulf %add3A_463, %mul3A_469 : vector<128x128xf32>
    %add3A_471 = vector.broadcast %get3A_7 : vector<1x128xf32> to vector<128x128xf32>
    %add3A_472 = arith.addf %mul3A_470, %add3A_471 : vector<128x128xf32>
    %max3A_473 = arith.constant 0.000000e+00 : f32
    %max3A_474 = vector.broadcast %max3A_473 : f32 to vector<128x128xf32>
    %max3A_475 = arith.maximumf %add3A_472, %max3A_474 : vector<128x128xf32>
    %get3A_476 = arith.constant 0 : index
    %get3A_477 = arith.constant 10 : index
    %get3A_478 = arith.constant 0 : index
    %get3A_479 = vector.load %arg3[%get3A_476, %get3A_477, %get3A_478] : memref<128x14x128xf32, #tpu.memory_space<vmem>>, vector<128x1x128xf32>
    %get3A_480 = vector.shape_cast %get3A_479 : vector<128x1x128xf32> to vector<128x128xf32>
    %add3A_481 = arith.addf %max3A_475, %get3A_480 : vector<128x128xf32>
    %dot_general3A_482 = arith.constant dense<0.000000e+00> : vector<128x64xf32>
    %dot_general3A_483 = tpu.matmul %add3A_481, %get3A_1, %dot_general3A_482 {dimension_numbers = #tpu.dot_dimension_numbers<[1], [0], [0], [1], [0, 0, 1, 1], [], []>, transpose_lhs_hint = false} : vector<128x128xf32>, vector<128x64xf32>, vector<128x64xf32> -> vector<128x64xf32>
    %swap3A_484 = arith.constant 10 : index
    %swap3A_485 = arith.constant 0 : index
    %swap3A_486 = arith.constant 0 : index
    %swap3A_487 = vector.load %arg16[%swap3A_484, %swap3A_485, %swap3A_486] : memref<14x128x64xf32, #tpu.memory_space<vmem>>, vector<1x128x64xf32>
    %swap3A_488 = vector.shape_cast %swap3A_487 : vector<1x128x64xf32> to vector<128x64xf32>
    %swap3A_489 = vector.shape_cast %dot_general3A_483 : vector<128x64xf32> to vector<1x128x64xf32>
    tpu.vector_store %arg16[%swap3A_484, %swap3A_485, %swap3A_486], %swap3A_489 {strides = array<i32>} : memref<14x128x64xf32, #tpu.memory_space<vmem>>, vector<1x128x64xf32>,
    %dot_general3A_490 = arith.constant dense<0.000000e+00> : vector<128x64xf32>
    %dot_general3A_491 = tpu.matmul %add3A_481, %get3A_4, %dot_general3A_490 {dimension_numbers = #tpu.dot_dimension_numbers<[1], [0], [0], [1], [0, 0, 1, 1], [], []>, transpose_lhs_hint = false} : vector<128x128xf32>, vector<128x64xf32>, vector<128x64xf32> -> vector<128x64xf32>
    %swap3A_492 = arith.constant 10 : index
    %swap3A_493 = arith.constant 0 : index
    %swap3A_494 = arith.constant 0 : index
    %swap3A_495 = vector.load %arg17[%swap3A_492, %swap3A_493, %swap3A_494] : memref<14x128x64xf32, #tpu.memory_space<vmem>>, vector<1x128x64xf32>
    %swap3A_496 = vector.shape_cast %swap3A_495 : vector<1x128x64xf32> to vector<128x64xf32>
    %swap3A_497 = vector.shape_cast %dot_general3A_491 : vector<128x64xf32> to vector<1x128x64xf32>
    tpu.vector_store %arg17[%swap3A_492, %swap3A_493, %swap3A_494], %swap3A_497 {strides = array<i32>} : memref<14x128x64xf32, #tpu.memory_space<vmem>>, vector<1x128x64xf32>,
    %get3A_498 = arith.constant 0 : index
    %get3A_499 = arith.constant 11 : index
    %get3A_500 = arith.constant 0 : index
    %get3A_501 = vector.load %arg1[%get3A_498, %get3A_499, %get3A_500] : memref<128x14x128xf32, #tpu.memory_space<vmem>>, vector<128x1x128xf32>
    %get3A_502 = vector.shape_cast %get3A_501 : vector<128x1x128xf32> to vector<128x128xf32>
    %get3A_503 = arith.constant 0 : index
    %get3A_504 = arith.constant 11 : index
    %get3A_505 = arith.constant 0 : index
    %get3A_506 = vector.load %arg2[%get3A_503, %get3A_504, %get3A_505] : memref<128x14x128xf32, #tpu.memory_space<vmem>>, vector<128x1x128xf32>
    %get3A_507 = vector.shape_cast %get3A_506 : vector<128x1x128xf32> to vector<128x128xf32>
    %add3A_508 = arith.addf %get3A_502, %get3A_507 : vector<128x128xf32>
    %get3A_509 = arith.constant 0 : index
    %get3A_510 = arith.constant 11 : index
    %get3A_511 = arith.constant 0 : index
    %get3A_512 = vector.load %arg4[%get3A_509, %get3A_510, %get3A_511] : memref<128x14x1xf32, #tpu.memory_space<vmem>>, vector<128x1x1xf32>
    %get3A_513 = vector.shape_cast %get3A_512 : vector<128x1x1xf32> to vector<128x1xf32>
    %mul3A_514 = vector.broadcast %get3A_513 : vector<128x1xf32> to vector<128x128xf32>
    %mul3A_515 = arith.mulf %add3A_508, %mul3A_514 : vector<128x128xf32>
    %add3A_516 = vector.broadcast %get3A_7 : vector<1x128xf32> to vector<128x128xf32>
    %add3A_517 = arith.addf %mul3A_515, %add3A_516 : vector<128x128xf32>
    %max3A_518 = arith.constant 0.000000e+00 : f32
    %max3A_519 = vector.broadcast %max3A_518 : f32 to vector<128x128xf32>
    %max3A_520 = arith.maximumf %add3A_517, %max3A_519 : vector<128x128xf32>
    %get3A_521 = arith.constant 0 : index
    %get3A_522 = arith.constant 11 : index
    %get3A_523 = arith.constant 0 : index
    %get3A_524 = vector.load %arg3[%get3A_521, %get3A_522, %get3A_523] : memref<128x14x128xf32, #tpu.memory_space<vmem>>, vector<128x1x128xf32>
    %get3A_525 = vector.shape_cast %get3A_524 : vector<128x1x128xf32> to vector<128x128xf32>
    %add3A_526 = arith.addf %max3A_520, %get3A_525 : vector<128x128xf32>
    %dot_general3A_527 = arith.constant dense<0.000000e+00> : vector<128x64xf32>
    %dot_general3A_528 = tpu.matmul %add3A_526, %get3A_1, %dot_general3A_527 {dimension_numbers = #tpu.dot_dimension_numbers<[1], [0], [0], [1], [0, 0, 1, 1], [], []>, transpose_lhs_hint = false} : vector<128x128xf32>, vector<128x64xf32>, vector<128x64xf32> -> vector<128x64xf32>
    %swap3A_529 = arith.constant 11 : index
    %swap3A_530 = arith.constant 0 : index
    %swap3A_531 = arith.constant 0 : index
    %swap3A_532 = vector.load %arg16[%swap3A_529, %swap3A_530, %swap3A_531] : memref<14x128x64xf32, #tpu.memory_space<vmem>>, vector<1x128x64xf32>
    %swap3A_533 = vector.shape_cast %swap3A_532 : vector<1x128x64xf32> to vector<128x64xf32>
    %swap3A_534 = vector.shape_cast %dot_general3A_528 : vector<128x64xf32> to vector<1x128x64xf32>
    tpu.vector_store %arg16[%swap3A_529, %swap3A_530, %swap3A_531], %swap3A_534 {strides = array<i32>} : memref<14x128x64xf32, #tpu.memory_space<vmem>>, vector<1x128x64xf32>,
    %dot_general3A_535 = arith.constant dense<0.000000e+00> : vector<128x64xf32>
    %dot_general3A_536 = tpu.matmul %add3A_526, %get3A_4, %dot_general3A_535 {dimension_numbers = #tpu.dot_dimension_numbers<[1], [0], [0], [1], [0, 0, 1, 1], [], []>, transpose_lhs_hint = false} : vector<128x128xf32>, vector<128x64xf32>, vector<128x64xf32> -> vector<128x64xf32>
    %swap3A_537 = arith.constant 11 : index
    %swap3A_538 = arith.constant 0 : index
    %swap3A_539 = arith.constant 0 : index
    %swap3A_540 = vector.load %arg17[%swap3A_537, %swap3A_538, %swap3A_539] : memref<14x128x64xf32, #tpu.memory_space<vmem>>, vector<1x128x64xf32>
    %swap3A_541 = vector.shape_cast %swap3A_540 : vector<1x128x64xf32> to vector<128x64xf32>
    %swap3A_542 = vector.shape_cast %dot_general3A_536 : vector<128x64xf32> to vector<1x128x64xf32>
    tpu.vector_store %arg17[%swap3A_537, %swap3A_538, %swap3A_539], %swap3A_542 {strides = array<i32>} : memref<14x128x64xf32, #tpu.memory_space<vmem>>, vector<1x128x64xf32>,
    %get3A_543 = arith.constant 0 : index
    %get3A_544 = arith.constant 12 : index
    %get3A_545 = arith.constant 0 : index
    %get3A_546 = vector.load %arg1[%get3A_543, %get3A_544, %get3A_545] : memref<128x14x128xf32, #tpu.memory_space<vmem>>, vector<128x1x128xf32>
    %get3A_547 = vector.shape_cast %get3A_546 : vector<128x1x128xf32> to vector<128x128xf32>
    %get3A_548 = arith.constant 0 : index
    %get3A_549 = arith.constant 12 : index
    %get3A_550 = arith.constant 0 : index
    %get3A_551 = vector.load %arg2[%get3A_548, %get3A_549, %get3A_550] : memref<128x14x128xf32, #tpu.memory_space<vmem>>, vector<128x1x128xf32>
    %get3A_552 = vector.shape_cast %get3A_551 : vector<128x1x128xf32> to vector<128x128xf32>
    %add3A_553 = arith.addf %get3A_547, %get3A_552 : vector<128x128xf32>
    %get3A_554 = arith.constant 0 : index
    %get3A_555 = arith.constant 12 : index
    %get3A_556 = arith.constant 0 : index
    %get3A_557 = vector.load %arg4[%get3A_554, %get3A_555, %get3A_556] : memref<128x14x1xf32, #tpu.memory_space<vmem>>, vector<128x1x1xf32>
    %get3A_558 = vector.shape_cast %get3A_557 : vector<128x1x1xf32> to vector<128x1xf32>
    %mul3A_559 = vector.broadcast %get3A_558 : vector<128x1xf32> to vector<128x128xf32>
    %mul3A_560 = arith.mulf %add3A_553, %mul3A_559 : vector<128x128xf32>
    %add3A_561 = vector.broadcast %get3A_7 : vector<1x128xf32> to vector<128x128xf32>
    %add3A_562 = arith.addf %mul3A_560, %add3A_561 : vector<128x128xf32>
    %max3A_563 = arith.constant 0.000000e+00 : f32
    %max3A_564 = vector.broadcast %max3A_563 : f32 to vector<128x128xf32>
    %max3A_565 = arith.maximumf %add3A_562, %max3A_564 : vector<128x128xf32>
    %get3A_566 = arith.constant 0 : index
    %get3A_567 = arith.constant 12 : index
    %get3A_568 = arith.constant 0 : index
    %get3A_569 = vector.load %arg3[%get3A_566, %get3A_567, %get3A_568] : memref<128x14x128xf32, #tpu.memory_space<vmem>>, vector<128x1x128xf32>
    %get3A_570 = vector.shape_cast %get3A_569 : vector<128x1x128xf32> to vector<128x128xf32>
    %add3A_571 = arith.addf %max3A_565, %get3A_570 : vector<128x128xf32>
    %dot_general3A_572 = arith.constant dense<0.000000e+00> : vector<128x64xf32>
    %dot_general3A_573 = tpu.matmul %add3A_571, %get3A_1, %dot_general3A_572 {dimension_numbers = #tpu.dot_dimension_numbers<[1], [0], [0], [1], [0, 0, 1, 1], [], []>, transpose_lhs_hint = false} : vector<128x128xf32>, vector<128x64xf32>, vector<128x64xf32> -> vector<128x64xf32>
    %swap3A_574 = arith.constant 12 : index
    %swap3A_575 = arith.constant 0 : index
    %swap3A_576 = arith.constant 0 : index
    %swap3A_577 = vector.load %arg16[%swap3A_574, %swap3A_575, %swap3A_576] : memref<14x128x64xf32, #tpu.memory_space<vmem>>, vector<1x128x64xf32>
    %swap3A_578 = vector.shape_cast %swap3A_577 : vector<1x128x64xf32> to vector<128x64xf32>
    %swap3A_579 = vector.shape_cast %dot_general3A_573 : vector<128x64xf32> to vector<1x128x64xf32>
    tpu.vector_store %arg16[%swap3A_574, %swap3A_575, %swap3A_576], %swap3A_579 {strides = array<i32>} : memref<14x128x64xf32, #tpu.memory_space<vmem>>, vector<1x128x64xf32>,
    %dot_general3A_580 = arith.constant dense<0.000000e+00> : vector<128x64xf32>
    %dot_general3A_581 = tpu.matmul %add3A_571, %get3A_4, %dot_general3A_580 {dimension_numbers = #tpu.dot_dimension_numbers<[1], [0], [0], [1], [0, 0, 1, 1], [], []>, transpose_lhs_hint = false} : vector<128x128xf32>, vector<128x64xf32>, vector<128x64xf32> -> vector<128x64xf32>
    %swap3A_582 = arith.constant 12 : index
    %swap3A_583 = arith.constant 0 : index
    %swap3A_584 = arith.constant 0 : index
    %swap3A_585 = vector.load %arg17[%swap3A_582, %swap3A_583, %swap3A_584] : memref<14x128x64xf32, #tpu.memory_space<vmem>>, vector<1x128x64xf32>
    %swap3A_586 = vector.shape_cast %swap3A_585 : vector<1x128x64xf32> to vector<128x64xf32>
    %swap3A_587 = vector.shape_cast %dot_general3A_581 : vector<128x64xf32> to vector<1x128x64xf32>
    tpu.vector_store %arg17[%swap3A_582, %swap3A_583, %swap3A_584], %swap3A_587 {strides = array<i32>} : memref<14x128x64xf32, #tpu.memory_space<vmem>>, vector<1x128x64xf32>,
    %get3A_588 = arith.constant 0 : index
    %get3A_589 = arith.constant 13 : index
    %get3A_590 = arith.constant 0 : index
    %get3A_591 = vector.load %arg1[%get3A_588, %get3A_589, %get3A_590] : memref<128x14x128xf32, #tpu.memory_space<vmem>>, vector<128x1x128xf32>
    %get3A_592 = vector.shape_cast %get3A_591 : vector<128x1x128xf32> to vector<128x128xf32>
    %get3A_593 = arith.constant 0 : index
    %get3A_594 = arith.constant 13 : index
    %get3A_595 = arith.constant 0 : index
    %get3A_596 = vector.load %arg2[%get3A_593, %get3A_594, %get3A_595] : memref<128x14x128xf32, #tpu.memory_space<vmem>>, vector<128x1x128xf32>
    %get3A_597 = vector.shape_cast %get3A_596 : vector<128x1x128xf32> to vector<128x128xf32>
    %add3A_598 = arith.addf %get3A_592, %get3A_597 : vector<128x128xf32>
    %get3A_599 = arith.constant 0 : index
    %get3A_600 = arith.constant 13 : index
    %get3A_601 = arith.constant 0 : index
    %get3A_602 = vector.load %arg4[%get3A_599, %get3A_600, %get3A_601] : memref<128x14x1xf32, #tpu.memory_space<vmem>>, vector<128x1x1xf32>
    %get3A_603 = vector.shape_cast %get3A_602 : vector<128x1x1xf32> to vector<128x1xf32>
    %mul3A_604 = vector.broadcast %get3A_603 : vector<128x1xf32> to vector<128x128xf32>
    %mul3A_605 = arith.mulf %add3A_598, %mul3A_604 : vector<128x128xf32>
    %add3A_606 = vector.broadcast %get3A_7 : vector<1x128xf32> to vector<128x128xf32>
    %add3A_607 = arith.addf %mul3A_605, %add3A_606 : vector<128x128xf32>
    %max3A_608 = arith.constant 0.000000e+00 : f32
    %max3A_609 = vector.broadcast %max3A_608 : f32 to vector<128x128xf32>
    %max3A_610 = arith.maximumf %add3A_607, %max3A_609 : vector<128x128xf32>
    %get3A_611 = arith.constant 0 : index
    %get3A_612 = arith.constant 13 : index
    %get3A_613 = arith.constant 0 : index
    %get3A_614 = vector.load %arg3[%get3A_611, %get3A_612, %get3A_613] : memref<128x14x128xf32, #tpu.memory_space<vmem>>, vector<128x1x128xf32>
    %get3A_615 = vector.shape_cast %get3A_614 : vector<128x1x128xf32> to vector<128x128xf32>
    %add3A_616 = arith.addf %max3A_610, %get3A_615 : vector<128x128xf32>
    %dot_general3A_617 = arith.constant dense<0.000000e+00> : vector<128x64xf32>
    %dot_general3A_618 = tpu.matmul %add3A_616, %get3A_1, %dot_general3A_617 {dimension_numbers = #tpu.dot_dimension_numbers<[1], [0], [0], [1], [0, 0, 1, 1], [], []>, transpose_lhs_hint = false} : vector<128x128xf32>, vector<128x64xf32>, vector<128x64xf32> -> vector<128x64xf32>
    %swap3A_619 = arith.constant 13 : index
    %swap3A_620 = arith.constant 0 : index
    %swap3A_621 = arith.constant 0 : index
    %swap3A_622 = vector.load %arg16[%swap3A_619, %swap3A_620, %swap3A_621] : memref<14x128x64xf32, #tpu.memory_space<vmem>>, vector<1x128x64xf32>
    %swap3A_623 = vector.shape_cast %swap3A_622 : vector<1x128x64xf32> to vector<128x64xf32>
    %swap3A_624 = vector.shape_cast %dot_general3A_618 : vector<128x64xf32> to vector<1x128x64xf32>
    tpu.vector_store %arg16[%swap3A_619, %swap3A_620, %swap3A_621], %swap3A_624 {strides = array<i32>} : memref<14x128x64xf32, #tpu.memory_space<vmem>>, vector<1x128x64xf32>,
    %dot_general3A_625 = arith.constant dense<0.000000e+00> : vector<128x64xf32>
    %dot_general3A_626 = tpu.matmul %add3A_616, %get3A_4, %dot_general3A_625 {dimension_numbers = #tpu.dot_dimension_numbers<[1], [0], [0], [1], [0, 0, 1, 1], [], []>, transpose_lhs_hint = false} : vector<128x128xf32>, vector<128x64xf32>, vector<128x64xf32> -> vector<128x64xf32>
    %swap3A_627 = arith.constant 13 : index
    %swap3A_628 = arith.constant 0 : index
    %swap3A_629 = arith.constant 0 : index
    %swap3A_630 = vector.load %arg17[%swap3A_627, %swap3A_628, %swap3A_629] : memref<14x128x64xf32, #tpu.memory_space<vmem>>, vector<1x128x64xf32>
    %swap3A_631 = vector.shape_cast %swap3A_630 : vector<1x128x64xf32> to vector<128x64xf32>
    %swap3A_632 = vector.shape_cast %dot_general3A_626 : vector<128x64xf32> to vector<1x128x64xf32>
    tpu.vector_store %arg17[%swap3A_627, %swap3A_628, %swap3A_629], %swap3A_632 {strides = array<i32>} : memref<14x128x64xf32, #tpu.memory_space<vmem>>, vector<1x128x64xf32>,
    %get3A_633 = arith.constant 0 : index
    %get3A_634 = arith.constant 0 : index
    %get3A_635 = vector.load %arg9[%get3A_633, %get3A_634] : memref<1x64xf32, #tpu.memory_space<vmem>>, vector<1x64xf32>
    %get3A_636 = arith.constant 0 : index
    %get3A_637 = arith.constant 0 : index
    %get3A_638 = vector.load %arg10[%get3A_636, %get3A_637] : memref<1x64xf32, #tpu.memory_space<vmem>>, vector<1x64xf32>
    %get3A_639 = arith.constant 0 : index
    %get3A_640 = arith.constant 0 : index
    %get3A_641 = vector.load %arg11[%get3A_639, %get3A_640] : memref<64x64xf32, #tpu.memory_space<vmem>>, vector<64x64xf32>
    %get3A_642 = arith.constant 0 : index
    %get3A_643 = arith.constant 0 : index
    %get3A_644 = vector.load %arg12[%get3A_642, %get3A_643] : memref<1x64xf32, #tpu.memory_space<vmem>>, vector<1x64xf32>
    %broadcast_in_dim3A = arith.constant 0.000000e+00 : f32
    %broadcast_in_dim3A_645 = vector.broadcast %broadcast_in_dim3A : f32 to vector<128x64xf32>
    %get3A_646 = arith.constant 0 : index
    %get3A_647 = arith.constant 0 : index
    %get3A_648 = arith.constant 0 : index
    %get3A_649 = vector.load %arg16[%get3A_646, %get3A_647, %get3A_648] : memref<14x128x64xf32, #tpu.memory_space<vmem>>, vector<1x128x64xf32>
    %get3A_650 = vector.shape_cast %get3A_649 : vector<1x128x64xf32> to vector<128x64xf32>
    %get3A_651 = arith.constant 1 : index
    %get3A_652 = arith.constant 0 : index
    %get3A_653 = arith.constant 0 : index
    %get3A_654 = vector.load %arg17[%get3A_651, %get3A_652, %get3A_653] : memref<14x128x64xf32, #tpu.memory_space<vmem>>, vector<1x128x64xf32>
    %get3A_655 = vector.shape_cast %get3A_654 : vector<1x128x64xf32> to vector<128x64xf32>
    %add3A_656 = arith.addf %get3A_650, %get3A_655 : vector<128x64xf32>
    %get3A_657 = arith.constant 0 : index
    %get3A_658 = arith.constant 0 : index
    %get3A_659 = vector.load %arg5[%get3A_657, %get3A_658] : memref<128x28xf32, #tpu.memory_space<vmem>>, vector<128x1xf32>
    %mul3A_660 = vector.broadcast %get3A_659 : vector<128x1xf32> to vector<128x64xf32>
    %mul3A_661 = vector.broadcast %get3A_635 : vector<1x64xf32> to vector<128x64xf32>
    %mul3A_662 = arith.mulf %mul3A_660, %mul3A_661 : vector<128x64xf32>
    %add3A_663 = arith.addf %add3A_656, %mul3A_662 : vector<128x64xf32>
    %add3A_664 = vector.broadcast %get3A_638 : vector<1x64xf32> to vector<128x64xf32>
    %add3A_665 = arith.addf %add3A_663, %add3A_664 : vector<128x64xf32>
    %gt3A = arith.constant 0.000000e+00 : f32
    %gt3A_666 = vector.broadcast %gt3A : f32 to vector<128x64xf32>
    %gt3A_667 = arith.cmpf ogt, %add3A_665, %gt3A_666 : vector<128x64xf32>
    %mul3A_668 = arith.constant 0.00999999977 : f32
    %mul3A_669 = vector.broadcast %mul3A_668 : f32 to vector<128x64xf32>
    %mul3A_670 = arith.mulf %mul3A_669, %add3A_665 : vector<128x64xf32>
    %select_n3A = arith.select %gt3A_667, %add3A_665, %mul3A_670 : vector<128x64xi1>, vector<128x64xf32>
    %dot_general3A_671 = arith.constant dense<0.000000e+00> : vector<128x64xf32>
    %dot_general3A_672 = tpu.matmul %select_n3A, %get3A_641, %dot_general3A_671 {dimension_numbers = #tpu.dot_dimension_numbers<[1], [0], [0], [1], [0, 0, 1, 1], [], []>, transpose_lhs_hint = false} : vector<128x64xf32>, vector<64x64xf32>, vector<128x64xf32> -> vector<128x64xf32>
    %add3A_673 = vector.broadcast %get3A_644 : vector<1x64xf32> to vector<128x64xf32>
    %add3A_674 = arith.addf %dot_general3A_672, %add3A_673 : vector<128x64xf32>
    %gt3A_675 = arith.constant 0.000000e+00 : f32
    %gt3A_676 = vector.broadcast %gt3A_675 : f32 to vector<128x64xf32>
    %gt3A_677 = arith.cmpf ogt, %add3A_674, %gt3A_676 : vector<128x64xf32>
    %mul3A_678 = arith.constant 0.00999999977 : f32
    %mul3A_679 = vector.broadcast %mul3A_678 : f32 to vector<128x64xf32>
    %mul3A_680 = arith.mulf %mul3A_679, %add3A_674 : vector<128x64xf32>
    %select_n3A_681 = arith.select %gt3A_677, %add3A_674, %mul3A_680 : vector<128x64xi1>, vector<128x64xf32>
    %add3A_682 = arith.addf %broadcast_in_dim3A_645, %select_n3A_681 : vector<128x64xf32>
    %get3A_683 = arith.constant 0 : index
    %get3A_684 = arith.constant 0 : index
    %get3A_685 = arith.constant 0 : index
    %get3A_686 = vector.load %arg16[%get3A_683, %get3A_684, %get3A_685] : memref<14x128x64xf32, #tpu.memory_space<vmem>>, vector<1x128x64xf32>
    %get3A_687 = vector.shape_cast %get3A_686 : vector<1x128x64xf32> to vector<128x64xf32>
    %get3A_688 = arith.constant 2 : index
    %get3A_689 = arith.constant 0 : index
    %get3A_690 = arith.constant 0 : index
    %get3A_691 = vector.load %arg17[%get3A_688, %get3A_689, %get3A_690] : memref<14x128x64xf32, #tpu.memory_space<vmem>>, vector<1x128x64xf32>
    %get3A_692 = vector.shape_cast %get3A_691 : vector<1x128x64xf32> to vector<128x64xf32>
    %add3A_693 = arith.addf %get3A_687, %get3A_692 : vector<128x64xf32>
    %get3A_694 = arith.constant 0 : index
    %get3A_695 = arith.constant 14 : index
    %get3A_696 = vector.load %arg5[%get3A_694, %get3A_695] : memref<128x28xf32, #tpu.memory_space<vmem>>, vector<128x1xf32>
    %mul3A_697 = vector.broadcast %get3A_696 : vector<128x1xf32> to vector<128x64xf32>
    %mul3A_698 = vector.broadcast %get3A_635 : vector<1x64xf32> to vector<128x64xf32>
    %mul3A_699 = arith.mulf %mul3A_697, %mul3A_698 : vector<128x64xf32>
    %add3A_700 = arith.addf %add3A_693, %mul3A_699 : vector<128x64xf32>
    %add3A_701 = vector.broadcast %get3A_638 : vector<1x64xf32> to vector<128x64xf32>
    %add3A_702 = arith.addf %add3A_700, %add3A_701 : vector<128x64xf32>
    %gt3A_703 = arith.constant 0.000000e+00 : f32
    %gt3A_704 = vector.broadcast %gt3A_703 : f32 to vector<128x64xf32>
    %gt3A_705 = arith.cmpf ogt, %add3A_702, %gt3A_704 : vector<128x64xf32>
    %mul3A_706 = arith.constant 0.00999999977 : f32
    %mul3A_707 = vector.broadcast %mul3A_706 : f32 to vector<128x64xf32>
    %mul3A_708 = arith.mulf %mul3A_707, %add3A_702 : vector<128x64xf32>
    %select_n3A_709 = arith.select %gt3A_705, %add3A_702, %mul3A_708 : vector<128x64xi1>, vector<128x64xf32>
    %dot_general3A_710 = arith.constant dense<0.000000e+00> : vector<128x64xf32>
    %dot_general3A_711 = tpu.matmul %select_n3A_709, %get3A_641, %dot_general3A_710 {dimension_numbers = #tpu.dot_dimension_numbers<[1], [0], [0], [1], [0, 0, 1, 1], [], []>, transpose_lhs_hint = false} : vector<128x64xf32>, vector<64x64xf32>, vector<128x64xf32> -> vector<128x64xf32>
    %add3A_712 = vector.broadcast %get3A_644 : vector<1x64xf32> to vector<128x64xf32>
    %add3A_713 = arith.addf %dot_general3A_711, %add3A_712 : vector<128x64xf32>
    %gt3A_714 = arith.constant 0.000000e+00 : f32
    %gt3A_715 = vector.broadcast %gt3A_714 : f32 to vector<128x64xf32>
    %gt3A_716 = arith.cmpf ogt, %add3A_713, %gt3A_715 : vector<128x64xf32>
    %mul3A_717 = arith.constant 0.00999999977 : f32
    %mul3A_718 = vector.broadcast %mul3A_717 : f32 to vector<128x64xf32>
    %mul3A_719 = arith.mulf %mul3A_718, %add3A_713 : vector<128x64xf32>
    %select_n3A_720 = arith.select %gt3A_716, %add3A_713, %mul3A_719 : vector<128x64xi1>, vector<128x64xf32>
    %add3A_721 = arith.addf %add3A_682, %select_n3A_720 : vector<128x64xf32>
    %get3A_722 = arith.constant 1 : index
    %get3A_723 = arith.constant 0 : index
    %get3A_724 = arith.constant 0 : index
    %get3A_725 = vector.load %arg16[%get3A_722, %get3A_723, %get3A_724] : memref<14x128x64xf32, #tpu.memory_space<vmem>>, vector<1x128x64xf32>
    %get3A_726 = vector.shape_cast %get3A_725 : vector<1x128x64xf32> to vector<128x64xf32>
    %get3A_727 = arith.constant 2 : index
    %get3A_728 = arith.constant 0 : index
    %get3A_729 = arith.constant 0 : index
    %get3A_730 = vector.load %arg17[%get3A_727, %get3A_728, %get3A_729] : memref<14x128x64xf32, #tpu.memory_space<vmem>>, vector<1x128x64xf32>
    %get3A_731 = vector.shape_cast %get3A_730 : vector<1x128x64xf32> to vector<128x64xf32>
    %add3A_732 = arith.addf %get3A_726, %get3A_731 : vector<128x64xf32>
    %get3A_733 = arith.constant 0 : index
    %get3A_734 = arith.constant 1 : index
    %get3A_735 = vector.load %arg5[%get3A_733, %get3A_734] : memref<128x28xf32, #tpu.memory_space<vmem>>, vector<128x1xf32>
    %mul3A_736 = vector.broadcast %get3A_735 : vector<128x1xf32> to vector<128x64xf32>
    %mul3A_737 = vector.broadcast %get3A_635 : vector<1x64xf32> to vector<128x64xf32>
    %mul3A_738 = arith.mulf %mul3A_736, %mul3A_737 : vector<128x64xf32>
    %add3A_739 = arith.addf %add3A_732, %mul3A_738 : vector<128x64xf32>
    %add3A_740 = vector.broadcast %get3A_638 : vector<1x64xf32> to vector<128x64xf32>
    %add3A_741 = arith.addf %add3A_739, %add3A_740 : vector<128x64xf32>
    %gt3A_742 = arith.constant 0.000000e+00 : f32
    %gt3A_743 = vector.broadcast %gt3A_742 : f32 to vector<128x64xf32>
    %gt3A_744 = arith.cmpf ogt, %add3A_741, %gt3A_743 : vector<128x64xf32>
    %mul3A_745 = arith.constant 0.00999999977 : f32
    %mul3A_746 = vector.broadcast %mul3A_745 : f32 to vector<128x64xf32>
    %mul3A_747 = arith.mulf %mul3A_746, %add3A_741 : vector<128x64xf32>
    %select_n3A_748 = arith.select %gt3A_744, %add3A_741, %mul3A_747 : vector<128x64xi1>, vector<128x64xf32>
    %dot_general3A_749 = arith.constant dense<0.000000e+00> : vector<128x64xf32>
    %dot_general3A_750 = tpu.matmul %select_n3A_748, %get3A_641, %dot_general3A_749 {dimension_numbers = #tpu.dot_dimension_numbers<[1], [0], [0], [1], [0, 0, 1, 1], [], []>, transpose_lhs_hint = false} : vector<128x64xf32>, vector<64x64xf32>, vector<128x64xf32> -> vector<128x64xf32>
    %add3A_751 = vector.broadcast %get3A_644 : vector<1x64xf32> to vector<128x64xf32>
    %add3A_752 = arith.addf %dot_general3A_750, %add3A_751 : vector<128x64xf32>
    %gt3A_753 = arith.constant 0.000000e+00 : f32
    %gt3A_754 = vector.broadcast %gt3A_753 : f32 to vector<128x64xf32>
    %gt3A_755 = arith.cmpf ogt, %add3A_752, %gt3A_754 : vector<128x64xf32>
    %mul3A_756 = arith.constant 0.00999999977 : f32
    %mul3A_757 = vector.broadcast %mul3A_756 : f32 to vector<128x64xf32>
    %mul3A_758 = arith.mulf %mul3A_757, %add3A_752 : vector<128x64xf32>
    %select_n3A_759 = arith.select %gt3A_755, %add3A_752, %mul3A_758 : vector<128x64xi1>, vector<128x64xf32>
    %add3A_760 = arith.addf %add3A_721, %select_n3A_759 : vector<128x64xf32>
    %get3A_761 = arith.constant 1 : index
    %get3A_762 = arith.constant 0 : index
    %get3A_763 = arith.constant 0 : index
    %get3A_764 = vector.load %arg16[%get3A_761, %get3A_762, %get3A_763] : memref<14x128x64xf32, #tpu.memory_space<vmem>>, vector<1x128x64xf32>
    %get3A_765 = vector.shape_cast %get3A_764 : vector<1x128x64xf32> to vector<128x64xf32>
    %get3A_766 = arith.constant 3 : index
    %get3A_767 = arith.constant 0 : index
    %get3A_768 = arith.constant 0 : index
    %get3A_769 = vector.load %arg17[%get3A_766, %get3A_767, %get3A_768] : memref<14x128x64xf32, #tpu.memory_space<vmem>>, vector<1x128x64xf32>
    %get3A_770 = vector.shape_cast %get3A_769 : vector<1x128x64xf32> to vector<128x64xf32>
    %add3A_771 = arith.addf %get3A_765, %get3A_770 : vector<128x64xf32>
    %get3A_772 = arith.constant 0 : index
    %get3A_773 = arith.constant 15 : index
    %get3A_774 = vector.load %arg5[%get3A_772, %get3A_773] : memref<128x28xf32, #tpu.memory_space<vmem>>, vector<128x1xf32>
    %mul3A_775 = vector.broadcast %get3A_774 : vector<128x1xf32> to vector<128x64xf32>
    %mul3A_776 = vector.broadcast %get3A_635 : vector<1x64xf32> to vector<128x64xf32>
    %mul3A_777 = arith.mulf %mul3A_775, %mul3A_776 : vector<128x64xf32>
    %add3A_778 = arith.addf %add3A_771, %mul3A_777 : vector<128x64xf32>
    %add3A_779 = vector.broadcast %get3A_638 : vector<1x64xf32> to vector<128x64xf32>
    %add3A_780 = arith.addf %add3A_778, %add3A_779 : vector<128x64xf32>
    %gt3A_781 = arith.constant 0.000000e+00 : f32
    %gt3A_782 = vector.broadcast %gt3A_781 : f32 to vector<128x64xf32>
    %gt3A_783 = arith.cmpf ogt, %add3A_780, %gt3A_782 : vector<128x64xf32>
    %mul3A_784 = arith.constant 0.00999999977 : f32
    %mul3A_785 = vector.broadcast %mul3A_784 : f32 to vector<128x64xf32>
    %mul3A_786 = arith.mulf %mul3A_785, %add3A_780 : vector<128x64xf32>
    %select_n3A_787 = arith.select %gt3A_783, %add3A_780, %mul3A_786 : vector<128x64xi1>, vector<128x64xf32>
    %dot_general3A_788 = arith.constant dense<0.000000e+00> : vector<128x64xf32>
    %dot_general3A_789 = tpu.matmul %select_n3A_787, %get3A_641, %dot_general3A_788 {dimension_numbers = #tpu.dot_dimension_numbers<[1], [0], [0], [1], [0, 0, 1, 1], [], []>, transpose_lhs_hint = false} : vector<128x64xf32>, vector<64x64xf32>, vector<128x64xf32> -> vector<128x64xf32>
    %add3A_790 = vector.broadcast %get3A_644 : vector<1x64xf32> to vector<128x64xf32>
    %add3A_791 = arith.addf %dot_general3A_789, %add3A_790 : vector<128x64xf32>
    %gt3A_792 = arith.constant 0.000000e+00 : f32
    %gt3A_793 = vector.broadcast %gt3A_792 : f32 to vector<128x64xf32>
    %gt3A_794 = arith.cmpf ogt, %add3A_791, %gt3A_793 : vector<128x64xf32>
    %mul3A_795 = arith.constant 0.00999999977 : f32
    %mul3A_796 = vector.broadcast %mul3A_795 : f32 to vector<128x64xf32>
    %mul3A_797 = arith.mulf %mul3A_796, %add3A_791 : vector<128x64xf32>
    %select_n3A_798 = arith.select %gt3A_794, %add3A_791, %mul3A_797 : vector<128x64xi1>, vector<128x64xf32>
    %add3A_799 = arith.addf %add3A_760, %select_n3A_798 : vector<128x64xf32>
    %get3A_800 = arith.constant 2 : index
    %get3A_801 = arith.constant 0 : index
    %get3A_802 = arith.constant 0 : index
    %get3A_803 = vector.load %arg16[%get3A_800, %get3A_801, %get3A_802] : memref<14x128x64xf32, #tpu.memory_space<vmem>>, vector<1x128x64xf32>
    %get3A_804 = vector.shape_cast %get3A_803 : vector<1x128x64xf32> to vector<128x64xf32>
    %get3A_805 = arith.constant 3 : index
    %get3A_806 = arith.constant 0 : index
    %get3A_807 = arith.constant 0 : index
    %get3A_808 = vector.load %arg17[%get3A_805, %get3A_806, %get3A_807] : memref<14x128x64xf32, #tpu.memory_space<vmem>>, vector<1x128x64xf32>
    %get3A_809 = vector.shape_cast %get3A_808 : vector<1x128x64xf32> to vector<128x64xf32>
    %add3A_810 = arith.addf %get3A_804, %get3A_809 : vector<128x64xf32>
    %get3A_811 = arith.constant 0 : index
    %get3A_812 = arith.constant 2 : index
    %get3A_813 = vector.load %arg5[%get3A_811, %get3A_812] : memref<128x28xf32, #tpu.memory_space<vmem>>, vector<128x1xf32>
    %mul3A_814 = vector.broadcast %get3A_813 : vector<128x1xf32> to vector<128x64xf32>
    %mul3A_815 = vector.broadcast %get3A_635 : vector<1x64xf32> to vector<128x64xf32>
    %mul3A_816 = arith.mulf %mul3A_814, %mul3A_815 : vector<128x64xf32>
    %add3A_817 = arith.addf %add3A_810, %mul3A_816 : vector<128x64xf32>
    %add3A_818 = vector.broadcast %get3A_638 : vector<1x64xf32> to vector<128x64xf32>
    %add3A_819 = arith.addf %add3A_817, %add3A_818 : vector<128x64xf32>
    %gt3A_820 = arith.constant 0.000000e+00 : f32
    %gt3A_821 = vector.broadcast %gt3A_820 : f32 to vector<128x64xf32>
    %gt3A_822 = arith.cmpf ogt, %add3A_819, %gt3A_821 : vector<128x64xf32>
    %mul3A_823 = arith.constant 0.00999999977 : f32
    %mul3A_824 = vector.broadcast %mul3A_823 : f32 to vector<128x64xf32>
    %mul3A_825 = arith.mulf %mul3A_824, %add3A_819 : vector<128x64xf32>
    %select_n3A_826 = arith.select %gt3A_822, %add3A_819, %mul3A_825 : vector<128x64xi1>, vector<128x64xf32>
    %dot_general3A_827 = arith.constant dense<0.000000e+00> : vector<128x64xf32>
    %dot_general3A_828 = tpu.matmul %select_n3A_826, %get3A_641, %dot_general3A_827 {dimension_numbers = #tpu.dot_dimension_numbers<[1], [0], [0], [1], [0, 0, 1, 1], [], []>, transpose_lhs_hint = false} : vector<128x64xf32>, vector<64x64xf32>, vector<128x64xf32> -> vector<128x64xf32>
    %add3A_829 = vector.broadcast %get3A_644 : vector<1x64xf32> to vector<128x64xf32>
    %add3A_830 = arith.addf %dot_general3A_828, %add3A_829 : vector<128x64xf32>
    %gt3A_831 = arith.constant 0.000000e+00 : f32
    %gt3A_832 = vector.broadcast %gt3A_831 : f32 to vector<128x64xf32>
    %gt3A_833 = arith.cmpf ogt, %add3A_830, %gt3A_832 : vector<128x64xf32>
    %mul3A_834 = arith.constant 0.00999999977 : f32
    %mul3A_835 = vector.broadcast %mul3A_834 : f32 to vector<128x64xf32>
    %mul3A_836 = arith.mulf %mul3A_835, %add3A_830 : vector<128x64xf32>
    %select_n3A_837 = arith.select %gt3A_833, %add3A_830, %mul3A_836 : vector<128x64xi1>, vector<128x64xf32>
    %add3A_838 = arith.addf %add3A_799, %select_n3A_837 : vector<128x64xf32>
    %get3A_839 = arith.constant 2 : index
    %get3A_840 = arith.constant 0 : index
    %get3A_841 = arith.constant 0 : index
    %get3A_842 = vector.load %arg16[%get3A_839, %get3A_840, %get3A_841] : memref<14x128x64xf32, #tpu.memory_space<vmem>>, vector<1x128x64xf32>
    %get3A_843 = vector.shape_cast %get3A_842 : vector<1x128x64xf32> to vector<128x64xf32>
    %get3A_844 = arith.constant 4 : index
    %get3A_845 = arith.constant 0 : index
    %get3A_846 = arith.constant 0 : index
    %get3A_847 = vector.load %arg17[%get3A_844, %get3A_845, %get3A_846] : memref<14x128x64xf32, #tpu.memory_space<vmem>>, vector<1x128x64xf32>
    %get3A_848 = vector.shape_cast %get3A_847 : vector<1x128x64xf32> to vector<128x64xf32>
    %add3A_849 = arith.addf %get3A_843, %get3A_848 : vector<128x64xf32>
    %get3A_850 = arith.constant 0 : index
    %get3A_851 = arith.constant 16 : index
    %get3A_852 = vector.load %arg5[%get3A_850, %get3A_851] : memref<128x28xf32, #tpu.memory_space<vmem>>, vector<128x1xf32>
    %mul3A_853 = vector.broadcast %get3A_852 : vector<128x1xf32> to vector<128x64xf32>
    %mul3A_854 = vector.broadcast %get3A_635 : vector<1x64xf32> to vector<128x64xf32>
    %mul3A_855 = arith.mulf %mul3A_853, %mul3A_854 : vector<128x64xf32>
    %add3A_856 = arith.addf %add3A_849, %mul3A_855 : vector<128x64xf32>
    %add3A_857 = vector.broadcast %get3A_638 : vector<1x64xf32> to vector<128x64xf32>
    %add3A_858 = arith.addf %add3A_856, %add3A_857 : vector<128x64xf32>
    %gt3A_859 = arith.constant 0.000000e+00 : f32
    %gt3A_860 = vector.broadcast %gt3A_859 : f32 to vector<128x64xf32>
    %gt3A_861 = arith.cmpf ogt, %add3A_858, %gt3A_860 : vector<128x64xf32>
    %mul3A_862 = arith.constant 0.00999999977 : f32
    %mul3A_863 = vector.broadcast %mul3A_862 : f32 to vector<128x64xf32>
    %mul3A_864 = arith.mulf %mul3A_863, %add3A_858 : vector<128x64xf32>
    %select_n3A_865 = arith.select %gt3A_861, %add3A_858, %mul3A_864 : vector<128x64xi1>, vector<128x64xf32>
    %dot_general3A_866 = arith.constant dense<0.000000e+00> : vector<128x64xf32>
    %dot_general3A_867 = tpu.matmul %select_n3A_865, %get3A_641, %dot_general3A_866 {dimension_numbers = #tpu.dot_dimension_numbers<[1], [0], [0], [1], [0, 0, 1, 1], [], []>, transpose_lhs_hint = false} : vector<128x64xf32>, vector<64x64xf32>, vector<128x64xf32> -> vector<128x64xf32>
    %add3A_868 = vector.broadcast %get3A_644 : vector<1x64xf32> to vector<128x64xf32>
    %add3A_869 = arith.addf %dot_general3A_867, %add3A_868 : vector<128x64xf32>
    %gt3A_870 = arith.constant 0.000000e+00 : f32
    %gt3A_871 = vector.broadcast %gt3A_870 : f32 to vector<128x64xf32>
    %gt3A_872 = arith.cmpf ogt, %add3A_869, %gt3A_871 : vector<128x64xf32>
    %mul3A_873 = arith.constant 0.00999999977 : f32
    %mul3A_874 = vector.broadcast %mul3A_873 : f32 to vector<128x64xf32>
    %mul3A_875 = arith.mulf %mul3A_874, %add3A_869 : vector<128x64xf32>
    %select_n3A_876 = arith.select %gt3A_872, %add3A_869, %mul3A_875 : vector<128x64xi1>, vector<128x64xf32>
    %add3A_877 = arith.addf %add3A_838, %select_n3A_876 : vector<128x64xf32>
    %get3A_878 = arith.constant 3 : index
    %get3A_879 = arith.constant 0 : index
    %get3A_880 = arith.constant 0 : index
    %get3A_881 = vector.load %arg16[%get3A_878, %get3A_879, %get3A_880] : memref<14x128x64xf32, #tpu.memory_space<vmem>>, vector<1x128x64xf32>
    %get3A_882 = vector.shape_cast %get3A_881 : vector<1x128x64xf32> to vector<128x64xf32>
    %get3A_883 = arith.constant 4 : index
    %get3A_884 = arith.constant 0 : index
    %get3A_885 = arith.constant 0 : index
    %get3A_886 = vector.load %arg17[%get3A_883, %get3A_884, %get3A_885] : memref<14x128x64xf32, #tpu.memory_space<vmem>>, vector<1x128x64xf32>
    %get3A_887 = vector.shape_cast %get3A_886 : vector<1x128x64xf32> to vector<128x64xf32>
    %add3A_888 = arith.addf %get3A_882, %get3A_887 : vector<128x64xf32>
    %get3A_889 = arith.constant 0 : index
    %get3A_890 = arith.constant 3 : index
    %get3A_891 = vector.load %arg5[%get3A_889, %get3A_890] : memref<128x28xf32, #tpu.memory_space<vmem>>, vector<128x1xf32>
    %mul3A_892 = vector.broadcast %get3A_891 : vector<128x1xf32> to vector<128x64xf32>
    %mul3A_893 = vector.broadcast %get3A_635 : vector<1x64xf32> to vector<128x64xf32>
    %mul3A_894 = arith.mulf %mul3A_892, %mul3A_893 : vector<128x64xf32>
    %add3A_895 = arith.addf %add3A_888, %mul3A_894 : vector<128x64xf32>
    %add3A_896 = vector.broadcast %get3A_638 : vector<1x64xf32> to vector<128x64xf32>
    %add3A_897 = arith.addf %add3A_895, %add3A_896 : vector<128x64xf32>
    %gt3A_898 = arith.constant 0.000000e+00 : f32
    %gt3A_899 = vector.broadcast %gt3A_898 : f32 to vector<128x64xf32>
    %gt3A_900 = arith.cmpf ogt, %add3A_897, %gt3A_899 : vector<128x64xf32>
    %mul3A_901 = arith.constant 0.00999999977 : f32
    %mul3A_902 = vector.broadcast %mul3A_901 : f32 to vector<128x64xf32>
    %mul3A_903 = arith.mulf %mul3A_902, %add3A_897 : vector<128x64xf32>
    %select_n3A_904 = arith.select %gt3A_900, %add3A_897, %mul3A_903 : vector<128x64xi1>, vector<128x64xf32>
    %dot_general3A_905 = arith.constant dense<0.000000e+00> : vector<128x64xf32>
    %dot_general3A_906 = tpu.matmul %select_n3A_904, %get3A_641, %dot_general3A_905 {dimension_numbers = #tpu.dot_dimension_numbers<[1], [0], [0], [1], [0, 0, 1, 1], [], []>, transpose_lhs_hint = false} : vector<128x64xf32>, vector<64x64xf32>, vector<128x64xf32> -> vector<128x64xf32>
    %add3A_907 = vector.broadcast %get3A_644 : vector<1x64xf32> to vector<128x64xf32>
    %add3A_908 = arith.addf %dot_general3A_906, %add3A_907 : vector<128x64xf32>
    %gt3A_909 = arith.constant 0.000000e+00 : f32
    %gt3A_910 = vector.broadcast %gt3A_909 : f32 to vector<128x64xf32>
    %gt3A_911 = arith.cmpf ogt, %add3A_908, %gt3A_910 : vector<128x64xf32>
    %mul3A_912 = arith.constant 0.00999999977 : f32
    %mul3A_913 = vector.broadcast %mul3A_912 : f32 to vector<128x64xf32>
    %mul3A_914 = arith.mulf %mul3A_913, %add3A_908 : vector<128x64xf32>
    %select_n3A_915 = arith.select %gt3A_911, %add3A_908, %mul3A_914 : vector<128x64xi1>, vector<128x64xf32>
    %add3A_916 = arith.addf %add3A_877, %select_n3A_915 : vector<128x64xf32>
    %get3A_917 = arith.constant 3 : index
    %get3A_918 = arith.constant 0 : index
    %get3A_919 = arith.constant 0 : index
    %get3A_920 = vector.load %arg16[%get3A_917, %get3A_918, %get3A_919] : memref<14x128x64xf32, #tpu.memory_space<vmem>>, vector<1x128x64xf32>
    %get3A_921 = vector.shape_cast %get3A_920 : vector<1x128x64xf32> to vector<128x64xf32>
    %get3A_922 = arith.constant 5 : index
    %get3A_923 = arith.constant 0 : index
    %get3A_924 = arith.constant 0 : index
    %get3A_925 = vector.load %arg17[%get3A_922, %get3A_923, %get3A_924] : memref<14x128x64xf32, #tpu.memory_space<vmem>>, vector<1x128x64xf32>
    %get3A_926 = vector.shape_cast %get3A_925 : vector<1x128x64xf32> to vector<128x64xf32>
    %add3A_927 = arith.addf %get3A_921, %get3A_926 : vector<128x64xf32>
    %get3A_928 = arith.constant 0 : index
    %get3A_929 = arith.constant 17 : index
    %get3A_930 = vector.load %arg5[%get3A_928, %get3A_929] : memref<128x28xf32, #tpu.memory_space<vmem>>, vector<128x1xf32>
    %mul3A_931 = vector.broadcast %get3A_930 : vector<128x1xf32> to vector<128x64xf32>
    %mul3A_932 = vector.broadcast %get3A_635 : vector<1x64xf32> to vector<128x64xf32>
    %mul3A_933 = arith.mulf %mul3A_931, %mul3A_932 : vector<128x64xf32>
    %add3A_934 = arith.addf %add3A_927, %mul3A_933 : vector<128x64xf32>
    %add3A_935 = vector.broadcast %get3A_638 : vector<1x64xf32> to vector<128x64xf32>
    %add3A_936 = arith.addf %add3A_934, %add3A_935 : vector<128x64xf32>
    %gt3A_937 = arith.constant 0.000000e+00 : f32
    %gt3A_938 = vector.broadcast %gt3A_937 : f32 to vector<128x64xf32>
    %gt3A_939 = arith.cmpf ogt, %add3A_936, %gt3A_938 : vector<128x64xf32>
    %mul3A_940 = arith.constant 0.00999999977 : f32
    %mul3A_941 = vector.broadcast %mul3A_940 : f32 to vector<128x64xf32>
    %mul3A_942 = arith.mulf %mul3A_941, %add3A_936 : vector<128x64xf32>
    %select_n3A_943 = arith.select %gt3A_939, %add3A_936, %mul3A_942 : vector<128x64xi1>, vector<128x64xf32>
    %dot_general3A_944 = arith.constant dense<0.000000e+00> : vector<128x64xf32>
    %dot_general3A_945 = tpu.matmul %select_n3A_943, %get3A_641, %dot_general3A_944 {dimension_numbers = #tpu.dot_dimension_numbers<[1], [0], [0], [1], [0, 0, 1, 1], [], []>, transpose_lhs_hint = false} : vector<128x64xf32>, vector<64x64xf32>, vector<128x64xf32> -> vector<128x64xf32>
    %add3A_946 = vector.broadcast %get3A_644 : vector<1x64xf32> to vector<128x64xf32>
    %add3A_947 = arith.addf %dot_general3A_945, %add3A_946 : vector<128x64xf32>
    %gt3A_948 = arith.constant 0.000000e+00 : f32
    %gt3A_949 = vector.broadcast %gt3A_948 : f32 to vector<128x64xf32>
    %gt3A_950 = arith.cmpf ogt, %add3A_947, %gt3A_949 : vector<128x64xf32>
    %mul3A_951 = arith.constant 0.00999999977 : f32
    %mul3A_952 = vector.broadcast %mul3A_951 : f32 to vector<128x64xf32>
    %mul3A_953 = arith.mulf %mul3A_952, %add3A_947 : vector<128x64xf32>
    %select_n3A_954 = arith.select %gt3A_950, %add3A_947, %mul3A_953 : vector<128x64xi1>, vector<128x64xf32>
    %add3A_955 = arith.addf %add3A_916, %select_n3A_954 : vector<128x64xf32>
    %get3A_956 = arith.constant 4 : index
    %get3A_957 = arith.constant 0 : index
    %get3A_958 = arith.constant 0 : index
    %get3A_959 = vector.load %arg16[%get3A_956, %get3A_957, %get3A_958] : memref<14x128x64xf32, #tpu.memory_space<vmem>>, vector<1x128x64xf32>
    %get3A_960 = vector.shape_cast %get3A_959 : vector<1x128x64xf32> to vector<128x64xf32>
    %get3A_961 = arith.constant 5 : index
    %get3A_962 = arith.constant 0 : index
    %get3A_963 = arith.constant 0 : index
    %get3A_964 = vector.load %arg17[%get3A_961, %get3A_962, %get3A_963] : memref<14x128x64xf32, #tpu.memory_space<vmem>>, vector<1x128x64xf32>
    %get3A_965 = vector.shape_cast %get3A_964 : vector<1x128x64xf32> to vector<128x64xf32>
    %add3A_966 = arith.addf %get3A_960, %get3A_965 : vector<128x64xf32>
    %get3A_967 = arith.constant 0 : index
    %get3A_968 = arith.constant 4 : index
    %get3A_969 = vector.load %arg5[%get3A_967, %get3A_968] : memref<128x28xf32, #tpu.memory_space<vmem>>, vector<128x1xf32>
    %mul3A_970 = vector.broadcast %get3A_969 : vector<128x1xf32> to vector<128x64xf32>
    %mul3A_971 = vector.broadcast %get3A_635 : vector<1x64xf32> to vector<128x64xf32>
    %mul3A_972 = arith.mulf %mul3A_970, %mul3A_971 : vector<128x64xf32>
    %add3A_973 = arith.addf %add3A_966, %mul3A_972 : vector<128x64xf32>
    %add3A_974 = vector.broadcast %get3A_638 : vector<1x64xf32> to vector<128x64xf32>
    %add3A_975 = arith.addf %add3A_973, %add3A_974 : vector<128x64xf32>
    %gt3A_976 = arith.constant 0.000000e+00 : f32
    %gt3A_977 = vector.broadcast %gt3A_976 : f32 to vector<128x64xf32>
    %gt3A_978 = arith.cmpf ogt, %add3A_975, %gt3A_977 : vector<128x64xf32>
    %mul3A_979 = arith.constant 0.00999999977 : f32
    %mul3A_980 = vector.broadcast %mul3A_979 : f32 to vector<128x64xf32>
    %mul3A_981 = arith.mulf %mul3A_980, %add3A_975 : vector<128x64xf32>
    %select_n3A_982 = arith.select %gt3A_978, %add3A_975, %mul3A_981 : vector<128x64xi1>, vector<128x64xf32>
    %dot_general3A_983 = arith.constant dense<0.000000e+00> : vector<128x64xf32>
    %dot_general3A_984 = tpu.matmul %select_n3A_982, %get3A_641, %dot_general3A_983 {dimension_numbers = #tpu.dot_dimension_numbers<[1], [0], [0], [1], [0, 0, 1, 1], [], []>, transpose_lhs_hint = false} : vector<128x64xf32>, vector<64x64xf32>, vector<128x64xf32> -> vector<128x64xf32>
    %add3A_985 = vector.broadcast %get3A_644 : vector<1x64xf32> to vector<128x64xf32>
    %add3A_986 = arith.addf %dot_general3A_984, %add3A_985 : vector<128x64xf32>
    %gt3A_987 = arith.constant 0.000000e+00 : f32
    %gt3A_988 = vector.broadcast %gt3A_987 : f32 to vector<128x64xf32>
    %gt3A_989 = arith.cmpf ogt, %add3A_986, %gt3A_988 : vector<128x64xf32>
    %mul3A_990 = arith.constant 0.00999999977 : f32
    %mul3A_991 = vector.broadcast %mul3A_990 : f32 to vector<128x64xf32>
    %mul3A_992 = arith.mulf %mul3A_991, %add3A_986 : vector<128x64xf32>
    %select_n3A_993 = arith.select %gt3A_989, %add3A_986, %mul3A_992 : vector<128x64xi1>, vector<128x64xf32>
    %add3A_994 = arith.addf %add3A_955, %select_n3A_993 : vector<128x64xf32>
    %get3A_995 = arith.constant 4 : index
    %get3A_996 = arith.constant 0 : index
    %get3A_997 = arith.constant 0 : index
    %get3A_998 = vector.load %arg16[%get3A_995, %get3A_996, %get3A_997] : memref<14x128x64xf32, #tpu.memory_space<vmem>>, vector<1x128x64xf32>
    %get3A_999 = vector.shape_cast %get3A_998 : vector<1x128x64xf32> to vector<128x64xf32>
    %get3A_1000 = arith.constant 6 : index
    %get3A_1001 = arith.constant 0 : index
    %get3A_1002 = arith.constant 0 : index
    %get3A_1003 = vector.load %arg17[%get3A_1000, %get3A_1001, %get3A_1002] : memref<14x128x64xf32, #tpu.memory_space<vmem>>, vector<1x128x64xf32>
    %get3A_1004 = vector.shape_cast %get3A_1003 : vector<1x128x64xf32> to vector<128x64xf32>
    %add3A_1005 = arith.addf %get3A_999, %get3A_1004 : vector<128x64xf32>
    %get3A_1006 = arith.constant 0 : index
    %get3A_1007 = arith.constant 18 : index
    %get3A_1008 = vector.load %arg5[%get3A_1006, %get3A_1007] : memref<128x28xf32, #tpu.memory_space<vmem>>, vector<128x1xf32>
    %mul3A_1009 = vector.broadcast %get3A_1008 : vector<128x1xf32> to vector<128x64xf32>
    %mul3A_1010 = vector.broadcast %get3A_635 : vector<1x64xf32> to vector<128x64xf32>
    %mul3A_1011 = arith.mulf %mul3A_1009, %mul3A_1010 : vector<128x64xf32>
    %add3A_1012 = arith.addf %add3A_1005, %mul3A_1011 : vector<128x64xf32>
    %add3A_1013 = vector.broadcast %get3A_638 : vector<1x64xf32> to vector<128x64xf32>
    %add3A_1014 = arith.addf %add3A_1012, %add3A_1013 : vector<128x64xf32>
    %gt3A_1015 = arith.constant 0.000000e+00 : f32
    %gt3A_1016 = vector.broadcast %gt3A_1015 : f32 to vector<128x64xf32>
    %gt3A_1017 = arith.cmpf ogt, %add3A_1014, %gt3A_1016 : vector<128x64xf32>
    %mul3A_1018 = arith.constant 0.00999999977 : f32
    %mul3A_1019 = vector.broadcast %mul3A_1018 : f32 to vector<128x64xf32>
    %mul3A_1020 = arith.mulf %mul3A_1019, %add3A_1014 : vector<128x64xf32>
    %select_n3A_1021 = arith.select %gt3A_1017, %add3A_1014, %mul3A_1020 : vector<128x64xi1>, vector<128x64xf32>
    %dot_general3A_1022 = arith.constant dense<0.000000e+00> : vector<128x64xf32>
    %dot_general3A_1023 = tpu.matmul %select_n3A_1021, %get3A_641, %dot_general3A_1022 {dimension_numbers = #tpu.dot_dimension_numbers<[1], [0], [0], [1], [0, 0, 1, 1], [], []>, transpose_lhs_hint = false} : vector<128x64xf32>, vector<64x64xf32>, vector<128x64xf32> -> vector<128x64xf32>
    %add3A_1024 = vector.broadcast %get3A_644 : vector<1x64xf32> to vector<128x64xf32>
    %add3A_1025 = arith.addf %dot_general3A_1023, %add3A_1024 : vector<128x64xf32>
    %gt3A_1026 = arith.constant 0.000000e+00 : f32
    %gt3A_1027 = vector.broadcast %gt3A_1026 : f32 to vector<128x64xf32>
    %gt3A_1028 = arith.cmpf ogt, %add3A_1025, %gt3A_1027 : vector<128x64xf32>
    %mul3A_1029 = arith.constant 0.00999999977 : f32
    %mul3A_1030 = vector.broadcast %mul3A_1029 : f32 to vector<128x64xf32>
    %mul3A_1031 = arith.mulf %mul3A_1030, %add3A_1025 : vector<128x64xf32>
    %select_n3A_1032 = arith.select %gt3A_1028, %add3A_1025, %mul3A_1031 : vector<128x64xi1>, vector<128x64xf32>
    %add3A_1033 = arith.addf %add3A_994, %select_n3A_1032 : vector<128x64xf32>
    %get3A_1034 = arith.constant 5 : index
    %get3A_1035 = arith.constant 0 : index
    %get3A_1036 = arith.constant 0 : index
    %get3A_1037 = vector.load %arg16[%get3A_1034, %get3A_1035, %get3A_1036] : memref<14x128x64xf32, #tpu.memory_space<vmem>>, vector<1x128x64xf32>
    %get3A_1038 = vector.shape_cast %get3A_1037 : vector<1x128x64xf32> to vector<128x64xf32>
    %get3A_1039 = arith.constant 6 : index
    %get3A_1040 = arith.constant 0 : index
    %get3A_1041 = arith.constant 0 : index
    %get3A_1042 = vector.load %arg17[%get3A_1039, %get3A_1040, %get3A_1041] : memref<14x128x64xf32, #tpu.memory_space<vmem>>, vector<1x128x64xf32>
    %get3A_1043 = vector.shape_cast %get3A_1042 : vector<1x128x64xf32> to vector<128x64xf32>
    %add3A_1044 = arith.addf %get3A_1038, %get3A_1043 : vector<128x64xf32>
    %get3A_1045 = arith.constant 0 : index
    %get3A_1046 = arith.constant 5 : index
    %get3A_1047 = vector.load %arg5[%get3A_1045, %get3A_1046] : memref<128x28xf32, #tpu.memory_space<vmem>>, vector<128x1xf32>
    %mul3A_1048 = vector.broadcast %get3A_1047 : vector<128x1xf32> to vector<128x64xf32>
    %mul3A_1049 = vector.broadcast %get3A_635 : vector<1x64xf32> to vector<128x64xf32>
    %mul3A_1050 = arith.mulf %mul3A_1048, %mul3A_1049 : vector<128x64xf32>
    %add3A_1051 = arith.addf %add3A_1044, %mul3A_1050 : vector<128x64xf32>
    %add3A_1052 = vector.broadcast %get3A_638 : vector<1x64xf32> to vector<128x64xf32>
    %add3A_1053 = arith.addf %add3A_1051, %add3A_1052 : vector<128x64xf32>
    %gt3A_1054 = arith.constant 0.000000e+00 : f32
    %gt3A_1055 = vector.broadcast %gt3A_1054 : f32 to vector<128x64xf32>
    %gt3A_1056 = arith.cmpf ogt, %add3A_1053, %gt3A_1055 : vector<128x64xf32>
    %mul3A_1057 = arith.constant 0.00999999977 : f32
    %mul3A_1058 = vector.broadcast %mul3A_1057 : f32 to vector<128x64xf32>
    %mul3A_1059 = arith.mulf %mul3A_1058, %add3A_1053 : vector<128x64xf32>
    %select_n3A_1060 = arith.select %gt3A_1056, %add3A_1053, %mul3A_1059 : vector<128x64xi1>, vector<128x64xf32>
    %dot_general3A_1061 = arith.constant dense<0.000000e+00> : vector<128x64xf32>
    %dot_general3A_1062 = tpu.matmul %select_n3A_1060, %get3A_641, %dot_general3A_1061 {dimension_numbers = #tpu.dot_dimension_numbers<[1], [0], [0], [1], [0, 0, 1, 1], [], []>, transpose_lhs_hint = false} : vector<128x64xf32>, vector<64x64xf32>, vector<128x64xf32> -> vector<128x64xf32>
    %add3A_1063 = vector.broadcast %get3A_644 : vector<1x64xf32> to vector<128x64xf32>
    %add3A_1064 = arith.addf %dot_general3A_1062, %add3A_1063 : vector<128x64xf32>
    %gt3A_1065 = arith.constant 0.000000e+00 : f32
    %gt3A_1066 = vector.broadcast %gt3A_1065 : f32 to vector<128x64xf32>
    %gt3A_1067 = arith.cmpf ogt, %add3A_1064, %gt3A_1066 : vector<128x64xf32>
    %mul3A_1068 = arith.constant 0.00999999977 : f32
    %mul3A_1069 = vector.broadcast %mul3A_1068 : f32 to vector<128x64xf32>
    %mul3A_1070 = arith.mulf %mul3A_1069, %add3A_1064 : vector<128x64xf32>
    %select_n3A_1071 = arith.select %gt3A_1067, %add3A_1064, %mul3A_1070 : vector<128x64xi1>, vector<128x64xf32>
    %add3A_1072 = arith.addf %add3A_1033, %select_n3A_1071 : vector<128x64xf32>
    %get3A_1073 = arith.constant 5 : index
    %get3A_1074 = arith.constant 0 : index
    %get3A_1075 = arith.constant 0 : index
    %get3A_1076 = vector.load %arg16[%get3A_1073, %get3A_1074, %get3A_1075] : memref<14x128x64xf32, #tpu.memory_space<vmem>>, vector<1x128x64xf32>
    %get3A_1077 = vector.shape_cast %get3A_1076 : vector<1x128x64xf32> to vector<128x64xf32>
    %get3A_1078 = arith.constant 7 : index
    %get3A_1079 = arith.constant 0 : index
    %get3A_1080 = arith.constant 0 : index
    %get3A_1081 = vector.load %arg17[%get3A_1078, %get3A_1079, %get3A_1080] : memref<14x128x64xf32, #tpu.memory_space<vmem>>, vector<1x128x64xf32>
    %get3A_1082 = vector.shape_cast %get3A_1081 : vector<1x128x64xf32> to vector<128x64xf32>
    %add3A_1083 = arith.addf %get3A_1077, %get3A_1082 : vector<128x64xf32>
    %get3A_1084 = arith.constant 0 : index
    %get3A_1085 = arith.constant 19 : index
    %get3A_1086 = vector.load %arg5[%get3A_1084, %get3A_1085] : memref<128x28xf32, #tpu.memory_space<vmem>>, vector<128x1xf32>
    %mul3A_1087 = vector.broadcast %get3A_1086 : vector<128x1xf32> to vector<128x64xf32>
    %mul3A_1088 = vector.broadcast %get3A_635 : vector<1x64xf32> to vector<128x64xf32>
    %mul3A_1089 = arith.mulf %mul3A_1087, %mul3A_1088 : vector<128x64xf32>
    %add3A_1090 = arith.addf %add3A_1083, %mul3A_1089 : vector<128x64xf32>
    %add3A_1091 = vector.broadcast %get3A_638 : vector<1x64xf32> to vector<128x64xf32>
    %add3A_1092 = arith.addf %add3A_1090, %add3A_1091 : vector<128x64xf32>
    %gt3A_1093 = arith.constant 0.000000e+00 : f32
    %gt3A_1094 = vector.broadcast %gt3A_1093 : f32 to vector<128x64xf32>
    %gt3A_1095 = arith.cmpf ogt, %add3A_1092, %gt3A_1094 : vector<128x64xf32>
    %mul3A_1096 = arith.constant 0.00999999977 : f32
    %mul3A_1097 = vector.broadcast %mul3A_1096 : f32 to vector<128x64xf32>
    %mul3A_1098 = arith.mulf %mul3A_1097, %add3A_1092 : vector<128x64xf32>
    %select_n3A_1099 = arith.select %gt3A_1095, %add3A_1092, %mul3A_1098 : vector<128x64xi1>, vector<128x64xf32>
    %dot_general3A_1100 = arith.constant dense<0.000000e+00> : vector<128x64xf32>
    %dot_general3A_1101 = tpu.matmul %select_n3A_1099, %get3A_641, %dot_general3A_1100 {dimension_numbers = #tpu.dot_dimension_numbers<[1], [0], [0], [1], [0, 0, 1, 1], [], []>, transpose_lhs_hint = false} : vector<128x64xf32>, vector<64x64xf32>, vector<128x64xf32> -> vector<128x64xf32>
    %add3A_1102 = vector.broadcast %get3A_644 : vector<1x64xf32> to vector<128x64xf32>
    %add3A_1103 = arith.addf %dot_general3A_1101, %add3A_1102 : vector<128x64xf32>
    %gt3A_1104 = arith.constant 0.000000e+00 : f32
    %gt3A_1105 = vector.broadcast %gt3A_1104 : f32 to vector<128x64xf32>
    %gt3A_1106 = arith.cmpf ogt, %add3A_1103, %gt3A_1105 : vector<128x64xf32>
    %mul3A_1107 = arith.constant 0.00999999977 : f32
    %mul3A_1108 = vector.broadcast %mul3A_1107 : f32 to vector<128x64xf32>
    %mul3A_1109 = arith.mulf %mul3A_1108, %add3A_1103 : vector<128x64xf32>
    %select_n3A_1110 = arith.select %gt3A_1106, %add3A_1103, %mul3A_1109 : vector<128x64xi1>, vector<128x64xf32>
    %add3A_1111 = arith.addf %add3A_1072, %select_n3A_1110 : vector<128x64xf32>
    %get3A_1112 = arith.constant 6 : index
    %get3A_1113 = arith.constant 0 : index
    %get3A_1114 = arith.constant 0 : index
    %get3A_1115 = vector.load %arg16[%get3A_1112, %get3A_1113, %get3A_1114] : memref<14x128x64xf32, #tpu.memory_space<vmem>>, vector<1x128x64xf32>
    %get3A_1116 = vector.shape_cast %get3A_1115 : vector<1x128x64xf32> to vector<128x64xf32>
    %get3A_1117 = arith.constant 7 : index
    %get3A_1118 = arith.constant 0 : index
    %get3A_1119 = arith.constant 0 : index
    %get3A_1120 = vector.load %arg17[%get3A_1117, %get3A_1118, %get3A_1119] : memref<14x128x64xf32, #tpu.memory_space<vmem>>, vector<1x128x64xf32>
    %get3A_1121 = vector.shape_cast %get3A_1120 : vector<1x128x64xf32> to vector<128x64xf32>
    %add3A_1122 = arith.addf %get3A_1116, %get3A_1121 : vector<128x64xf32>
    %get3A_1123 = arith.constant 0 : index
    %get3A_1124 = arith.constant 6 : index
    %get3A_1125 = vector.load %arg5[%get3A_1123, %get3A_1124] : memref<128x28xf32, #tpu.memory_space<vmem>>, vector<128x1xf32>
    %mul3A_1126 = vector.broadcast %get3A_1125 : vector<128x1xf32> to vector<128x64xf32>
    %mul3A_1127 = vector.broadcast %get3A_635 : vector<1x64xf32> to vector<128x64xf32>
    %mul3A_1128 = arith.mulf %mul3A_1126, %mul3A_1127 : vector<128x64xf32>
    %add3A_1129 = arith.addf %add3A_1122, %mul3A_1128 : vector<128x64xf32>
    %add3A_1130 = vector.broadcast %get3A_638 : vector<1x64xf32> to vector<128x64xf32>
    %add3A_1131 = arith.addf %add3A_1129, %add3A_1130 : vector<128x64xf32>
    %gt3A_1132 = arith.constant 0.000000e+00 : f32
    %gt3A_1133 = vector.broadcast %gt3A_1132 : f32 to vector<128x64xf32>
    %gt3A_1134 = arith.cmpf ogt, %add3A_1131, %gt3A_1133 : vector<128x64xf32>
    %mul3A_1135 = arith.constant 0.00999999977 : f32
    %mul3A_1136 = vector.broadcast %mul3A_1135 : f32 to vector<128x64xf32>
    %mul3A_1137 = arith.mulf %mul3A_1136, %add3A_1131 : vector<128x64xf32>
    %select_n3A_1138 = arith.select %gt3A_1134, %add3A_1131, %mul3A_1137 : vector<128x64xi1>, vector<128x64xf32>
    %dot_general3A_1139 = arith.constant dense<0.000000e+00> : vector<128x64xf32>
    %dot_general3A_1140 = tpu.matmul %select_n3A_1138, %get3A_641, %dot_general3A_1139 {dimension_numbers = #tpu.dot_dimension_numbers<[1], [0], [0], [1], [0, 0, 1, 1], [], []>, transpose_lhs_hint = false} : vector<128x64xf32>, vector<64x64xf32>, vector<128x64xf32> -> vector<128x64xf32>
    %add3A_1141 = vector.broadcast %get3A_644 : vector<1x64xf32> to vector<128x64xf32>
    %add3A_1142 = arith.addf %dot_general3A_1140, %add3A_1141 : vector<128x64xf32>
    %gt3A_1143 = arith.constant 0.000000e+00 : f32
    %gt3A_1144 = vector.broadcast %gt3A_1143 : f32 to vector<128x64xf32>
    %gt3A_1145 = arith.cmpf ogt, %add3A_1142, %gt3A_1144 : vector<128x64xf32>
    %mul3A_1146 = arith.constant 0.00999999977 : f32
    %mul3A_1147 = vector.broadcast %mul3A_1146 : f32 to vector<128x64xf32>
    %mul3A_1148 = arith.mulf %mul3A_1147, %add3A_1142 : vector<128x64xf32>
    %select_n3A_1149 = arith.select %gt3A_1145, %add3A_1142, %mul3A_1148 : vector<128x64xi1>, vector<128x64xf32>
    %add3A_1150 = arith.addf %add3A_1111, %select_n3A_1149 : vector<128x64xf32>
    %get3A_1151 = arith.constant 6 : index
    %get3A_1152 = arith.constant 0 : index
    %get3A_1153 = arith.constant 0 : index
    %get3A_1154 = vector.load %arg16[%get3A_1151, %get3A_1152, %get3A_1153] : memref<14x128x64xf32, #tpu.memory_space<vmem>>, vector<1x128x64xf32>
    %get3A_1155 = vector.shape_cast %get3A_1154 : vector<1x128x64xf32> to vector<128x64xf32>
    %get3A_1156 = arith.constant 8 : index
    %get3A_1157 = arith.constant 0 : index
    %get3A_1158 = arith.constant 0 : index
    %get3A_1159 = vector.load %arg17[%get3A_1156, %get3A_1157, %get3A_1158] : memref<14x128x64xf32, #tpu.memory_space<vmem>>, vector<1x128x64xf32>
    %get3A_1160 = vector.shape_cast %get3A_1159 : vector<1x128x64xf32> to vector<128x64xf32>
    %add3A_1161 = arith.addf %get3A_1155, %get3A_1160 : vector<128x64xf32>
    %get3A_1162 = arith.constant 0 : index
    %get3A_1163 = arith.constant 20 : index
    %get3A_1164 = vector.load %arg5[%get3A_1162, %get3A_1163] : memref<128x28xf32, #tpu.memory_space<vmem>>, vector<128x1xf32>
    %mul3A_1165 = vector.broadcast %get3A_1164 : vector<128x1xf32> to vector<128x64xf32>
    %mul3A_1166 = vector.broadcast %get3A_635 : vector<1x64xf32> to vector<128x64xf32>
    %mul3A_1167 = arith.mulf %mul3A_1165, %mul3A_1166 : vector<128x64xf32>
    %add3A_1168 = arith.addf %add3A_1161, %mul3A_1167 : vector<128x64xf32>
    %add3A_1169 = vector.broadcast %get3A_638 : vector<1x64xf32> to vector<128x64xf32>
    %add3A_1170 = arith.addf %add3A_1168, %add3A_1169 : vector<128x64xf32>
    %gt3A_1171 = arith.constant 0.000000e+00 : f32
    %gt3A_1172 = vector.broadcast %gt3A_1171 : f32 to vector<128x64xf32>
    %gt3A_1173 = arith.cmpf ogt, %add3A_1170, %gt3A_1172 : vector<128x64xf32>
    %mul3A_1174 = arith.constant 0.00999999977 : f32
    %mul3A_1175 = vector.broadcast %mul3A_1174 : f32 to vector<128x64xf32>
    %mul3A_1176 = arith.mulf %mul3A_1175, %add3A_1170 : vector<128x64xf32>
    %select_n3A_1177 = arith.select %gt3A_1173, %add3A_1170, %mul3A_1176 : vector<128x64xi1>, vector<128x64xf32>
    %dot_general3A_1178 = arith.constant dense<0.000000e+00> : vector<128x64xf32>
    %dot_general3A_1179 = tpu.matmul %select_n3A_1177, %get3A_641, %dot_general3A_1178 {dimension_numbers = #tpu.dot_dimension_numbers<[1], [0], [0], [1], [0, 0, 1, 1], [], []>, transpose_lhs_hint = false} : vector<128x64xf32>, vector<64x64xf32>, vector<128x64xf32> -> vector<128x64xf32>
    %add3A_1180 = vector.broadcast %get3A_644 : vector<1x64xf32> to vector<128x64xf32>
    %add3A_1181 = arith.addf %dot_general3A_1179, %add3A_1180 : vector<128x64xf32>
    %gt3A_1182 = arith.constant 0.000000e+00 : f32
    %gt3A_1183 = vector.broadcast %gt3A_1182 : f32 to vector<128x64xf32>
    %gt3A_1184 = arith.cmpf ogt, %add3A_1181, %gt3A_1183 : vector<128x64xf32>
    %mul3A_1185 = arith.constant 0.00999999977 : f32
    %mul3A_1186 = vector.broadcast %mul3A_1185 : f32 to vector<128x64xf32>
    %mul3A_1187 = arith.mulf %mul3A_1186, %add3A_1181 : vector<128x64xf32>
    %select_n3A_1188 = arith.select %gt3A_1184, %add3A_1181, %mul3A_1187 : vector<128x64xi1>, vector<128x64xf32>
    %add3A_1189 = arith.addf %add3A_1150, %select_n3A_1188 : vector<128x64xf32>
    %get3A_1190 = arith.constant 7 : index
    %get3A_1191 = arith.constant 0 : index
    %get3A_1192 = arith.constant 0 : index
    %get3A_1193 = vector.load %arg16[%get3A_1190, %get3A_1191, %get3A_1192] : memref<14x128x64xf32, #tpu.memory_space<vmem>>, vector<1x128x64xf32>
    %get3A_1194 = vector.shape_cast %get3A_1193 : vector<1x128x64xf32> to vector<128x64xf32>
    %get3A_1195 = arith.constant 8 : index
    %get3A_1196 = arith.constant 0 : index
    %get3A_1197 = arith.constant 0 : index
    %get3A_1198 = vector.load %arg17[%get3A_1195, %get3A_1196, %get3A_1197] : memref<14x128x64xf32, #tpu.memory_space<vmem>>, vector<1x128x64xf32>
    %get3A_1199 = vector.shape_cast %get3A_1198 : vector<1x128x64xf32> to vector<128x64xf32>
    %add3A_1200 = arith.addf %get3A_1194, %get3A_1199 : vector<128x64xf32>
    %get3A_1201 = arith.constant 0 : index
    %get3A_1202 = arith.constant 7 : index
    %get3A_1203 = vector.load %arg5[%get3A_1201, %get3A_1202] : memref<128x28xf32, #tpu.memory_space<vmem>>, vector<128x1xf32>
    %mul3A_1204 = vector.broadcast %get3A_1203 : vector<128x1xf32> to vector<128x64xf32>
    %mul3A_1205 = vector.broadcast %get3A_635 : vector<1x64xf32> to vector<128x64xf32>
    %mul3A_1206 = arith.mulf %mul3A_1204, %mul3A_1205 : vector<128x64xf32>
    %add3A_1207 = arith.addf %add3A_1200, %mul3A_1206 : vector<128x64xf32>
    %add3A_1208 = vector.broadcast %get3A_638 : vector<1x64xf32> to vector<128x64xf32>
    %add3A_1209 = arith.addf %add3A_1207, %add3A_1208 : vector<128x64xf32>
    %gt3A_1210 = arith.constant 0.000000e+00 : f32
    %gt3A_1211 = vector.broadcast %gt3A_1210 : f32 to vector<128x64xf32>
    %gt3A_1212 = arith.cmpf ogt, %add3A_1209, %gt3A_1211 : vector<128x64xf32>
    %mul3A_1213 = arith.constant 0.00999999977 : f32
    %mul3A_1214 = vector.broadcast %mul3A_1213 : f32 to vector<128x64xf32>
    %mul3A_1215 = arith.mulf %mul3A_1214, %add3A_1209 : vector<128x64xf32>
    %select_n3A_1216 = arith.select %gt3A_1212, %add3A_1209, %mul3A_1215 : vector<128x64xi1>, vector<128x64xf32>
    %dot_general3A_1217 = arith.constant dense<0.000000e+00> : vector<128x64xf32>
    %dot_general3A_1218 = tpu.matmul %select_n3A_1216, %get3A_641, %dot_general3A_1217 {dimension_numbers = #tpu.dot_dimension_numbers<[1], [0], [0], [1], [0, 0, 1, 1], [], []>, transpose_lhs_hint = false} : vector<128x64xf32>, vector<64x64xf32>, vector<128x64xf32> -> vector<128x64xf32>
    %add3A_1219 = vector.broadcast %get3A_644 : vector<1x64xf32> to vector<128x64xf32>
    %add3A_1220 = arith.addf %dot_general3A_1218, %add3A_1219 : vector<128x64xf32>
    %gt3A_1221 = arith.constant 0.000000e+00 : f32
    %gt3A_1222 = vector.broadcast %gt3A_1221 : f32 to vector<128x64xf32>
    %gt3A_1223 = arith.cmpf ogt, %add3A_1220, %gt3A_1222 : vector<128x64xf32>
    %mul3A_1224 = arith.constant 0.00999999977 : f32
    %mul3A_1225 = vector.broadcast %mul3A_1224 : f32 to vector<128x64xf32>
    %mul3A_1226 = arith.mulf %mul3A_1225, %add3A_1220 : vector<128x64xf32>
    %select_n3A_1227 = arith.select %gt3A_1223, %add3A_1220, %mul3A_1226 : vector<128x64xi1>, vector<128x64xf32>
    %add3A_1228 = arith.addf %add3A_1189, %select_n3A_1227 : vector<128x64xf32>
    %get3A_1229 = arith.constant 7 : index
    %get3A_1230 = arith.constant 0 : index
    %get3A_1231 = arith.constant 0 : index
    %get3A_1232 = vector.load %arg16[%get3A_1229, %get3A_1230, %get3A_1231] : memref<14x128x64xf32, #tpu.memory_space<vmem>>, vector<1x128x64xf32>
    %get3A_1233 = vector.shape_cast %get3A_1232 : vector<1x128x64xf32> to vector<128x64xf32>
    %get3A_1234 = arith.constant 9 : index
    %get3A_1235 = arith.constant 0 : index
    %get3A_1236 = arith.constant 0 : index
    %get3A_1237 = vector.load %arg17[%get3A_1234, %get3A_1235, %get3A_1236] : memref<14x128x64xf32, #tpu.memory_space<vmem>>, vector<1x128x64xf32>
    %get3A_1238 = vector.shape_cast %get3A_1237 : vector<1x128x64xf32> to vector<128x64xf32>
    %add3A_1239 = arith.addf %get3A_1233, %get3A_1238 : vector<128x64xf32>
    %get3A_1240 = arith.constant 0 : index
    %get3A_1241 = arith.constant 21 : index
    %get3A_1242 = vector.load %arg5[%get3A_1240, %get3A_1241] : memref<128x28xf32, #tpu.memory_space<vmem>>, vector<128x1xf32>
    %mul3A_1243 = vector.broadcast %get3A_1242 : vector<128x1xf32> to vector<128x64xf32>
    %mul3A_1244 = vector.broadcast %get3A_635 : vector<1x64xf32> to vector<128x64xf32>
    %mul3A_1245 = arith.mulf %mul3A_1243, %mul3A_1244 : vector<128x64xf32>
    %add3A_1246 = arith.addf %add3A_1239, %mul3A_1245 : vector<128x64xf32>
    %add3A_1247 = vector.broadcast %get3A_638 : vector<1x64xf32> to vector<128x64xf32>
    %add3A_1248 = arith.addf %add3A_1246, %add3A_1247 : vector<128x64xf32>
    %gt3A_1249 = arith.constant 0.000000e+00 : f32
    %gt3A_1250 = vector.broadcast %gt3A_1249 : f32 to vector<128x64xf32>
    %gt3A_1251 = arith.cmpf ogt, %add3A_1248, %gt3A_1250 : vector<128x64xf32>
    %mul3A_1252 = arith.constant 0.00999999977 : f32
    %mul3A_1253 = vector.broadcast %mul3A_1252 : f32 to vector<128x64xf32>
    %mul3A_1254 = arith.mulf %mul3A_1253, %add3A_1248 : vector<128x64xf32>
    %select_n3A_1255 = arith.select %gt3A_1251, %add3A_1248, %mul3A_1254 : vector<128x64xi1>, vector<128x64xf32>
    %dot_general3A_1256 = arith.constant dense<0.000000e+00> : vector<128x64xf32>
    %dot_general3A_1257 = tpu.matmul %select_n3A_1255, %get3A_641, %dot_general3A_1256 {dimension_numbers = #tpu.dot_dimension_numbers<[1], [0], [0], [1], [0, 0, 1, 1], [], []>, transpose_lhs_hint = false} : vector<128x64xf32>, vector<64x64xf32>, vector<128x64xf32> -> vector<128x64xf32>
    %add3A_1258 = vector.broadcast %get3A_644 : vector<1x64xf32> to vector<128x64xf32>
    %add3A_1259 = arith.addf %dot_general3A_1257, %add3A_1258 : vector<128x64xf32>
    %gt3A_1260 = arith.constant 0.000000e+00 : f32
    %gt3A_1261 = vector.broadcast %gt3A_1260 : f32 to vector<128x64xf32>
    %gt3A_1262 = arith.cmpf ogt, %add3A_1259, %gt3A_1261 : vector<128x64xf32>
    %mul3A_1263 = arith.constant 0.00999999977 : f32
    %mul3A_1264 = vector.broadcast %mul3A_1263 : f32 to vector<128x64xf32>
    %mul3A_1265 = arith.mulf %mul3A_1264, %add3A_1259 : vector<128x64xf32>
    %select_n3A_1266 = arith.select %gt3A_1262, %add3A_1259, %mul3A_1265 : vector<128x64xi1>, vector<128x64xf32>
    %add3A_1267 = arith.addf %add3A_1228, %select_n3A_1266 : vector<128x64xf32>
    %get3A_1268 = arith.constant 8 : index
    %get3A_1269 = arith.constant 0 : index
    %get3A_1270 = arith.constant 0 : index
    %get3A_1271 = vector.load %arg16[%get3A_1268, %get3A_1269, %get3A_1270] : memref<14x128x64xf32, #tpu.memory_space<vmem>>, vector<1x128x64xf32>
    %get3A_1272 = vector.shape_cast %get3A_1271 : vector<1x128x64xf32> to vector<128x64xf32>
    %get3A_1273 = arith.constant 9 : index
    %get3A_1274 = arith.constant 0 : index
    %get3A_1275 = arith.constant 0 : index
    %get3A_1276 = vector.load %arg17[%get3A_1273, %get3A_1274, %get3A_1275] : memref<14x128x64xf32, #tpu.memory_space<vmem>>, vector<1x128x64xf32>
    %get3A_1277 = vector.shape_cast %get3A_1276 : vector<1x128x64xf32> to vector<128x64xf32>
    %add3A_1278 = arith.addf %get3A_1272, %get3A_1277 : vector<128x64xf32>
    %get3A_1279 = arith.constant 0 : index
    %get3A_1280 = arith.constant 8 : index
    %get3A_1281 = vector.load %arg5[%get3A_1279, %get3A_1280] : memref<128x28xf32, #tpu.memory_space<vmem>>, vector<128x1xf32>
    %mul3A_1282 = vector.broadcast %get3A_1281 : vector<128x1xf32> to vector<128x64xf32>
    %mul3A_1283 = vector.broadcast %get3A_635 : vector<1x64xf32> to vector<128x64xf32>
    %mul3A_1284 = arith.mulf %mul3A_1282, %mul3A_1283 : vector<128x64xf32>
    %add3A_1285 = arith.addf %add3A_1278, %mul3A_1284 : vector<128x64xf32>
    %add3A_1286 = vector.broadcast %get3A_638 : vector<1x64xf32> to vector<128x64xf32>
    %add3A_1287 = arith.addf %add3A_1285, %add3A_1286 : vector<128x64xf32>
    %gt3A_1288 = arith.constant 0.000000e+00 : f32
    %gt3A_1289 = vector.broadcast %gt3A_1288 : f32 to vector<128x64xf32>
    %gt3A_1290 = arith.cmpf ogt, %add3A_1287, %gt3A_1289 : vector<128x64xf32>
    %mul3A_1291 = arith.constant 0.00999999977 : f32
    %mul3A_1292 = vector.broadcast %mul3A_1291 : f32 to vector<128x64xf32>
    %mul3A_1293 = arith.mulf %mul3A_1292, %add3A_1287 : vector<128x64xf32>
    %select_n3A_1294 = arith.select %gt3A_1290, %add3A_1287, %mul3A_1293 : vector<128x64xi1>, vector<128x64xf32>
    %dot_general3A_1295 = arith.constant dense<0.000000e+00> : vector<128x64xf32>
    %dot_general3A_1296 = tpu.matmul %select_n3A_1294, %get3A_641, %dot_general3A_1295 {dimension_numbers = #tpu.dot_dimension_numbers<[1], [0], [0], [1], [0, 0, 1, 1], [], []>, transpose_lhs_hint = false} : vector<128x64xf32>, vector<64x64xf32>, vector<128x64xf32> -> vector<128x64xf32>
    %add3A_1297 = vector.broadcast %get3A_644 : vector<1x64xf32> to vector<128x64xf32>
    %add3A_1298 = arith.addf %dot_general3A_1296, %add3A_1297 : vector<128x64xf32>
    %gt3A_1299 = arith.constant 0.000000e+00 : f32
    %gt3A_1300 = vector.broadcast %gt3A_1299 : f32 to vector<128x64xf32>
    %gt3A_1301 = arith.cmpf ogt, %add3A_1298, %gt3A_1300 : vector<128x64xf32>
    %mul3A_1302 = arith.constant 0.00999999977 : f32
    %mul3A_1303 = vector.broadcast %mul3A_1302 : f32 to vector<128x64xf32>
    %mul3A_1304 = arith.mulf %mul3A_1303, %add3A_1298 : vector<128x64xf32>
    %select_n3A_1305 = arith.select %gt3A_1301, %add3A_1298, %mul3A_1304 : vector<128x64xi1>, vector<128x64xf32>
    %add3A_1306 = arith.addf %add3A_1267, %select_n3A_1305 : vector<128x64xf32>
    %get3A_1307 = arith.constant 8 : index
    %get3A_1308 = arith.constant 0 : index
    %get3A_1309 = arith.constant 0 : index
    %get3A_1310 = vector.load %arg16[%get3A_1307, %get3A_1308, %get3A_1309] : memref<14x128x64xf32, #tpu.memory_space<vmem>>, vector<1x128x64xf32>
    %get3A_1311 = vector.shape_cast %get3A_1310 : vector<1x128x64xf32> to vector<128x64xf32>
    %get3A_1312 = arith.constant 10 : index
    %get3A_1313 = arith.constant 0 : index
    %get3A_1314 = arith.constant 0 : index
    %get3A_1315 = vector.load %arg17[%get3A_1312, %get3A_1313, %get3A_1314] : memref<14x128x64xf32, #tpu.memory_space<vmem>>, vector<1x128x64xf32>
    %get3A_1316 = vector.shape_cast %get3A_1315 : vector<1x128x64xf32> to vector<128x64xf32>
    %add3A_1317 = arith.addf %get3A_1311, %get3A_1316 : vector<128x64xf32>
    %get3A_1318 = arith.constant 0 : index
    %get3A_1319 = arith.constant 22 : index
    %get3A_1320 = vector.load %arg5[%get3A_1318, %get3A_1319] : memref<128x28xf32, #tpu.memory_space<vmem>>, vector<128x1xf32>
    %mul3A_1321 = vector.broadcast %get3A_1320 : vector<128x1xf32> to vector<128x64xf32>
    %mul3A_1322 = vector.broadcast %get3A_635 : vector<1x64xf32> to vector<128x64xf32>
    %mul3A_1323 = arith.mulf %mul3A_1321, %mul3A_1322 : vector<128x64xf32>
    %add3A_1324 = arith.addf %add3A_1317, %mul3A_1323 : vector<128x64xf32>
    %add3A_1325 = vector.broadcast %get3A_638 : vector<1x64xf32> to vector<128x64xf32>
    %add3A_1326 = arith.addf %add3A_1324, %add3A_1325 : vector<128x64xf32>
    %gt3A_1327 = arith.constant 0.000000e+00 : f32
    %gt3A_1328 = vector.broadcast %gt3A_1327 : f32 to vector<128x64xf32>
    %gt3A_1329 = arith.cmpf ogt, %add3A_1326, %gt3A_1328 : vector<128x64xf32>
    %mul3A_1330 = arith.constant 0.00999999977 : f32
    %mul3A_1331 = vector.broadcast %mul3A_1330 : f32 to vector<128x64xf32>
    %mul3A_1332 = arith.mulf %mul3A_1331, %add3A_1326 : vector<128x64xf32>
    %select_n3A_1333 = arith.select %gt3A_1329, %add3A_1326, %mul3A_1332 : vector<128x64xi1>, vector<128x64xf32>
    %dot_general3A_1334 = arith.constant dense<0.000000e+00> : vector<128x64xf32>
    %dot_general3A_1335 = tpu.matmul %select_n3A_1333, %get3A_641, %dot_general3A_1334 {dimension_numbers = #tpu.dot_dimension_numbers<[1], [0], [0], [1], [0, 0, 1, 1], [], []>, transpose_lhs_hint = false} : vector<128x64xf32>, vector<64x64xf32>, vector<128x64xf32> -> vector<128x64xf32>
    %add3A_1336 = vector.broadcast %get3A_644 : vector<1x64xf32> to vector<128x64xf32>
    %add3A_1337 = arith.addf %dot_general3A_1335, %add3A_1336 : vector<128x64xf32>
    %gt3A_1338 = arith.constant 0.000000e+00 : f32
    %gt3A_1339 = vector.broadcast %gt3A_1338 : f32 to vector<128x64xf32>
    %gt3A_1340 = arith.cmpf ogt, %add3A_1337, %gt3A_1339 : vector<128x64xf32>
    %mul3A_1341 = arith.constant 0.00999999977 : f32
    %mul3A_1342 = vector.broadcast %mul3A_1341 : f32 to vector<128x64xf32>
    %mul3A_1343 = arith.mulf %mul3A_1342, %add3A_1337 : vector<128x64xf32>
    %select_n3A_1344 = arith.select %gt3A_1340, %add3A_1337, %mul3A_1343 : vector<128x64xi1>, vector<128x64xf32>
    %add3A_1345 = arith.addf %add3A_1306, %select_n3A_1344 : vector<128x64xf32>
    %get3A_1346 = arith.constant 9 : index
    %get3A_1347 = arith.constant 0 : index
    %get3A_1348 = arith.constant 0 : index
    %get3A_1349 = vector.load %arg16[%get3A_1346, %get3A_1347, %get3A_1348] : memref<14x128x64xf32, #tpu.memory_space<vmem>>, vector<1x128x64xf32>
    %get3A_1350 = vector.shape_cast %get3A_1349 : vector<1x128x64xf32> to vector<128x64xf32>
    %get3A_1351 = arith.constant 10 : index
    %get3A_1352 = arith.constant 0 : index
    %get3A_1353 = arith.constant 0 : index
    %get3A_1354 = vector.load %arg17[%get3A_1351, %get3A_1352, %get3A_1353] : memref<14x128x64xf32, #tpu.memory_space<vmem>>, vector<1x128x64xf32>
    %get3A_1355 = vector.shape_cast %get3A_1354 : vector<1x128x64xf32> to vector<128x64xf32>
    %add3A_1356 = arith.addf %get3A_1350, %get3A_1355 : vector<128x64xf32>
    %get3A_1357 = arith.constant 0 : index
    %get3A_1358 = arith.constant 9 : index
    %get3A_1359 = vector.load %arg5[%get3A_1357, %get3A_1358] : memref<128x28xf32, #tpu.memory_space<vmem>>, vector<128x1xf32>
    %mul3A_1360 = vector.broadcast %get3A_1359 : vector<128x1xf32> to vector<128x64xf32>
    %mul3A_1361 = vector.broadcast %get3A_635 : vector<1x64xf32> to vector<128x64xf32>
    %mul3A_1362 = arith.mulf %mul3A_1360, %mul3A_1361 : vector<128x64xf32>
    %add3A_1363 = arith.addf %add3A_1356, %mul3A_1362 : vector<128x64xf32>
    %add3A_1364 = vector.broadcast %get3A_638 : vector<1x64xf32> to vector<128x64xf32>
    %add3A_1365 = arith.addf %add3A_1363, %add3A_1364 : vector<128x64xf32>
    %gt3A_1366 = arith.constant 0.000000e+00 : f32
    %gt3A_1367 = vector.broadcast %gt3A_1366 : f32 to vector<128x64xf32>
    %gt3A_1368 = arith.cmpf ogt, %add3A_1365, %gt3A_1367 : vector<128x64xf32>
    %mul3A_1369 = arith.constant 0.00999999977 : f32
    %mul3A_1370 = vector.broadcast %mul3A_1369 : f32 to vector<128x64xf32>
    %mul3A_1371 = arith.mulf %mul3A_1370, %add3A_1365 : vector<128x64xf32>
    %select_n3A_1372 = arith.select %gt3A_1368, %add3A_1365, %mul3A_1371 : vector<128x64xi1>, vector<128x64xf32>
    %dot_general3A_1373 = arith.constant dense<0.000000e+00> : vector<128x64xf32>
    %dot_general3A_1374 = tpu.matmul %select_n3A_1372, %get3A_641, %dot_general3A_1373 {dimension_numbers = #tpu.dot_dimension_numbers<[1], [0], [0], [1], [0, 0, 1, 1], [], []>, transpose_lhs_hint = false} : vector<128x64xf32>, vector<64x64xf32>, vector<128x64xf32> -> vector<128x64xf32>
    %add3A_1375 = vector.broadcast %get3A_644 : vector<1x64xf32> to vector<128x64xf32>
    %add3A_1376 = arith.addf %dot_general3A_1374, %add3A_1375 : vector<128x64xf32>
    %gt3A_1377 = arith.constant 0.000000e+00 : f32
    %gt3A_1378 = vector.broadcast %gt3A_1377 : f32 to vector<128x64xf32>
    %gt3A_1379 = arith.cmpf ogt, %add3A_1376, %gt3A_1378 : vector<128x64xf32>
    %mul3A_1380 = arith.constant 0.00999999977 : f32
    %mul3A_1381 = vector.broadcast %mul3A_1380 : f32 to vector<128x64xf32>
    %mul3A_1382 = arith.mulf %mul3A_1381, %add3A_1376 : vector<128x64xf32>
    %select_n3A_1383 = arith.select %gt3A_1379, %add3A_1376, %mul3A_1382 : vector<128x64xi1>, vector<128x64xf32>
    %add3A_1384 = arith.addf %add3A_1345, %select_n3A_1383 : vector<128x64xf32>
    %get3A_1385 = arith.constant 9 : index
    %get3A_1386 = arith.constant 0 : index
    %get3A_1387 = arith.constant 0 : index
    %get3A_1388 = vector.load %arg16[%get3A_1385, %get3A_1386, %get3A_1387] : memref<14x128x64xf32, #tpu.memory_space<vmem>>, vector<1x128x64xf32>
    %get3A_1389 = vector.shape_cast %get3A_1388 : vector<1x128x64xf32> to vector<128x64xf32>
    %get3A_1390 = arith.constant 11 : index
    %get3A_1391 = arith.constant 0 : index
    %get3A_1392 = arith.constant 0 : index
    %get3A_1393 = vector.load %arg17[%get3A_1390, %get3A_1391, %get3A_1392] : memref<14x128x64xf32, #tpu.memory_space<vmem>>, vector<1x128x64xf32>
    %get3A_1394 = vector.shape_cast %get3A_1393 : vector<1x128x64xf32> to vector<128x64xf32>
    %add3A_1395 = arith.addf %get3A_1389, %get3A_1394 : vector<128x64xf32>
    %get3A_1396 = arith.constant 0 : index
    %get3A_1397 = arith.constant 23 : index
    %get3A_1398 = vector.load %arg5[%get3A_1396, %get3A_1397] : memref<128x28xf32, #tpu.memory_space<vmem>>, vector<128x1xf32>
    %mul3A_1399 = vector.broadcast %get3A_1398 : vector<128x1xf32> to vector<128x64xf32>
    %mul3A_1400 = vector.broadcast %get3A_635 : vector<1x64xf32> to vector<128x64xf32>
    %mul3A_1401 = arith.mulf %mul3A_1399, %mul3A_1400 : vector<128x64xf32>
    %add3A_1402 = arith.addf %add3A_1395, %mul3A_1401 : vector<128x64xf32>
    %add3A_1403 = vector.broadcast %get3A_638 : vector<1x64xf32> to vector<128x64xf32>
    %add3A_1404 = arith.addf %add3A_1402, %add3A_1403 : vector<128x64xf32>
    %gt3A_1405 = arith.constant 0.000000e+00 : f32
    %gt3A_1406 = vector.broadcast %gt3A_1405 : f32 to vector<128x64xf32>
    %gt3A_1407 = arith.cmpf ogt, %add3A_1404, %gt3A_1406 : vector<128x64xf32>
    %mul3A_1408 = arith.constant 0.00999999977 : f32
    %mul3A_1409 = vector.broadcast %mul3A_1408 : f32 to vector<128x64xf32>
    %mul3A_1410 = arith.mulf %mul3A_1409, %add3A_1404 : vector<128x64xf32>
    %select_n3A_1411 = arith.select %gt3A_1407, %add3A_1404, %mul3A_1410 : vector<128x64xi1>, vector<128x64xf32>
    %dot_general3A_1412 = arith.constant dense<0.000000e+00> : vector<128x64xf32>
    %dot_general3A_1413 = tpu.matmul %select_n3A_1411, %get3A_641, %dot_general3A_1412 {dimension_numbers = #tpu.dot_dimension_numbers<[1], [0], [0], [1], [0, 0, 1, 1], [], []>, transpose_lhs_hint = false} : vector<128x64xf32>, vector<64x64xf32>, vector<128x64xf32> -> vector<128x64xf32>
    %add3A_1414 = vector.broadcast %get3A_644 : vector<1x64xf32> to vector<128x64xf32>
    %add3A_1415 = arith.addf %dot_general3A_1413, %add3A_1414 : vector<128x64xf32>
    %gt3A_1416 = arith.constant 0.000000e+00 : f32
    %gt3A_1417 = vector.broadcast %gt3A_1416 : f32 to vector<128x64xf32>
    %gt3A_1418 = arith.cmpf ogt, %add3A_1415, %gt3A_1417 : vector<128x64xf32>
    %mul3A_1419 = arith.constant 0.00999999977 : f32
    %mul3A_1420 = vector.broadcast %mul3A_1419 : f32 to vector<128x64xf32>
    %mul3A_1421 = arith.mulf %mul3A_1420, %add3A_1415 : vector<128x64xf32>
    %select_n3A_1422 = arith.select %gt3A_1418, %add3A_1415, %mul3A_1421 : vector<128x64xi1>, vector<128x64xf32>
    %add3A_1423 = arith.addf %add3A_1384, %select_n3A_1422 : vector<128x64xf32>
    %get3A_1424 = arith.constant 10 : index
    %get3A_1425 = arith.constant 0 : index
    %get3A_1426 = arith.constant 0 : index
    %get3A_1427 = vector.load %arg16[%get3A_1424, %get3A_1425, %get3A_1426] : memref<14x128x64xf32, #tpu.memory_space<vmem>>, vector<1x128x64xf32>
    %get3A_1428 = vector.shape_cast %get3A_1427 : vector<1x128x64xf32> to vector<128x64xf32>
    %get3A_1429 = arith.constant 11 : index
    %get3A_1430 = arith.constant 0 : index
    %get3A_1431 = arith.constant 0 : index
    %get3A_1432 = vector.load %arg17[%get3A_1429, %get3A_1430, %get3A_1431] : memref<14x128x64xf32, #tpu.memory_space<vmem>>, vector<1x128x64xf32>
    %get3A_1433 = vector.shape_cast %get3A_1432 : vector<1x128x64xf32> to vector<128x64xf32>
    %add3A_1434 = arith.addf %get3A_1428, %get3A_1433 : vector<128x64xf32>
    %get3A_1435 = arith.constant 0 : index
    %get3A_1436 = arith.constant 10 : index
    %get3A_1437 = vector.load %arg5[%get3A_1435, %get3A_1436] : memref<128x28xf32, #tpu.memory_space<vmem>>, vector<128x1xf32>
    %mul3A_1438 = vector.broadcast %get3A_1437 : vector<128x1xf32> to vector<128x64xf32>
    %mul3A_1439 = vector.broadcast %get3A_635 : vector<1x64xf32> to vector<128x64xf32>
    %mul3A_1440 = arith.mulf %mul3A_1438, %mul3A_1439 : vector<128x64xf32>
    %add3A_1441 = arith.addf %add3A_1434, %mul3A_1440 : vector<128x64xf32>
    %add3A_1442 = vector.broadcast %get3A_638 : vector<1x64xf32> to vector<128x64xf32>
    %add3A_1443 = arith.addf %add3A_1441, %add3A_1442 : vector<128x64xf32>
    %gt3A_1444 = arith.constant 0.000000e+00 : f32
    %gt3A_1445 = vector.broadcast %gt3A_1444 : f32 to vector<128x64xf32>
    %gt3A_1446 = arith.cmpf ogt, %add3A_1443, %gt3A_1445 : vector<128x64xf32>
    %mul3A_1447 = arith.constant 0.00999999977 : f32
    %mul3A_1448 = vector.broadcast %mul3A_1447 : f32 to vector<128x64xf32>
    %mul3A_1449 = arith.mulf %mul3A_1448, %add3A_1443 : vector<128x64xf32>
    %select_n3A_1450 = arith.select %gt3A_1446, %add3A_1443, %mul3A_1449 : vector<128x64xi1>, vector<128x64xf32>
    %dot_general3A_1451 = arith.constant dense<0.000000e+00> : vector<128x64xf32>
    %dot_general3A_1452 = tpu.matmul %select_n3A_1450, %get3A_641, %dot_general3A_1451 {dimension_numbers = #tpu.dot_dimension_numbers<[1], [0], [0], [1], [0, 0, 1, 1], [], []>, transpose_lhs_hint = false} : vector<128x64xf32>, vector<64x64xf32>, vector<128x64xf32> -> vector<128x64xf32>
    %add3A_1453 = vector.broadcast %get3A_644 : vector<1x64xf32> to vector<128x64xf32>
    %add3A_1454 = arith.addf %dot_general3A_1452, %add3A_1453 : vector<128x64xf32>
    %gt3A_1455 = arith.constant 0.000000e+00 : f32
    %gt3A_1456 = vector.broadcast %gt3A_1455 : f32 to vector<128x64xf32>
    %gt3A_1457 = arith.cmpf ogt, %add3A_1454, %gt3A_1456 : vector<128x64xf32>
    %mul3A_1458 = arith.constant 0.00999999977 : f32
    %mul3A_1459 = vector.broadcast %mul3A_1458 : f32 to vector<128x64xf32>
    %mul3A_1460 = arith.mulf %mul3A_1459, %add3A_1454 : vector<128x64xf32>
    %select_n3A_1461 = arith.select %gt3A_1457, %add3A_1454, %mul3A_1460 : vector<128x64xi1>, vector<128x64xf32>
    %add3A_1462 = arith.addf %add3A_1423, %select_n3A_1461 : vector<128x64xf32>
    %get3A_1463 = arith.constant 10 : index
    %get3A_1464 = arith.constant 0 : index
    %get3A_1465 = arith.constant 0 : index
    %get3A_1466 = vector.load %arg16[%get3A_1463, %get3A_1464, %get3A_1465] : memref<14x128x64xf32, #tpu.memory_space<vmem>>, vector<1x128x64xf32>
    %get3A_1467 = vector.shape_cast %get3A_1466 : vector<1x128x64xf32> to vector<128x64xf32>
    %get3A_1468 = arith.constant 12 : index
    %get3A_1469 = arith.constant 0 : index
    %get3A_1470 = arith.constant 0 : index
    %get3A_1471 = vector.load %arg17[%get3A_1468, %get3A_1469, %get3A_1470] : memref<14x128x64xf32, #tpu.memory_space<vmem>>, vector<1x128x64xf32>
    %get3A_1472 = vector.shape_cast %get3A_1471 : vector<1x128x64xf32> to vector<128x64xf32>
    %add3A_1473 = arith.addf %get3A_1467, %get3A_1472 : vector<128x64xf32>
    %get3A_1474 = arith.constant 0 : index
    %get3A_1475 = arith.constant 24 : index
    %get3A_1476 = vector.load %arg5[%get3A_1474, %get3A_1475] : memref<128x28xf32, #tpu.memory_space<vmem>>, vector<128x1xf32>
    %mul3A_1477 = vector.broadcast %get3A_1476 : vector<128x1xf32> to vector<128x64xf32>
    %mul3A_1478 = vector.broadcast %get3A_635 : vector<1x64xf32> to vector<128x64xf32>
    %mul3A_1479 = arith.mulf %mul3A_1477, %mul3A_1478 : vector<128x64xf32>
    %add3A_1480 = arith.addf %add3A_1473, %mul3A_1479 : vector<128x64xf32>
    %add3A_1481 = vector.broadcast %get3A_638 : vector<1x64xf32> to vector<128x64xf32>
    %add3A_1482 = arith.addf %add3A_1480, %add3A_1481 : vector<128x64xf32>
    %gt3A_1483 = arith.constant 0.000000e+00 : f32
    %gt3A_1484 = vector.broadcast %gt3A_1483 : f32 to vector<128x64xf32>
    %gt3A_1485 = arith.cmpf ogt, %add3A_1482, %gt3A_1484 : vector<128x64xf32>
    %mul3A_1486 = arith.constant 0.00999999977 : f32
    %mul3A_1487 = vector.broadcast %mul3A_1486 : f32 to vector<128x64xf32>
    %mul3A_1488 = arith.mulf %mul3A_1487, %add3A_1482 : vector<128x64xf32>
    %select_n3A_1489 = arith.select %gt3A_1485, %add3A_1482, %mul3A_1488 : vector<128x64xi1>, vector<128x64xf32>
    %dot_general3A_1490 = arith.constant dense<0.000000e+00> : vector<128x64xf32>
    %dot_general3A_1491 = tpu.matmul %select_n3A_1489, %get3A_641, %dot_general3A_1490 {dimension_numbers = #tpu.dot_dimension_numbers<[1], [0], [0], [1], [0, 0, 1, 1], [], []>, transpose_lhs_hint = false} : vector<128x64xf32>, vector<64x64xf32>, vector<128x64xf32> -> vector<128x64xf32>
    %add3A_1492 = vector.broadcast %get3A_644 : vector<1x64xf32> to vector<128x64xf32>
    %add3A_1493 = arith.addf %dot_general3A_1491, %add3A_1492 : vector<128x64xf32>
    %gt3A_1494 = arith.constant 0.000000e+00 : f32
    %gt3A_1495 = vector.broadcast %gt3A_1494 : f32 to vector<128x64xf32>
    %gt3A_1496 = arith.cmpf ogt, %add3A_1493, %gt3A_1495 : vector<128x64xf32>
    %mul3A_1497 = arith.constant 0.00999999977 : f32
    %mul3A_1498 = vector.broadcast %mul3A_1497 : f32 to vector<128x64xf32>
    %mul3A_1499 = arith.mulf %mul3A_1498, %add3A_1493 : vector<128x64xf32>
    %select_n3A_1500 = arith.select %gt3A_1496, %add3A_1493, %mul3A_1499 : vector<128x64xi1>, vector<128x64xf32>
    %add3A_1501 = arith.addf %add3A_1462, %select_n3A_1500 : vector<128x64xf32>
    %get3A_1502 = arith.constant 11 : index
    %get3A_1503 = arith.constant 0 : index
    %get3A_1504 = arith.constant 0 : index
    %get3A_1505 = vector.load %arg16[%get3A_1502, %get3A_1503, %get3A_1504] : memref<14x128x64xf32, #tpu.memory_space<vmem>>, vector<1x128x64xf32>
    %get3A_1506 = vector.shape_cast %get3A_1505 : vector<1x128x64xf32> to vector<128x64xf32>
    %get3A_1507 = arith.constant 12 : index
    %get3A_1508 = arith.constant 0 : index
    %get3A_1509 = arith.constant 0 : index
    %get3A_1510 = vector.load %arg17[%get3A_1507, %get3A_1508, %get3A_1509] : memref<14x128x64xf32, #tpu.memory_space<vmem>>, vector<1x128x64xf32>
    %get3A_1511 = vector.shape_cast %get3A_1510 : vector<1x128x64xf32> to vector<128x64xf32>
    %add3A_1512 = arith.addf %get3A_1506, %get3A_1511 : vector<128x64xf32>
    %get3A_1513 = arith.constant 0 : index
    %get3A_1514 = arith.constant 11 : index
    %get3A_1515 = vector.load %arg5[%get3A_1513, %get3A_1514] : memref<128x28xf32, #tpu.memory_space<vmem>>, vector<128x1xf32>
    %mul3A_1516 = vector.broadcast %get3A_1515 : vector<128x1xf32> to vector<128x64xf32>
    %mul3A_1517 = vector.broadcast %get3A_635 : vector<1x64xf32> to vector<128x64xf32>
    %mul3A_1518 = arith.mulf %mul3A_1516, %mul3A_1517 : vector<128x64xf32>
    %add3A_1519 = arith.addf %add3A_1512, %mul3A_1518 : vector<128x64xf32>
    %add3A_1520 = vector.broadcast %get3A_638 : vector<1x64xf32> to vector<128x64xf32>
    %add3A_1521 = arith.addf %add3A_1519, %add3A_1520 : vector<128x64xf32>
    %gt3A_1522 = arith.constant 0.000000e+00 : f32
    %gt3A_1523 = vector.broadcast %gt3A_1522 : f32 to vector<128x64xf32>
    %gt3A_1524 = arith.cmpf ogt, %add3A_1521, %gt3A_1523 : vector<128x64xf32>
    %mul3A_1525 = arith.constant 0.00999999977 : f32
    %mul3A_1526 = vector.broadcast %mul3A_1525 : f32 to vector<128x64xf32>
    %mul3A_1527 = arith.mulf %mul3A_1526, %add3A_1521 : vector<128x64xf32>
    %select_n3A_1528 = arith.select %gt3A_1524, %add3A_1521, %mul3A_1527 : vector<128x64xi1>, vector<128x64xf32>
    %dot_general3A_1529 = arith.constant dense<0.000000e+00> : vector<128x64xf32>
    %dot_general3A_1530 = tpu.matmul %select_n3A_1528, %get3A_641, %dot_general3A_1529 {dimension_numbers = #tpu.dot_dimension_numbers<[1], [0], [0], [1], [0, 0, 1, 1], [], []>, transpose_lhs_hint = false} : vector<128x64xf32>, vector<64x64xf32>, vector<128x64xf32> -> vector<128x64xf32>
    %add3A_1531 = vector.broadcast %get3A_644 : vector<1x64xf32> to vector<128x64xf32>
    %add3A_1532 = arith.addf %dot_general3A_1530, %add3A_1531 : vector<128x64xf32>
    %gt3A_1533 = arith.constant 0.000000e+00 : f32
    %gt3A_1534 = vector.broadcast %gt3A_1533 : f32 to vector<128x64xf32>
    %gt3A_1535 = arith.cmpf ogt, %add3A_1532, %gt3A_1534 : vector<128x64xf32>
    %mul3A_1536 = arith.constant 0.00999999977 : f32
    %mul3A_1537 = vector.broadcast %mul3A_1536 : f32 to vector<128x64xf32>
    %mul3A_1538 = arith.mulf %mul3A_1537, %add3A_1532 : vector<128x64xf32>
    %select_n3A_1539 = arith.select %gt3A_1535, %add3A_1532, %mul3A_1538 : vector<128x64xi1>, vector<128x64xf32>
    %add3A_1540 = arith.addf %add3A_1501, %select_n3A_1539 : vector<128x64xf32>
    %get3A_1541 = arith.constant 11 : index
    %get3A_1542 = arith.constant 0 : index
    %get3A_1543 = arith.constant 0 : index
    %get3A_1544 = vector.load %arg16[%get3A_1541, %get3A_1542, %get3A_1543] : memref<14x128x64xf32, #tpu.memory_space<vmem>>, vector<1x128x64xf32>
    %get3A_1545 = vector.shape_cast %get3A_1544 : vector<1x128x64xf32> to vector<128x64xf32>
    %get3A_1546 = arith.constant 13 : index
    %get3A_1547 = arith.constant 0 : index
    %get3A_1548 = arith.constant 0 : index
    %get3A_1549 = vector.load %arg17[%get3A_1546, %get3A_1547, %get3A_1548] : memref<14x128x64xf32, #tpu.memory_space<vmem>>, vector<1x128x64xf32>
    %get3A_1550 = vector.shape_cast %get3A_1549 : vector<1x128x64xf32> to vector<128x64xf32>
    %add3A_1551 = arith.addf %get3A_1545, %get3A_1550 : vector<128x64xf32>
    %get3A_1552 = arith.constant 0 : index
    %get3A_1553 = arith.constant 25 : index
    %get3A_1554 = vector.load %arg5[%get3A_1552, %get3A_1553] : memref<128x28xf32, #tpu.memory_space<vmem>>, vector<128x1xf32>
    %mul3A_1555 = vector.broadcast %get3A_1554 : vector<128x1xf32> to vector<128x64xf32>
    %mul3A_1556 = vector.broadcast %get3A_635 : vector<1x64xf32> to vector<128x64xf32>
    %mul3A_1557 = arith.mulf %mul3A_1555, %mul3A_1556 : vector<128x64xf32>
    %add3A_1558 = arith.addf %add3A_1551, %mul3A_1557 : vector<128x64xf32>
    %add3A_1559 = vector.broadcast %get3A_638 : vector<1x64xf32> to vector<128x64xf32>
    %add3A_1560 = arith.addf %add3A_1558, %add3A_1559 : vector<128x64xf32>
    %gt3A_1561 = arith.constant 0.000000e+00 : f32
    %gt3A_1562 = vector.broadcast %gt3A_1561 : f32 to vector<128x64xf32>
    %gt3A_1563 = arith.cmpf ogt, %add3A_1560, %gt3A_1562 : vector<128x64xf32>
    %mul3A_1564 = arith.constant 0.00999999977 : f32
    %mul3A_1565 = vector.broadcast %mul3A_1564 : f32 to vector<128x64xf32>
    %mul3A_1566 = arith.mulf %mul3A_1565, %add3A_1560 : vector<128x64xf32>
    %select_n3A_1567 = arith.select %gt3A_1563, %add3A_1560, %mul3A_1566 : vector<128x64xi1>, vector<128x64xf32>
    %dot_general3A_1568 = arith.constant dense<0.000000e+00> : vector<128x64xf32>
    %dot_general3A_1569 = tpu.matmul %select_n3A_1567, %get3A_641, %dot_general3A_1568 {dimension_numbers = #tpu.dot_dimension_numbers<[1], [0], [0], [1], [0, 0, 1, 1], [], []>, transpose_lhs_hint = false} : vector<128x64xf32>, vector<64x64xf32>, vector<128x64xf32> -> vector<128x64xf32>
    %add3A_1570 = vector.broadcast %get3A_644 : vector<1x64xf32> to vector<128x64xf32>
    %add3A_1571 = arith.addf %dot_general3A_1569, %add3A_1570 : vector<128x64xf32>
    %gt3A_1572 = arith.constant 0.000000e+00 : f32
    %gt3A_1573 = vector.broadcast %gt3A_1572 : f32 to vector<128x64xf32>
    %gt3A_1574 = arith.cmpf ogt, %add3A_1571, %gt3A_1573 : vector<128x64xf32>
    %mul3A_1575 = arith.constant 0.00999999977 : f32
    %mul3A_1576 = vector.broadcast %mul3A_1575 : f32 to vector<128x64xf32>
    %mul3A_1577 = arith.mulf %mul3A_1576, %add3A_1571 : vector<128x64xf32>
    %select_n3A_1578 = arith.select %gt3A_1574, %add3A_1571, %mul3A_1577 : vector<128x64xi1>, vector<128x64xf32>
    %add3A_1579 = arith.addf %add3A_1540, %select_n3A_1578 : vector<128x64xf32>
    %get3A_1580 = arith.constant 12 : index
    %get3A_1581 = arith.constant 0 : index
    %get3A_1582 = arith.constant 0 : index
    %get3A_1583 = vector.load %arg16[%get3A_1580, %get3A_1581, %get3A_1582] : memref<14x128x64xf32, #tpu.memory_space<vmem>>, vector<1x128x64xf32>
    %get3A_1584 = vector.shape_cast %get3A_1583 : vector<1x128x64xf32> to vector<128x64xf32>
    %get3A_1585 = arith.constant 13 : index
    %get3A_1586 = arith.constant 0 : index
    %get3A_1587 = arith.constant 0 : index
    %get3A_1588 = vector.load %arg17[%get3A_1585, %get3A_1586, %get3A_1587] : memref<14x128x64xf32, #tpu.memory_space<vmem>>, vector<1x128x64xf32>
    %get3A_1589 = vector.shape_cast %get3A_1588 : vector<1x128x64xf32> to vector<128x64xf32>
    %add3A_1590 = arith.addf %get3A_1584, %get3A_1589 : vector<128x64xf32>
    %get3A_1591 = arith.constant 0 : index
    %get3A_1592 = arith.constant 12 : index
    %get3A_1593 = vector.load %arg5[%get3A_1591, %get3A_1592] : memref<128x28xf32, #tpu.memory_space<vmem>>, vector<128x1xf32>
    %mul3A_1594 = vector.broadcast %get3A_1593 : vector<128x1xf32> to vector<128x64xf32>
    %mul3A_1595 = vector.broadcast %get3A_635 : vector<1x64xf32> to vector<128x64xf32>
    %mul3A_1596 = arith.mulf %mul3A_1594, %mul3A_1595 : vector<128x64xf32>
    %add3A_1597 = arith.addf %add3A_1590, %mul3A_1596 : vector<128x64xf32>
    %add3A_1598 = vector.broadcast %get3A_638 : vector<1x64xf32> to vector<128x64xf32>
    %add3A_1599 = arith.addf %add3A_1597, %add3A_1598 : vector<128x64xf32>
    %gt3A_1600 = arith.constant 0.000000e+00 : f32
    %gt3A_1601 = vector.broadcast %gt3A_1600 : f32 to vector<128x64xf32>
    %gt3A_1602 = arith.cmpf ogt, %add3A_1599, %gt3A_1601 : vector<128x64xf32>
    %mul3A_1603 = arith.constant 0.00999999977 : f32
    %mul3A_1604 = vector.broadcast %mul3A_1603 : f32 to vector<128x64xf32>
    %mul3A_1605 = arith.mulf %mul3A_1604, %add3A_1599 : vector<128x64xf32>
    %select_n3A_1606 = arith.select %gt3A_1602, %add3A_1599, %mul3A_1605 : vector<128x64xi1>, vector<128x64xf32>
    %dot_general3A_1607 = arith.constant dense<0.000000e+00> : vector<128x64xf32>
    %dot_general3A_1608 = tpu.matmul %select_n3A_1606, %get3A_641, %dot_general3A_1607 {dimension_numbers = #tpu.dot_dimension_numbers<[1], [0], [0], [1], [0, 0, 1, 1], [], []>, transpose_lhs_hint = false} : vector<128x64xf32>, vector<64x64xf32>, vector<128x64xf32> -> vector<128x64xf32>
    %add3A_1609 = vector.broadcast %get3A_644 : vector<1x64xf32> to vector<128x64xf32>
    %add3A_1610 = arith.addf %dot_general3A_1608, %add3A_1609 : vector<128x64xf32>
    %gt3A_1611 = arith.constant 0.000000e+00 : f32
    %gt3A_1612 = vector.broadcast %gt3A_1611 : f32 to vector<128x64xf32>
    %gt3A_1613 = arith.cmpf ogt, %add3A_1610, %gt3A_1612 : vector<128x64xf32>
    %mul3A_1614 = arith.constant 0.00999999977 : f32
    %mul3A_1615 = vector.broadcast %mul3A_1614 : f32 to vector<128x64xf32>
    %mul3A_1616 = arith.mulf %mul3A_1615, %add3A_1610 : vector<128x64xf32>
    %select_n3A_1617 = arith.select %gt3A_1613, %add3A_1610, %mul3A_1616 : vector<128x64xi1>, vector<128x64xf32>
    %add3A_1618 = arith.addf %add3A_1579, %select_n3A_1617 : vector<128x64xf32>
    %get3A_1619 = arith.constant 12 : index
    %get3A_1620 = arith.constant 0 : index
    %get3A_1621 = arith.constant 0 : index
    %get3A_1622 = vector.load %arg16[%get3A_1619, %get3A_1620, %get3A_1621] : memref<14x128x64xf32, #tpu.memory_space<vmem>>, vector<1x128x64xf32>
    %get3A_1623 = vector.shape_cast %get3A_1622 : vector<1x128x64xf32> to vector<128x64xf32>
    %get3A_1624 = arith.constant 0 : index
    %get3A_1625 = arith.constant 0 : index
    %get3A_1626 = arith.constant 0 : index
    %get3A_1627 = vector.load %arg17[%get3A_1624, %get3A_1625, %get3A_1626] : memref<14x128x64xf32, #tpu.memory_space<vmem>>, vector<1x128x64xf32>
    %get3A_1628 = vector.shape_cast %get3A_1627 : vector<1x128x64xf32> to vector<128x64xf32>
    %add3A_1629 = arith.addf %get3A_1623, %get3A_1628 : vector<128x64xf32>
    %get3A_1630 = arith.constant 0 : index
    %get3A_1631 = arith.constant 26 : index
    %get3A_1632 = vector.load %arg5[%get3A_1630, %get3A_1631] : memref<128x28xf32, #tpu.memory_space<vmem>>, vector<128x1xf32>
    %mul3A_1633 = vector.broadcast %get3A_1632 : vector<128x1xf32> to vector<128x64xf32>
    %mul3A_1634 = vector.broadcast %get3A_635 : vector<1x64xf32> to vector<128x64xf32>
    %mul3A_1635 = arith.mulf %mul3A_1633, %mul3A_1634 : vector<128x64xf32>
    %add3A_1636 = arith.addf %add3A_1629, %mul3A_1635 : vector<128x64xf32>
    %add3A_1637 = vector.broadcast %get3A_638 : vector<1x64xf32> to vector<128x64xf32>
    %add3A_1638 = arith.addf %add3A_1636, %add3A_1637 : vector<128x64xf32>
    %gt3A_1639 = arith.constant 0.000000e+00 : f32
    %gt3A_1640 = vector.broadcast %gt3A_1639 : f32 to vector<128x64xf32>
    %gt3A_1641 = arith.cmpf ogt, %add3A_1638, %gt3A_1640 : vector<128x64xf32>
    %mul3A_1642 = arith.constant 0.00999999977 : f32
    %mul3A_1643 = vector.broadcast %mul3A_1642 : f32 to vector<128x64xf32>
    %mul3A_1644 = arith.mulf %mul3A_1643, %add3A_1638 : vector<128x64xf32>
    %select_n3A_1645 = arith.select %gt3A_1641, %add3A_1638, %mul3A_1644 : vector<128x64xi1>, vector<128x64xf32>
    %dot_general3A_1646 = arith.constant dense<0.000000e+00> : vector<128x64xf32>
    %dot_general3A_1647 = tpu.matmul %select_n3A_1645, %get3A_641, %dot_general3A_1646 {dimension_numbers = #tpu.dot_dimension_numbers<[1], [0], [0], [1], [0, 0, 1, 1], [], []>, transpose_lhs_hint = false} : vector<128x64xf32>, vector<64x64xf32>, vector<128x64xf32> -> vector<128x64xf32>
    %add3A_1648 = vector.broadcast %get3A_644 : vector<1x64xf32> to vector<128x64xf32>
    %add3A_1649 = arith.addf %dot_general3A_1647, %add3A_1648 : vector<128x64xf32>
    %gt3A_1650 = arith.constant 0.000000e+00 : f32
    %gt3A_1651 = vector.broadcast %gt3A_1650 : f32 to vector<128x64xf32>
    %gt3A_1652 = arith.cmpf ogt, %add3A_1649, %gt3A_1651 : vector<128x64xf32>
    %mul3A_1653 = arith.constant 0.00999999977 : f32
    %mul3A_1654 = vector.broadcast %mul3A_1653 : f32 to vector<128x64xf32>
    %mul3A_1655 = arith.mulf %mul3A_1654, %add3A_1649 : vector<128x64xf32>
    %select_n3A_1656 = arith.select %gt3A_1652, %add3A_1649, %mul3A_1655 : vector<128x64xi1>, vector<128x64xf32>
    %add3A_1657 = arith.addf %add3A_1618, %select_n3A_1656 : vector<128x64xf32>
    %get3A_1658 = arith.constant 13 : index
    %get3A_1659 = arith.constant 0 : index
    %get3A_1660 = arith.constant 0 : index
    %get3A_1661 = vector.load %arg16[%get3A_1658, %get3A_1659, %get3A_1660] : memref<14x128x64xf32, #tpu.memory_space<vmem>>, vector<1x128x64xf32>
    %get3A_1662 = vector.shape_cast %get3A_1661 : vector<1x128x64xf32> to vector<128x64xf32>
    %get3A_1663 = arith.constant 0 : index
    %get3A_1664 = arith.constant 0 : index
    %get3A_1665 = arith.constant 0 : index
    %get3A_1666 = vector.load %arg17[%get3A_1663, %get3A_1664, %get3A_1665] : memref<14x128x64xf32, #tpu.memory_space<vmem>>, vector<1x128x64xf32>
    %get3A_1667 = vector.shape_cast %get3A_1666 : vector<1x128x64xf32> to vector<128x64xf32>
    %add3A_1668 = arith.addf %get3A_1662, %get3A_1667 : vector<128x64xf32>
    %get3A_1669 = arith.constant 0 : index
    %get3A_1670 = arith.constant 13 : index
    %get3A_1671 = vector.load %arg5[%get3A_1669, %get3A_1670] : memref<128x28xf32, #tpu.memory_space<vmem>>, vector<128x1xf32>
    %mul3A_1672 = vector.broadcast %get3A_1671 : vector<128x1xf32> to vector<128x64xf32>
    %mul3A_1673 = vector.broadcast %get3A_635 : vector<1x64xf32> to vector<128x64xf32>
    %mul3A_1674 = arith.mulf %mul3A_1672, %mul3A_1673 : vector<128x64xf32>
    %add3A_1675 = arith.addf %add3A_1668, %mul3A_1674 : vector<128x64xf32>
    %add3A_1676 = vector.broadcast %get3A_638 : vector<1x64xf32> to vector<128x64xf32>
    %add3A_1677 = arith.addf %add3A_1675, %add3A_1676 : vector<128x64xf32>
    %gt3A_1678 = arith.constant 0.000000e+00 : f32
    %gt3A_1679 = vector.broadcast %gt3A_1678 : f32 to vector<128x64xf32>
    %gt3A_1680 = arith.cmpf ogt, %add3A_1677, %gt3A_1679 : vector<128x64xf32>
    %mul3A_1681 = arith.constant 0.00999999977 : f32
    %mul3A_1682 = vector.broadcast %mul3A_1681 : f32 to vector<128x64xf32>
    %mul3A_1683 = arith.mulf %mul3A_1682, %add3A_1677 : vector<128x64xf32>
    %select_n3A_1684 = arith.select %gt3A_1680, %add3A_1677, %mul3A_1683 : vector<128x64xi1>, vector<128x64xf32>
    %dot_general3A_1685 = arith.constant dense<0.000000e+00> : vector<128x64xf32>
    %dot_general3A_1686 = tpu.matmul %select_n3A_1684, %get3A_641, %dot_general3A_1685 {dimension_numbers = #tpu.dot_dimension_numbers<[1], [0], [0], [1], [0, 0, 1, 1], [], []>, transpose_lhs_hint = false} : vector<128x64xf32>, vector<64x64xf32>, vector<128x64xf32> -> vector<128x64xf32>
    %add3A_1687 = vector.broadcast %get3A_644 : vector<1x64xf32> to vector<128x64xf32>
    %add3A_1688 = arith.addf %dot_general3A_1686, %add3A_1687 : vector<128x64xf32>
    %gt3A_1689 = arith.constant 0.000000e+00 : f32
    %gt3A_1690 = vector.broadcast %gt3A_1689 : f32 to vector<128x64xf32>
    %gt3A_1691 = arith.cmpf ogt, %add3A_1688, %gt3A_1690 : vector<128x64xf32>
    %mul3A_1692 = arith.constant 0.00999999977 : f32
    %mul3A_1693 = vector.broadcast %mul3A_1692 : f32 to vector<128x64xf32>
    %mul3A_1694 = arith.mulf %mul3A_1693, %add3A_1688 : vector<128x64xf32>
    %select_n3A_1695 = arith.select %gt3A_1691, %add3A_1688, %mul3A_1694 : vector<128x64xi1>, vector<128x64xf32>
    %add3A_1696 = arith.addf %add3A_1657, %select_n3A_1695 : vector<128x64xf32>
    %get3A_1697 = arith.constant 13 : index
    %get3A_1698 = arith.constant 0 : index
    %get3A_1699 = arith.constant 0 : index
    %get3A_1700 = vector.load %arg16[%get3A_1697, %get3A_1698, %get3A_1699] : memref<14x128x64xf32, #tpu.memory_space<vmem>>, vector<1x128x64xf32>
    %get3A_1701 = vector.shape_cast %get3A_1700 : vector<1x128x64xf32> to vector<128x64xf32>
    %get3A_1702 = arith.constant 1 : index
    %get3A_1703 = arith.constant 0 : index
    %get3A_1704 = arith.constant 0 : index
    %get3A_1705 = vector.load %arg17[%get3A_1702, %get3A_1703, %get3A_1704] : memref<14x128x64xf32, #tpu.memory_space<vmem>>, vector<1x128x64xf32>
    %get3A_1706 = vector.shape_cast %get3A_1705 : vector<1x128x64xf32> to vector<128x64xf32>
    %add3A_1707 = arith.addf %get3A_1701, %get3A_1706 : vector<128x64xf32>
    %get3A_1708 = arith.constant 0 : index
    %get3A_1709 = arith.constant 27 : index
    %get3A_1710 = vector.load %arg5[%get3A_1708, %get3A_1709] : memref<128x28xf32, #tpu.memory_space<vmem>>, vector<128x1xf32>
    %mul3A_1711 = vector.broadcast %get3A_1710 : vector<128x1xf32> to vector<128x64xf32>
    %mul3A_1712 = vector.broadcast %get3A_635 : vector<1x64xf32> to vector<128x64xf32>
    %mul3A_1713 = arith.mulf %mul3A_1711, %mul3A_1712 : vector<128x64xf32>
    %add3A_1714 = arith.addf %add3A_1707, %mul3A_1713 : vector<128x64xf32>
    %add3A_1715 = vector.broadcast %get3A_638 : vector<1x64xf32> to vector<128x64xf32>
    %add3A_1716 = arith.addf %add3A_1714, %add3A_1715 : vector<128x64xf32>
    %gt3A_1717 = arith.constant 0.000000e+00 : f32
    %gt3A_1718 = vector.broadcast %gt3A_1717 : f32 to vector<128x64xf32>
    %gt3A_1719 = arith.cmpf ogt, %add3A_1716, %gt3A_1718 : vector<128x64xf32>
    %mul3A_1720 = arith.constant 0.00999999977 : f32
    %mul3A_1721 = vector.broadcast %mul3A_1720 : f32 to vector<128x64xf32>
    %mul3A_1722 = arith.mulf %mul3A_1721, %add3A_1716 : vector<128x64xf32>
    %select_n3A_1723 = arith.select %gt3A_1719, %add3A_1716, %mul3A_1722 : vector<128x64xi1>, vector<128x64xf32>
    %dot_general3A_1724 = arith.constant dense<0.000000e+00> : vector<128x64xf32>
    %dot_general3A_1725 = tpu.matmul %select_n3A_1723, %get3A_641, %dot_general3A_1724 {dimension_numbers = #tpu.dot_dimension_numbers<[1], [0], [0], [1], [0, 0, 1, 1], [], []>, transpose_lhs_hint = false} : vector<128x64xf32>, vector<64x64xf32>, vector<128x64xf32> -> vector<128x64xf32>
    %add3A_1726 = vector.broadcast %get3A_644 : vector<1x64xf32> to vector<128x64xf32>
    %add3A_1727 = arith.addf %dot_general3A_1725, %add3A_1726 : vector<128x64xf32>
    %gt3A_1728 = arith.constant 0.000000e+00 : f32
    %gt3A_1729 = vector.broadcast %gt3A_1728 : f32 to vector<128x64xf32>
    %gt3A_1730 = arith.cmpf ogt, %add3A_1727, %gt3A_1729 : vector<128x64xf32>
    %mul3A_1731 = arith.constant 0.00999999977 : f32
    %mul3A_1732 = vector.broadcast %mul3A_1731 : f32 to vector<128x64xf32>
    %mul3A_1733 = arith.mulf %mul3A_1732, %add3A_1727 : vector<128x64xf32>
    %select_n3A_1734 = arith.select %gt3A_1730, %add3A_1727, %mul3A_1733 : vector<128x64xi1>, vector<128x64xf32>
    %add3A_1735 = arith.addf %add3A_1696, %select_n3A_1734 : vector<128x64xf32>
    %get3A_1736 = arith.constant 0 : index
    %get3A_1737 = arith.constant 0 : index
    %get3A_1738 = vector.load %arg13[%get3A_1736, %get3A_1737] : memref<64x1xf32, #tpu.memory_space<vmem>>, vector<64x1xf32>
    %dot_general3A_1739 = arith.constant dense<0.000000e+00> : vector<128x1xf32>
    %dot_general3A_1740 = tpu.matmul %add3A_1735, %get3A_1738, %dot_general3A_1739 {dimension_numbers = #tpu.dot_dimension_numbers<[1], [0], [0], [1], [0, 0, 1, 1], [], []>, transpose_lhs_hint = false} : vector<128x64xf32>, vector<64x1xf32>, vector<128x1xf32> -> vector<128x1xf32>
    %get3A_1741 = arith.constant 0 : index
    %get3A_1742 = arith.constant 0 : index
    %get3A_1743 = vector.load %arg14[%get3A_1741, %get3A_1742] : memref<1x1xf32, #tpu.memory_space<vmem>>, vector<1x1xf32>
    %add3A_1744 = vector.broadcast %get3A_1743 : vector<1x1xf32> to vector<128x1xf32>
    %add3A_1745 = arith.addf %dot_general3A_1740, %add3A_1744 : vector<128x1xf32>
    %swap3A_1746 = arith.constant 0 : index
    %swap3A_1747 = arith.constant 0 : index
    %swap3A_1748 = vector.load %arg15[%swap3A_1746, %swap3A_1747] : memref<128x1xf32, #tpu.memory_space<vmem>>, vector<128x1xf32>
    tpu.vector_store %arg15[%swap3A_1746, %swap3A_1747], %add3A_1745 {strides = array<i32>} : memref<128x1xf32, #tpu.memory_space<vmem>>, vector<128x1xf32>,
    return
  }
  func.func @transform_0(%arg0: i32) -> (i32, i32, i32) {
    %c0_i32 = arith.constant 0 : i32
    %c0_i32_0 = arith.constant 0 : i32
    %c0_i32_1 = arith.constant 0 : i32
    return %arg0, %c0_i32, %c0_i32_0 : i32, i32, i32
  }
  func.func @transform_1(%arg0: i32) -> (i32, i32, i32) {
    %c0_i32 = arith.constant 0 : i32
    %c0_i32_0 = arith.constant 0 : i32
    %c0_i32_1 = arith.constant 0 : i32
    return %arg0, %c0_i32, %c0_i32_0 : i32, i32, i32
  }
  func.func @transform_2(%arg0: i32) -> (i32, i32, i32) {
    %c0_i32 = arith.constant 0 : i32
    %c0_i32_0 = arith.constant 0 : i32
    %c0_i32_1 = arith.constant 0 : i32
    return %arg0, %c0_i32, %c0_i32_0 : i32, i32, i32
  }
  func.func @transform_3(%arg0: i32) -> (i32, i32, i32) {
    %c0_i32 = arith.constant 0 : i32
    %c0_i32_0 = arith.constant 0 : i32
    %c0_i32_1 = arith.constant 0 : i32
    return %arg0, %c0_i32, %c0_i32_0 : i32, i32, i32
  }
  func.func @transform_4(%arg0: i32) -> (i32, i32) {
    %c0_i32 = arith.constant 0 : i32
    %c0_i32_0 = arith.constant 0 : i32
    return %arg0, %c0_i32 : i32, i32
  }
  func.func @transform_5(%arg0: i32) -> (i32, i32) {
    %c0_i32 = arith.constant 0 : i32
    %c0_i32_0 = arith.constant 0 : i32
    %c0_i32_1 = arith.constant 0 : i32
    return %c0_i32, %c0_i32_0 : i32, i32
  }
  func.func @transform_6(%arg0: i32) -> (i32, i32) {
    %c0_i32 = arith.constant 0 : i32
    %c0_i32_0 = arith.constant 0 : i32
    %c0_i32_1 = arith.constant 0 : i32
    return %c0_i32, %c0_i32_0 : i32, i32
  }
  func.func @transform_7(%arg0: i32) -> (i32, i32) {
    %c0_i32 = arith.constant 0 : i32
    %c0_i32_0 = arith.constant 0 : i32
    %c0_i32_1 = arith.constant 0 : i32
    return %c0_i32, %c0_i32_0 : i32, i32
  }
  func.func @transform_8(%arg0: i32) -> (i32, i32) {
    %c0_i32 = arith.constant 0 : i32
    %c0_i32_0 = arith.constant 0 : i32
    %c0_i32_1 = arith.constant 0 : i32
    return %c0_i32, %c0_i32_0 : i32, i32
  }
  func.func @transform_9(%arg0: i32) -> (i32, i32) {
    %c0_i32 = arith.constant 0 : i32
    %c0_i32_0 = arith.constant 0 : i32
    %c0_i32_1 = arith.constant 0 : i32
    return %c0_i32, %c0_i32_0 : i32, i32
  }
  func.func @transform_10(%arg0: i32) -> (i32, i32) {
    %c0_i32 = arith.constant 0 : i32
    %c0_i32_0 = arith.constant 0 : i32
    %c0_i32_1 = arith.constant 0 : i32
    return %c0_i32, %c0_i32_0 : i32, i32
  }
  func.func @transform_11(%arg0: i32) -> (i32, i32) {
    %c0_i32 = arith.constant 0 : i32
    %c0_i32_0 = arith.constant 0 : i32
    %c0_i32_1 = arith.constant 0 : i32
    return %c0_i32, %c0_i32_0 : i32, i32
  }
  func.func @transform_12(%arg0: i32) -> (i32, i32) {
    %c0_i32 = arith.constant 0 : i32
    %c0_i32_0 = arith.constant 0 : i32
    %c0_i32_1 = arith.constant 0 : i32
    return %c0_i32, %c0_i32_0 : i32, i32
  }
  func.func @transform_13(%arg0: i32) -> (i32, i32) {
    %c0_i32 = arith.constant 0 : i32
    %c0_i32_0 = arith.constant 0 : i32
    %c0_i32_1 = arith.constant 0 : i32
    return %c0_i32, %c0_i32_0 : i32, i32
  }
  func.func @transform_14(%arg0: i32) -> (i32, i32) {
    %c0_i32 = arith.constant 0 : i32
    %c0_i32_0 = arith.constant 0 : i32
    return %arg0, %c0_i32 : i32, i32
  }
}

</mosaic_0001>

<sc_bundles>
// kernel: kernel.6.cloned.1.call-start
scs
__scs_entry_jumppad:
0x0: {  	(pc) =	sbr.rel $0x88, $3  }
0x1: {  	(tag) =	ssettag $0x0;
	lr =	simm.s32 $0x1  }
0x2: {  	[smem:$0x3F96] =	sst lr;
	_ =	strace $0xD0000000  }
0x3: {  	_ = 	snop  }
0x4: {  	_ = 	snop  }
0x5: {  	_ = 	snop  }
0x6: {  	_ = 	snop  }
0x7: {  	_ = 	snop  }
__scs_overlays_trampoline_lowered:
0x8: {  	[smem:$0x3FA5] =	sst s0  }
0x9: {  	[smem:$0x3FA6] =	sst s1  }
0xa: {  	[smem:$0x3FA7] =	sst s2  }
0xb: {  	[smem:$0x3FA8] =	sst s3  }
0xc: {  	[smem:$0x3FA9] =	sst s4  }
0xd: {  	[smem:$0x3FAA] =	sst s5  }
0xe: {  	[smem:$0x3FAB] =	sst s6  }
0xf: {  	[smem:$0x3FAC] =	sst s7  }
0x10: {  	[smem:$0x3FAD] =	sst s8  }
0x11: {  	[smem:$0x3FAE] =	sst s9;
	s0 =	simm.s32 @!p0 $0x0  }
0x12: {  	s1 =	sld [smem:$0x3F94];
	s0 =	simm.s32 @p0 $0x1  }
0x13: {  	[smem:$0x3FAF] =	sst s0;
	s0 =	simm.s32 @!p1 $0x0  }
0x14: {  	s2 =	sld [smem:$0x3F93];
	s0 =	simm.s32 @p1 $0x1  }
0x15: {  	[smem:$0x3FB0] =	sst s0;
	s0 =	simm.s32 @!p2 $0x0  }
0x16: {  	s3 =	sld [smem:$0x3FDB];
	s0 =	simm.s32 @p2 $0x1  }
0x17: {  	s4 =	simm.s32 $0x1BF5;
	[smem:$0x3FB2] =	sst s0  }
0x18: {  	s0 =	sld [smem:$0x3F95];
	_ =	swait.ge [sflag:s4], $0x0  }
0x19: {  	s7 =	sld [smem:$0x3F96]  }
0x1a: {  	s8 =	sadd.s32 $0xFFFFE003, lr  }
0x1b: {  	s9 =	sadd.s32 $0xFFFFFEF7, lr;
	s5 =	simm.s32 $0xFFFFFFFF;
	p2 =	slt.u32 s8, $0xFFFFF086  }
0x1c: {  	p1 =	slt.u32 s9, $0xF7A;
	s5 =	simm.s32 @!p2 $0x0  }
0x1d: {  	s5 =	simm.s32 @p1 $0x1;
	p0 =	seq.s32 s7, s2  }
0x1e: {  	s7 =	smul.u32 @!p0 $0xF7A, s2;
	p2 =	seq.s32 @!p0 s5, $0x0  }
0x1f: {  	s9 =	smul.u32 $0xF7A, s1;
	s8 =	simm.s32 @!p0 $0x1BF5;
	p2 =	por !p2, p0  }
0x20: {  	[sflag:s8] =	ssyncset.s32 @!p0 $0xFFFFF086;
	s6 =	sadd.s32 @!p0 s3, s7;
	s7 =	simm.s32 @!p0 $0x108  }
0x21: {  	s3 =	sadd.s32 s3, s9;
	s6 =	sadd.s32 @!p0 $0x88, s6;
	s7 =	simm.s32 @p2 $0x1082  }
0x22: {  	[simem:s7], [sflag:s8] =	dma.local @!p0 [hbm:s6], $0xF7A  }
0x23: {  	s9 =	sor.u32 $0xD0000000, s2;
	s6 =	simm.s32 $0x108;
	_ =	swait.ge @!p0 [sflag:s8], $0x0  }
0x24: {  	s3 =	sadd.s32 $0x88, s3;
	s6 =	simm.s32 @!p1 $0x1082;
	[sflag:s4] =	ssyncset.s32 $0xFFFFF086  }
0x25: {  	[simem:s6], [sflag:s4] =	dma.local [hbm:s3], $0xF7A  }
0x26: {  	[smem:$0x3F96] =	sst s1;
	(tag) =	ssettag s2;
	_ =	strace s9  }
0x27: {  	s1 =	sld [smem:$0x3FA6]  }
0x28: {  	s2 =	sld [smem:$0x3FA7]  }
0x29: {  	s4 =	sld [smem:$0x3FA9]  }
0x2a: {  	p0 =	seq.s32 s5, $0x0;
	s5 =	sld [smem:$0x3FAA]  }
0x2b: {  	s6 =	sld [smem:$0x3FAB]  }
0x2c: {  	s7 =	sld [smem:$0x3FAC]  }
0x2d: {  	s3 =	simm.s32 $0x108;
	s8 =	sld [smem:$0x3FAD]  }
0x2e: {  	s3 =	simm.s32 @!p0 $0x1082;
	s9 =	sld [smem:$0x3FAE]  }
0x2f: {  	lr =	sadd.s32 s0, s3;
	s0 =	sld [smem:$0x3FA5]  }
0x30: {  	s3 =	sld [smem:$0x3FA8]  }
0x31: {  	[smem:$0x3FB1] =	sst s10  }
0x32: {  	s10 =	sld [smem:$0x3FAF];
	_ =	sdelay $0x3  }
0x33: {  	p0 =	seq.s32 s10, $0x1;
	s10 =	sld [smem:$0x3FB1];
	_ =	sdelay $0x3  }
0x34: {  	[smem:$0x3FB1] =	sst s10  }
0x35: {  	s10 =	sld [smem:$0x3FB0];
	_ =	sdelay $0x3  }
0x36: {  	p1 =	seq.s32 s10, $0x1;
	s10 =	sld [smem:$0x3FB1];
	_ =	sdelay $0x3  }
0x37: {  	[smem:$0x3FB1] =	sst s10  }
0x38: {  	s10 =	sld [smem:$0x3FB2]  }
0x39: {  	_ = 	snop;
	(pc) =	sbr.ind lr, $3  }
0x3a: {  	_ = 	snop  }
0x3b: {  	_ = 	snop  }
0x3c: {  	p2 =	seq.s32 s10, $0x1;
	s10 =	sld [smem:$0x3FB1]  }
0x3d: {  	_ =	shalt  }
0x3e: {  	_ =	shalt  }
0x3f: {  	_ =	shalt  }
0x40: {  	_ =	shalt  }
0x41: {  	_ =	shalt  }
0x42: {  	_ =	shalt  }
0x43: {  	_ =	shalt  }
0x44: {  	_ =	shalt  }
0x45: {  	_ =	shalt  }
0x46: {  	_ =	shalt  }
0x47: {  	_ =	shalt  }
0x48: {  	_ =	shalt  }
0x49: {  	_ =	shalt  }
0x4a: {  	_ =	shalt  }
0x4b: {  	_ =	shalt  }
0x4c: {  	_ =	shalt  }
0x4d: {  	_ =	shalt  }
0x4e: {  	_ =	shalt  }
0x4f: {  	_ =	shalt  }
0x50: {  	_ =	shalt  }
0x51: {  	_ =	shalt  }
0x52: {  	_ =	shalt  }
0x53: {  	_ =	shalt  }
0x54: {  	_ =	shalt  }
0x55: {  	_ =	shalt  }
0x56: {  	_ =	shalt  }
0x57: {  	_ =	shalt  }
0x58: {  	_ =	shalt  }
0x59: {  	_ =	shalt  }
0x5a: {  	_ =	shalt  }
0x5b: {  	_ =	shalt  }
0x5c: {  	_ =	shalt  }
0x5d: {  	_ =	shalt  }
0x5e: {  	_ =	shalt  }
0x5f: {  	_ =	shalt  }
0x60: {  	_ =	shalt  }
0x61: {  	_ =	shalt  }
0x62: {  	_ =	shalt  }
0x63: {  	_ =	shalt  }
0x64: {  	_ =	shalt  }
0x65: {  	_ =	shalt  }
0x66: {  	_ =	shalt  }
0x67: {  	_ =	shalt  }
0x68: {  	_ =	shalt  }
0x69: {  	_ =	shalt  }
0x6a: {  	_ =	shalt  }
0x6b: {  	_ =	shalt  }
0x6c: {  	_ =	shalt  }
0x6d: {  	_ =	shalt  }
0x6e: {  	_ =	shalt  }
0x6f: {  	_ =	shalt  }
0x70: {  	_ =	shalt  }
0x71: {  	_ =	shalt  }
0x72: {  	_ =	shalt  }
0x73: {  	_ =	shalt  }
0x74: {  	_ =	shalt  }
0x75: {  	_ =	shalt  }
0x76: {  	_ =	shalt  }
0x77: {  	_ =	shalt  }
0x78: {  	_ =	shalt  }
0x79: {  	_ =	shalt  }
0x7a: {  	_ =	shalt  }
0x7b: {  	_ =	shalt  }
0x7c: {  	_ =	shalt  }
0x7d: {  	_ =	shalt  }
0x7e: {  	_ =	shalt  }
0x7f: {  	_ =	shalt  }
0x80: {  	_ =	shalt  }
0x81: {  	_ =	shalt  }
0x82: {  	_ =	shalt  }
0x83: {  	_ =	shalt  }
0x84: {  	_ =	shalt  }
0x85: {  	_ =	shalt  }
0x86: {  	_ =	shalt  }
0x87: {  	_ =	shalt  }
.Lfunc_end0:
.L_simem_size_0:
called_computation_lowered:
.L_overlay_start_0:
0x88: {  	s2 =	sld [smem:$0x3FD9]  }
0x89: {  	s3 =	sld [smem:$0x3FFE];
	_ =	sdelay $0x1  }
0x8a: {  	s1 =	srdreg.scid  }
0x8b: {  	s0 =	sand.u32 $0x1, s1  }
0x8c: {  	s17 =	sshll.u32 s0, $0xA;
	s2 =	sadd.s32 s3, s2  }
0x8d: {  	s2 =	sadd.s32 s2, s17  }
0x8e: {  	[smem:$0x3FBD] =	sst s2  }
0x8f: {  	_ = 	snop  }
0x90: {  	s2 =	sld [smem:$0x3FD0];
	(tm) =	ssettm $0x1  }
0x91: {  	s18 =	sld [smem:$0x3FFB];
	_ =	sdelay $0x3  }
0x92: {  	_ =	strace s18  }
0x93: {  	s3 =	sld [smem:$0x3FFC];
	_ =	sdelay $0x3  }
0x94: {  	_ =	strace s3  }
0x95: {  	s3 =	sld [smem:$0x3FFD];
	_ =	sdelay $0x3  }
0x96: {  	_ =	strace s3  }
0x97: {  	_ =	strace $0x8FFFFFFF  }
0x98: {  	s19 =	sld [smem:$0x3FDB];
	_ =	sdelay $0x1  }
0x99: {  	s4 =	simm.s32 $_scs_section_size  }
0x9a: {  	s5 =	simm.s32 $_size__tile_overlayer_lowered;
	s6 =	simm.s32 $_tile_overlayer_lowered  }
0x9b: {  	s22 =	simm.s32 $0x1BFF;
	s21 =	sshll.u32 s6, $0x1;
	s3 =	sadd.s32 s4, s19  }
0x9c: {  	s7 =	simm.s32 $0x0;
	s20 =	sshll.u32 s5, $0x1;
	s5 =	sadd.s32 s21, s3  }
0x9d: {  	[timem:s7], [sflag:s22] =	dma.local [hbm:s5], s20  }
0x9e: {  	_ =	swait.ge [sflag:s22], s20  }
0x9f: {  	s4 =	ssub.s32 $0x0, s20;
	[sflag:s22] =	ssyncset.done $0x0  }
0xa0: {  	[sflag:s22] =	ssyncadd.s32 s4;
	_ =	sdelay $0x1  }
0xa1: {  	s23 =	simm.s32 $0x1B8B  }
0xa2: {  	_ =	swait.ge [sflag:s23], $0x1  }
0xa3: {  	[sflag:s23] =	ssyncset.done $0x0  }
0xa4: {  	s25 =	simm.s32 $0x1B8E;
	s24 =	sld [smem:$0x3FFE];
	[sflag:s23] =	ssyncadd.s32 $0xFFFFFFFF  }
0xa5: {  	s26 =	simm.s32 $execute0_lowered;
	[smem:$0x3FD2] =	sst s25  }
0xa6: {  	s5 =	sshll.u32 s26, $0x1;
	_ =	strace $0x80000046;
	[dreg:$0x1] =	wrdreg $0xFFFFFFFF  }
0xa7: {  	s28 =	simm.s32 $_size_execute0_lowered;
	s3 =	sadd.s32 s3, s5;
	[dreg:$0x0] =	wrdreg $0x0  }
0xa8: {  	s5 =	sshll.u32 s28, $0x1;
	[dreg:$0x2] =	wrdreg s3  }
0xa9: {  	[dreg:$0x3] =	wrdreg s5  }
0xaa: {  	[dreg:$0x4] =	wrdreg $0xC0  }
0xab: {  	_ =	task [dreg:s7], $0x5FFFF  }
0xac: {  	[dreg:$0x1] =	wrdreg $0xFFFFFFFF  }
0xad: {  	[dreg:$0x0] =	wrdreg $0x60  }
0xae: {  	[dreg:$0x2] =	wrdreg s24  }
0xaf: {  	[dreg:$0x3] =	wrdreg s2  }
0xb0: {  	[dreg:$0x4] =	wrdreg $0x6000  }
0xb1: {  	[dreg:$0x5] =	wrdreg $0x9  }
0xb2: {  	_ =	task.clear_ibuf [dreg:s7], $0x6FFFF;
	_ =	strace $0x90000046  }
0xb3: {  	s29 =	simm.s32 $0x9;
	_ =	strace $0x80000048  }
0xb4: {  	_ =	swait.ge [sflag:s29], $0x1  }
0xb5: {  	[sflag:s29] =	ssyncadd.s32 $0xFFFFFFFF  }
0xb6: {  	_ =	strace $0x90000048  }
0xb7: {  	_ =	sfence  }
0xb8: {  	s30 =	sld [smem:$0x0];
	_ =	sdelay $0x2  }
0xb9: {  	s31 =	sshll.u32 s1, $0xD;
	s1 =	sshrl.u32 s1, $0x2  }
0xba: {  	s3 =	sand.u32 $0x4000, s31;
	s1 =	sadd.s32 s1, s30  }
0xbb: {  	s0 =	sor.u32 s3, s0;
	s1 =	sshll.u32 s1, $0x11  }
0xbc: {  	s0 =	sor.u32 s1, s0  }
0xbd: {  	s0 =	sadd.s32 $0x8F2B, s0  }
0xbe: {  	[sflag:s0] =	ssyncadd.remote.s32 $0x1  }
0xbf: {  	_ =	sfence.sel $0xFFFF  }
0xc0: {  	[dreg:$0x0] =	wrdreg $0xFFFFFFFF;
	(pc) =	sbr.abs _section_cstart, $3  }
0xc1: {  	[dreg:$0x1] =	wrdreg $0xFFFFFFFF  }
0xc2: {  	_ =	task.clear_ibuf [dreg:s7], $0x2FFFF;
	_ =	strace $0x9FFFFFFF  }
0xc3: {  	(tm) =	ssettm $0x7FFFFFFF  }
tec
execute0_lowered:
.L_overlay_start_1:
0x0: {  	(tag) =	ssettag $0x1  }
0x1: {  	s0 =	rddreg [dreg:$0x0]  }
0x2: {  	s3 =	rddreg [dreg:$0x2]  }
0x3: {  	s4 =	simm.s32 $0x0;
	s2 =	stileid.u32;
	s5 =	srdreg.scid  }
0x4: {  	s15 =	simm.s32 $0x8;
	s16 =	simm.s32 $0x3;
	s17 =	simm.s32 $0x200  }
0x5: {  	s18 =	simm.s32 $0x80;
	s19 =	simm.s32 $0x100;
	s20 =	simm.s32 $0x180  }
0x6: {  	s21 =	simm.s32 $0x2;
	s22 =	simm.s32 $0x1;
	s1 =	smul.u32 $0x1C00, s2  }
0x7: {  	s23 =	simm.s32 $0x0;
	[smem:$0x7FF] =	sst s4;
	s7 =	smul.u32 $0x7000, s2  }
0x8: {  	s13 =	sadd.s32 $0x2200, s0;
	s6 =	sand.u32 $0x1, s5;
	s30 =	smul.u32 $0x3800, s2  }
0x9: {  	s29 =	sshll.u32 s2, $0x6;
	s10 =	smul.u32 $0x700, s2;
	_ =	strace $0x80000047  }
0xa: {  	s5 =	ssub.s32 $0x2, s6;
	s8 =	sshll.u32 s6, $0x4;
	s28 =	smul.u32 $0x38000, s6  }
0xb: {  	s1 =	sadd.s32 s1, s0;
	s0 =	sadd.s32 s6, s0;
	s9 =	sshrl.u32 s5, $0x1  }
0xc: {  	s8 =	sor.u32 s2, s8;
	s25 =	sshrl.u32 s7, $0x2;
	s6 =	sor.u32 $0x1C03, s29  }
0xd: {  	s11 =	ssub.s32 s5, s9;
	s26 =	smul.u32 $0x3800, s8;
	s14 =	sadd.s32 s25, s3  }
0xe: {  	s5 =	sadd.s32 $0x1E200, s1;
	s1 =	sadd.s32 s30, s28;
	s0 =	sadd.s32 s10, s0  }
0xf: {  	s1 =	sadd.s32 $0x70200, s1;
	s10 =	sadd.s32 $0x3A200, s0;
	s7 =	sshrl.u32 s26, $0x3  }
0x10: {  	s11 =	smax.u32 s11, $0x1;
	s31 =	sshrl.u32 s1, $0x3;
	s12 =	sadd.s32 s13, s7  }
0x11: {  	s14 =	sshrl.u32 s14, $0x3;
	s13 =	sadd.s32 s31, s13;
	s7 =	sadd.s32 $0xE000, s12  }
0x12: {  	s8 =	sadd.s32 $0xE010, s12;
	s9 =	sadd.s32 $0xE020, s12;
	s12 =	sadd.s32 $0xE030, s12  }
.LBB2_1:
0x13: {  	[spmem:s14@s22], [sflag:s6] =	dma.strided [hbm:s5@s15], $0x380, s22, $0x1   }
0x14: {  	_ =	swait.ge [sflag:s16], $0x380  }
0x15: {  	[sflag:s16] =	ssyncset.done $0x0  }
0x16: {  	[sflag:s16] =	ssyncadd.s32 $0xFFFFFC80  }
0x17: {  	s0 =	rddreg [dreg:$0x1]  }
0x18: {  	[tilespmem:s17], [sflag:$0x3] =	stream.linear.gather [hbm4b:s0+s4], $0x400, $0x38;
	[tilespmem:$0x2200] =	vst v63  }
0x19: {  	_ =	swait.ge [sflag:s16], $0x400  }
0x1a: {  	[sflag:s16] =	ssyncset.done $0x0  }
0x1b: {  	[sflag:s16] =	ssyncadd.s32 $0xFFFFFC00  }
0x1c: {  	[bflag:$0x0] =	sbarrier.arrive $0xFFFF  }
0x1d: {  	[tilespmem:s4], [sflag:$0x1] =	stream.linear.gather [hbm4b:s7+s4], $0x80, $0x38;
	[tilespmem:$0x2200] =	vst v63  }
0x1e: {  	_ = 	snop  }
0x1f: {  	[tilespmem:s18], [sflag:$0x1] =	stream.linear.gather [hbm4b:s8+s4], $0x80, $0x38;
	[tilespmem:$0x2200] =	vst v63  }
0x20: {  	_ = 	snop  }
0x21: {  	[tilespmem:s19], [sflag:$0x1] =	stream.linear.gather [hbm4b:s9+s4], $0x80, $0x38;
	[tilespmem:$0x2200] =	vst v63  }
0x22: {  	_ =	swait.ge [sflag:s22], $0x80  }
0x23: {  	[sflag:s22] =	ssyncset.done $0x0  }
0x24: {  	[sflag:s22] =	ssyncadd.s32 $0xFFFFFF80  }
0x25: {  	_ =	swait.ge [sflag:s22], $0x80  }
0x26: {  	[sflag:s22] =	ssyncset.done $0x0  }
0x27: {  	[sflag:s22] =	ssyncadd.s32 $0xFFFFFF80  }
0x28: {  	[spmem:s3] =	stream.indirect.scatter.add.f32 [tilespmem:s17], [sflag:$0x2], $0x8, s4, s18, $0xb8;
	[tilespmem:$0x2200] =	vst v63  }
0x29: {  	_ =	swait.ge [sflag:s22], $0x80  }
0x2a: {  	s26 =	simm.s32 $0x200;
	[sflag:s22] =	ssyncset.done $0x0  }
0x2b: {  	s1 =	simm.s32 $0x800;
	s0 =	sand.u32 $0x600, s26;
	[sflag:s22] =	ssyncadd.s32 $0xFFFFFF80  }
0x2c: {  	[tilespmem:s20], [sflag:$0x1] =	stream.linear.gather [hbm4b:s12+s4], $0x80, $0x38;
	[tilespmem:$0x2200] =	vst v63  }
0x2d: {  	s24 =	simm.s32 $0x2;
	s25 =	simm.s32 $0xA00;
	s0 =	sshrl.u32 s0, $0x2  }
0x2e: {  	[spmem:s3] =	stream.indirect.scatter.add.f32 [tilespmem:s17], [sflag:$0x2], $0x8, s0, s18, $0xb8;
	[tilespmem:$0x2200] =	vst v63  }
0x2f: {  	s28 =	simm.s32 $0x400;
	s29 =	simm.s32 $0x3;
	_ =	swait.ge [sflag:s21], $0x400  }
0x30: {  	p0 =	por $0x0, $0x0;
	s30 =	simm.s32 $0xC00;
	[sflag:s21] =	ssyncset.done $0x0  }
0x31: {  	p1 =	por @!p0 $0x0, $0x0;
	s0 =	simm.s32 @!p0 $0x1;
	[sflag:s21] =	ssyncadd.s32 $0xFFFFFC00  }
0x32: {  	s31 =	smov.u32 s13;
	p1 =	por p1, p0;
	_ =	swait.ge @!p0 [sflag:s0], $0x80  }
0x33: {  	s1 =	sand.u32 @!p1 $0x600, s1;
	s26 =	sadd.s32 $0x10, s13;
	[sflag:s0] =	ssyncset.done @!p0 $0x0  }
0x34: {  	[sflag:s0] =	ssyncadd.s32 @!p0 $0xFFFFFF80;
	s0 =	sshrl.u32 @!p1 s1, $0x2;
	s1 =	simm.s32 @!p1 $0x0  }
.LBB2_2:
0x35: {  	[tilespmem:s0], [sflag:$0x1] =	stream.linear.gather @!p1 [hbm4b:s31+s1], $0x80, $0x38;
	[tilespmem:$0x2200] =	vst v63  }
0x36: {  	s0 =	smov.u32 s24;
	s24 =	smov.u32 s29;
	s31 =	smov.u32 s26  }
0x37: {  	s29 =	sadd.s32 $0x1, s29;
	s1 =	sand.u32 $0x600, s28;
	s28 =	sadd.s32 $0xFFFFFA00, s30  }
0x38: {  	s2 =	smov.u32 s25;
	p0 =	sne.s32 s29, $0x70;
	s1 =	sshrl.u32 s1, $0x2  }
0x39: {  	[spmem:s3] =	stream.indirect.scatter.add.f32 [tilespmem:s17], [sflag:$0x2], $0x8, s1, s18, $0xb8;
	[tilespmem:$0x2200] =	vst v63  }
0x3a: {  	s25 =	smov.u32 s30;
	_ =	swait.ge [sflag:s21], $0x400  }
.Ltmp0:
0x3b: {  	p2 =	sgt.u32 s0, $0x6D;
	[sflag:s21] =	ssyncset.done $0x0;
	(pc) =	sbr.rel @p0 .LBB2_2-.Ltmp0, $4  }
0x3c: {  	s0 =	simm.s32 @!p2 $0x1;
	p1 =	seq.s32 @!p2 s2, $0xE000;
	[sflag:s21] =	ssyncadd.s32 $0xFFFFFC00  }
0x3d: {  	s26 =	sadd.s32 $0x10, s26;
	p1 =	por p1, p2;
	_ =	swait.ge @!p2 [sflag:s0], $0x80  }
0x3e: {  	s30 =	sadd.s32 $0x200, s30;
	s1 =	sand.u32 @!p1 $0x600, s2;
	[sflag:s0] =	ssyncset.done @!p2 $0x0  }
0x3f: {  	[sflag:s0] =	ssyncadd.s32 @!p2 $0xFFFFFF80;
	s0 =	sshrl.u32 @!p1 s1, $0x2;
	s1 =	simm.s32 @!p1 $0x0  }
0x40: {  	[tilespmem:s0], [sflag:$0x1] =	stream.linear.gather @!p1 [hbm4b:s31+s1], $0x80, $0x38;
	[tilespmem:$0x2200] =	vst v63  }
0x41: {  	s31 =	sand.u32 $0x600, s28  }
0x42: {  	s0 =	sshrl.u32 s31, $0x2  }
0x43: {  	[spmem:s3] =	stream.indirect.scatter.add.f32 [tilespmem:s17], [sflag:$0x2], $0x8, s0, s18, $0xb8;
	[tilespmem:$0x2200] =	vst v63  }
0x44: {  	_ =	swait.ge [sflag:s21], $0x400  }
0x45: {  	p0 =	sgt.u32 s24, $0x6D;
	[sflag:s21] =	ssyncset.done $0x0  }
0x46: {  	p1 =	seq.s32 @!p0 s25, $0xE000;
	s0 =	simm.s32 @!p0 $0x1;
	[sflag:s21] =	ssyncadd.s32 $0xFFFFFC00  }
0x47: {  	p1 =	por p1, p0;
	_ =	swait.ge @!p0 [sflag:s0], $0x80  }
0x48: {  	s1 =	sand.u32 @!p1 $0x600, s25;
	[sflag:s0] =	ssyncset.done @!p0 $0x0  }
0x49: {  	[sflag:s0] =	ssyncadd.s32 @!p0 $0xFFFFFF80;
	s0 =	sshrl.u32 @!p1 s1, $0x2;
	s1 =	simm.s32 @!p1 $0x0  }
0x4a: {  	[tilespmem:s0], [sflag:$0x1] =	stream.linear.gather @!p1 [hbm4b:s26+s1], $0x80, $0x38;
	[tilespmem:$0x2200] =	vst v63  }
0x4b: {  	_ =	swait.ge [sflag:s21], $0x400  }
0x4c: {  	s23 =	sadd.s32 $0x1, s23;
	[sflag:s21] =	ssyncset.done $0x0  }
0x4d: {  	p0 =	sne.s32 s23, s11;
	[sflag:s21] =	ssyncadd.s32 $0xFFFFFC00  }
.Ltmp1:
0x4e: {  	[bflag:$0x0] =	sbarrier.arrive $0xFFFF;
	(pc) =	sbr.rel @p0 .LBB2_1-.Ltmp1, $4  }
0x4f: {  	[hbm:s10@s21], [sflag:s6] =	dma.strided [spmem:s14@s22], $0x380, s22, $0x1   }
0x50: {  	_ =	swait.ge [sflag:s16], $0x380  }
0x51: {  	[sflag:s16] =	ssyncset.done $0x0  }
0x52: {  	[sflag:s16] =	ssyncadd.s32 $0xFFFFFC80  }
0x53: {  	_ =	sfence.sel $0x180000  }
0x54: {  	[bflag:$0x0] =	sbarrier.arrive $0xFFFF  }
0x55: {  	_ =	strace $0x90000047  }
0x56: {  	s0 =	stileid.u32;
	[bflag:$0x2] =	sbarrier.arrive $0xFFFF  }
0x57: {  	p0 =	sne.s32 s0, $0x0;
	s0 =	rddreg [dreg:$0x3]  }
0x58: {  	s0 =	sadd.s32 @!p0 $0x100000, s0  }
0x59: {  	[sflag:s0] =	ssyncadd.tile.s32 @!p0 $0x1;
	_ =	shalt  }
.Lfunc_end2:
_tile_overlayer_lowered:
.L_overlay_start_2:
0x5a: {  	(tag) =	ssettag $0x2  }
0x5b: {  	s0 =	rddreg [dreg:$0x0];
	s2 =	stileid.u32  }
0x5c: {  	s1 =	rddreg [dreg:$0x1];
	p0 =	sne.s32 s2, $0x0  }
0x5d: {  	s3 =	rddreg [dreg:$0x2];
	[bflag:$0x3] =	sbarrier.arrive $0xFFFF;
	s2 =	simm.s32 @!p0 $0x1C03  }
0x5e: {  	[timem:s3], [sflag:s2] =	dma.local @!p0 [hbm:s0], s1  }
0x5f: {  	s0 =	simm.s32 @!p0 $0x3  }
0x60: {  	_ =	swait.ge @!p0 [sflag:s0], s1  }
0x61: {  	s1 =	ssub.s32 @!p0 $0x0, s1;
	[sflag:s0] =	ssyncset.done @!p0 $0x0  }
0x62: {  	[sflag:s0] =	ssyncadd.s32 @!p0 s1  }
0x63: {  	[bflag:$0x3] =	sbarrier.arrive $0xFFFF  }
0x64: {  	_ =	shalt  }

// kernel: kernel.9.cloned.1.call-start
scs
__scs_entry_jumppad:
0x0: {  	(pc) =	sbr.rel $0x88, $3  }
0x1: {  	(tag) =	ssettag $0x0;
	lr =	simm.s32 $0x1  }
0x2: {  	[smem:$0x3F96] =	sst lr;
	_ =	strace $0xD0000000  }
0x3: {  	_ = 	snop  }
0x4: {  	_ = 	snop  }
0x5: {  	_ = 	snop  }
0x6: {  	_ = 	snop  }
0x7: {  	_ = 	snop  }
__scs_overlays_trampoline_lowered:
0x8: {  	[smem:$0x3FA5] =	sst s0  }
0x9: {  	[smem:$0x3FA6] =	sst s1  }
0xa: {  	[smem:$0x3FA7] =	sst s2  }
0xb: {  	[smem:$0x3FA8] =	sst s3  }
0xc: {  	[smem:$0x3FA9] =	sst s4  }
0xd: {  	[smem:$0x3FAA] =	sst s5  }
0xe: {  	[smem:$0x3FAB] =	sst s6  }
0xf: {  	[smem:$0x3FAC] =	sst s7  }
0x10: {  	[smem:$0x3FAD] =	sst s8  }
0x11: {  	[smem:$0x3FAE] =	sst s9;
	s0 =	simm.s32 @!p0 $0x0  }
0x12: {  	s1 =	sld [smem:$0x3F94];
	s0 =	simm.s32 @p0 $0x1  }
0x13: {  	[smem:$0x3FAF] =	sst s0;
	s0 =	simm.s32 @!p1 $0x0  }
0x14: {  	s2 =	sld [smem:$0x3F93];
	s0 =	simm.s32 @p1 $0x1  }
0x15: {  	[smem:$0x3FB0] =	sst s0;
	s0 =	simm.s32 @!p2 $0x0  }
0x16: {  	s3 =	sld [smem:$0x3FDB];
	s0 =	simm.s32 @p2 $0x1  }
0x17: {  	s4 =	simm.s32 $0x1BF5;
	[smem:$0x3FB2] =	sst s0  }
0x18: {  	s0 =	sld [smem:$0x3F95];
	_ =	swait.ge [sflag:s4], $0x0  }
0x19: {  	s7 =	sld [smem:$0x3F96]  }
0x1a: {  	s8 =	sadd.s32 $0xFFFFE003, lr  }
0x1b: {  	s9 =	sadd.s32 $0xFFFFFEF7, lr;
	s5 =	simm.s32 $0xFFFFFFFF;
	p2 =	slt.u32 s8, $0xFFFFF086  }
0x1c: {  	p1 =	slt.u32 s9, $0xF7A;
	s5 =	simm.s32 @!p2 $0x0  }
0x1d: {  	s5 =	simm.s32 @p1 $0x1;
	p0 =	seq.s32 s7, s2  }
0x1e: {  	s7 =	smul.u32 @!p0 $0xF7A, s2;
	p2 =	seq.s32 @!p0 s5, $0x0  }
0x1f: {  	s9 =	smul.u32 $0xF7A, s1;
	s8 =	simm.s32 @!p0 $0x1BF5;
	p2 =	por !p2, p0  }
0x20: {  	[sflag:s8] =	ssyncset.s32 @!p0 $0xFFFFF086;
	s6 =	sadd.s32 @!p0 s3, s7;
	s7 =	simm.s32 @!p0 $0x108  }
0x21: {  	s3 =	sadd.s32 s3, s9;
	s6 =	sadd.s32 @!p0 $0x88, s6;
	s7 =	simm.s32 @p2 $0x1082  }
0x22: {  	[simem:s7], [sflag:s8] =	dma.local @!p0 [hbm:s6], $0xF7A  }
0x23: {  	s9 =	sor.u32 $0xD0000000, s2;
	s6 =	simm.s32 $0x108;
	_ =	swait.ge @!p0 [sflag:s8], $0x0  }
0x24: {  	s3 =	sadd.s32 $0x88, s3;
	s6 =	simm.s32 @!p1 $0x1082;
	[sflag:s4] =	ssyncset.s32 $0xFFFFF086  }
0x25: {  	[simem:s6], [sflag:s4] =	dma.local [hbm:s3], $0xF7A  }
0x26: {  	[smem:$0x3F96] =	sst s1;
	(tag) =	ssettag s2;
	_ =	strace s9  }
0x27: {  	s1 =	sld [smem:$0x3FA6]  }
0x28: {  	s2 =	sld [smem:$0x3FA7]  }
0x29: {  	s4 =	sld [smem:$0x3FA9]  }
0x2a: {  	p0 =	seq.s32 s5, $0x0;
	s5 =	sld [smem:$0x3FAA]  }
0x2b: {  	s6 =	sld [smem:$0x3FAB]  }
0x2c: {  	s7 =	sld [smem:$0x3FAC]  }
0x2d: {  	s3 =	simm.s32 $0x108;
	s8 =	sld [smem:$0x3FAD]  }
0x2e: {  	s3 =	simm.s32 @!p0 $0x1082;
	s9 =	sld [smem:$0x3FAE]  }
0x2f: {  	lr =	sadd.s32 s0, s3;
	s0 =	sld [smem:$0x3FA5]  }
0x30: {  	s3 =	sld [smem:$0x3FA8]  }
0x31: {  	[smem:$0x3FB1] =	sst s10  }
0x32: {  	s10 =	sld [smem:$0x3FAF];
	_ =	sdelay $0x3  }
0x33: {  	p0 =	seq.s32 s10, $0x1;
	s10 =	sld [smem:$0x3FB1];
	_ =	sdelay $0x3  }
0x34: {  	[smem:$0x3FB1] =	sst s10  }
0x35: {  	s10 =	sld [smem:$0x3FB0];
	_ =	sdelay $0x3  }
0x36: {  	p1 =	seq.s32 s10, $0x1;
	s10 =	sld [smem:$0x3FB1];
	_ =	sdelay $0x3  }
0x37: {  	[smem:$0x3FB1] =	sst s10  }
0x38: {  	s10 =	sld [smem:$0x3FB2]  }
0x39: {  	_ = 	snop;
	(pc) =	sbr.ind lr, $3  }
0x3a: {  	_ = 	snop  }
0x3b: {  	_ = 	snop  }
0x3c: {  	p2 =	seq.s32 s10, $0x1;
	s10 =	sld [smem:$0x3FB1]  }
0x3d: {  	_ =	shalt  }
0x3e: {  	_ =	shalt  }
0x3f: {  	_ =	shalt  }
0x40: {  	_ =	shalt  }
0x41: {  	_ =	shalt  }
0x42: {  	_ =	shalt  }
0x43: {  	_ =	shalt  }
0x44: {  	_ =	shalt  }
0x45: {  	_ =	shalt  }
0x46: {  	_ =	shalt  }
0x47: {  	_ =	shalt  }
0x48: {  	_ =	shalt  }
0x49: {  	_ =	shalt  }
0x4a: {  	_ =	shalt  }
0x4b: {  	_ =	shalt  }
0x4c: {  	_ =	shalt  }
0x4d: {  	_ =	shalt  }
0x4e: {  	_ =	shalt  }
0x4f: {  	_ =	shalt  }
0x50: {  	_ =	shalt  }
0x51: {  	_ =	shalt  }
0x52: {  	_ =	shalt  }
0x53: {  	_ =	shalt  }
0x54: {  	_ =	shalt  }
0x55: {  	_ =	shalt  }
0x56: {  	_ =	shalt  }
0x57: {  	_ =	shalt  }
0x58: {  	_ =	shalt  }
0x59: {  	_ =	shalt  }
0x5a: {  	_ =	shalt  }
0x5b: {  	_ =	shalt  }
0x5c: {  	_ =	shalt  }
0x5d: {  	_ =	shalt  }
0x5e: {  	_ =	shalt  }
0x5f: {  	_ =	shalt  }
0x60: {  	_ =	shalt  }
0x61: {  	_ =	shalt  }
0x62: {  	_ =	shalt  }
0x63: {  	_ =	shalt  }
0x64: {  	_ =	shalt  }
0x65: {  	_ =	shalt  }
0x66: {  	_ =	shalt  }
0x67: {  	_ =	shalt  }
0x68: {  	_ =	shalt  }
0x69: {  	_ =	shalt  }
0x6a: {  	_ =	shalt  }
0x6b: {  	_ =	shalt  }
0x6c: {  	_ =	shalt  }
0x6d: {  	_ =	shalt  }
0x6e: {  	_ =	shalt  }
0x6f: {  	_ =	shalt  }
0x70: {  	_ =	shalt  }
0x71: {  	_ =	shalt  }
0x72: {  	_ =	shalt  }
0x73: {  	_ =	shalt  }
0x74: {  	_ =	shalt  }
0x75: {  	_ =	shalt  }
0x76: {  	_ =	shalt  }
0x77: {  	_ =	shalt  }
0x78: {  	_ =	shalt  }
0x79: {  	_ =	shalt  }
0x7a: {  	_ =	shalt  }
0x7b: {  	_ =	shalt  }
0x7c: {  	_ =	shalt  }
0x7d: {  	_ =	shalt  }
0x7e: {  	_ =	shalt  }
0x7f: {  	_ =	shalt  }
0x80: {  	_ =	shalt  }
0x81: {  	_ =	shalt  }
0x82: {  	_ =	shalt  }
0x83: {  	_ =	shalt  }
0x84: {  	_ =	shalt  }
0x85: {  	_ =	shalt  }
0x86: {  	_ =	shalt  }
0x87: {  	_ =	shalt  }
.Lfunc_end0:
.L_simem_size_0:
called_computation.1_lowered:
.L_overlay_start_0:
0x88: {  	s2 =	sld [smem:$0x3FD9]  }
0x89: {  	s3 =	sld [smem:$0x3FFE];
	_ =	sdelay $0x1  }
0x8a: {  	s1 =	srdreg.scid  }
0x8b: {  	s0 =	sand.u32 $0x1, s1  }
0x8c: {  	s16 =	sshll.u32 s0, $0xA;
	s2 =	sadd.s32 s3, s2  }
0x8d: {  	s2 =	sadd.s32 s2, s16  }
0x8e: {  	[smem:$0x3FBD] =	sst s2  }
0x8f: {  	_ = 	snop  }
0x90: {  	(tm) =	ssettm $0x1  }
0x91: {  	s17 =	sld [smem:$0x3FFB];
	_ =	sdelay $0x3  }
0x92: {  	_ =	strace s17  }
0x93: {  	s2 =	sld [smem:$0x3FFC];
	_ =	sdelay $0x3  }
0x94: {  	_ =	strace s2  }
0x95: {  	s2 =	sld [smem:$0x3FFD];
	_ =	sdelay $0x3  }
0x96: {  	_ =	strace s2  }
0x97: {  	_ =	strace $0x8FFFFFFF  }
0x98: {  	s18 =	sld [smem:$0x3FDB];
	_ =	sdelay $0x1  }
0x99: {  	s19 =	simm.s32 $_scs_section_size  }
0x9a: {  	s4 =	simm.s32 $_size__tile_overlayer_lowered;
	s5 =	simm.s32 $_tile_overlayer_lowered  }
0x9b: {  	s22 =	simm.s32 $0x1BFF;
	s21 =	sshll.u32 s5, $0x1;
	s2 =	sadd.s32 s19, s18  }
0x9c: {  	s6 =	simm.s32 $0x0;
	s20 =	sshll.u32 s4, $0x1;
	s4 =	sadd.s32 s21, s2  }
0x9d: {  	[timem:s6], [sflag:s22] =	dma.local [hbm:s4], s20  }
0x9e: {  	_ =	swait.ge [sflag:s22], s20  }
0x9f: {  	s3 =	ssub.s32 $0x0, s20;
	[sflag:s22] =	ssyncset.done $0x0  }
0xa0: {  	[sflag:s22] =	ssyncadd.s32 s3;
	_ =	sdelay $0x1  }
0xa1: {  	s23 =	simm.s32 $0x1B8B  }
0xa2: {  	_ =	swait.ge [sflag:s23], $0x1  }
0xa3: {  	[sflag:s23] =	ssyncset.done $0x0  }
0xa4: {  	s25 =	simm.s32 $0x1B8E;
	s24 =	sld [smem:$0x3FFE];
	[sflag:s23] =	ssyncadd.s32 $0xFFFFFFFF  }
0xa5: {  	s26 =	simm.s32 $execute0_lowered;
	[smem:$0x3FD2] =	sst s25  }
0xa6: {  	s4 =	sshll.u32 s26, $0x1;
	_ =	strace $0x80000049;
	[dreg:$0x1] =	wrdreg $0xFFFFFFFF  }
0xa7: {  	s28 =	simm.s32 $_size_execute0_lowered;
	s2 =	sadd.s32 s2, s4;
	[dreg:$0x0] =	wrdreg $0x0  }
0xa8: {  	s4 =	sshll.u32 s28, $0x1;
	[dreg:$0x2] =	wrdreg s2  }
0xa9: {  	[dreg:$0x3] =	wrdreg s4  }
0xaa: {  	[dreg:$0x4] =	wrdreg $0xC0  }
0xab: {  	_ =	task [dreg:s6], $0x5FFFF  }
0xac: {  	[dreg:$0x1] =	wrdreg $0xFFFFFFFF  }
0xad: {  	[dreg:$0x0] =	wrdreg $0x60  }
0xae: {  	[dreg:$0x2] =	wrdreg s24  }
0xaf: {  	[dreg:$0x3] =	wrdreg $0x10C000  }
0xb0: {  	[dreg:$0x4] =	wrdreg $0x9  }
0xb1: {  	_ =	task.clear_ibuf [dreg:s6], $0x5FFFF;
	_ =	strace $0x90000049  }
0xb2: {  	s29 =	simm.s32 $0x9;
	_ =	strace $0x8000004B  }
0xb3: {  	_ =	swait.ge [sflag:s29], $0x1  }
0xb4: {  	[sflag:s29] =	ssyncadd.s32 $0xFFFFFFFF  }
0xb5: {  	_ =	strace $0x9000004B  }
0xb6: {  	_ =	sfence  }
0xb7: {  	s30 =	sld [smem:$0x0];
	_ =	sdelay $0x2  }
0xb8: {  	s31 =	sshll.u32 s1, $0xD;
	s1 =	sshrl.u32 s1, $0x2  }
0xb9: {  	s3 =	sand.u32 $0x4000, s31;
	s1 =	sadd.s32 s1, s30  }
0xba: {  	s0 =	sor.u32 s3, s0;
	s1 =	sshll.u32 s1, $0x11  }
0xbb: {  	s0 =	sor.u32 s1, s0  }
0xbc: {  	s0 =	sadd.s32 $0x8F2B, s0  }
0xbd: {  	[sflag:s0] =	ssyncadd.remote.s32 $0x1  }
0xbe: {  	_ =	sfence.sel $0xFFFF  }
0xbf: {  	[dreg:$0x0] =	wrdreg $0xFFFFFFFF;
	(pc) =	sbr.abs _section_cstart, $3  }
0xc0: {  	[dreg:$0x1] =	wrdreg $0xFFFFFFFF  }
0xc1: {  	_ =	task.clear_ibuf [dreg:s6], $0x2FFFF;
	_ =	strace $0x9FFFFFFF  }
0xc2: {  	(tm) =	ssettm $0x7FFFFFFF  }
0xc3: {  	_ =	shalt  }
tec
execute0_lowered:
.L_overlay_start_1:
0x0: {  	(tag) =	ssettag $0x1  }
0x1: {  	s0 =	rddreg [dreg:$0x0]  }
0x2: {  	s2 =	rddreg [dreg:$0x1];
	s1 =	simm.s32 $0x0  }
0x3: {  	s9 =	stileid.u32;
	s5 =	srdreg.scid;
	s15 =	simm.s32 $0x4  }
0x4: {  	s16 =	simm.s32 $0x80;
	s17 =	simm.s32 $0x70000;
	s28 =	simm.s32 $0x4C00  }
0x5: {  	s29 =	simm.s32 $0x2;
	s30 =	simm.s32 $0x3;
	s31 =	simm.s32 $0x10  }
0x6: {  	[smem:$0x7FF] =	sst s1;
	s20 =	smul.u32 $0xE000, s9;
	s4 =	sadd.s32 $0x3A200, s0  }
0x7: {  	s3 =	sadd.s32 $0x2200, s0;
	s7 =	sshll.u32 s5, $0x3;
	s8 =	smul.u32 $0x7000, s9  }
0x8: {  	s13 =	sand.u32 $0x1, s5;
	s25 =	sshll.u32 s9, $0x6;
	s12 =	smul.u32 $0x3800, s9  }
0x9: {  	s14 =	smul.u32 $0xE00, s9;
	_ =	strace $0x8000004A;
	s23 =	ssub.s32 $0x2, s13  }
0xa: {  	s22 =	sand.u32 $0x8, s7;
	s6 =	sshrl.u32 s20, $0x3;
	s24 =	sshrl.u32 s23, $0x1  }
0xb: {  	s1 =	sadd.s32 s20, s2;
	s26 =	sshrl.u32 s8, $0x3;
	s21 =	sadd.s32 s6, s0  }
0xc: {  	s0 =	sadd.s32 s22, s0;
	s11 =	ssub.s32 s23, s24;
	s6 =	sor.u32 $0x1C04, s25  }
0xd: {  	s7 =	sadd.s32 s3, s26;
	s3 =	sadd.s32 s14, s3;
	s14 =	sshrl.u32 s1, $0x3  }
.Ltmp0:
0xe: {  	s24 =	simm.s32 $0x880;
	s25 =	simm.s32 $0x2C00;
	(pc) =	sbr.rel .LBB2_1-.Ltmp0, $4  }
0xf: {  	s26 =	simm.s32 $0x900;
	s1 =	simm.s32 $0x0;
	s5 =	sadd.s32 $0x1E200, s21  }
0x10: {  	s8 =	sadd.s32 $0x10, s7;
	s9 =	sadd.s32 $0x20, s7;
	s10 =	sadd.s32 $0x30, s7  }
0x11: {  	s11 =	smax.u32 s11, $0x1;
	s0 =	sadd.s32 s12, s0;
	s18 =	sadd.s32 $0x40, s3  }
0x12: {  	v0 =	vmov s13;
	s21 =	simm.s32 $0x1;
	s12 =	sadd.s32 $0x72200, s0;
	s0 =	simm.s32 $0x8  }
.LBB2_5:
0x13: {  	_ =	swait.ge [sflag:s30], $0x2000  }
0x14: {  	[sflag:s30] =	ssyncset.done $0x0  }
0x15: {  	[sflag:s30] =	ssyncadd.s32 $0xFFFFE000  }
0x16: {  	_ =	swait.ge [sflag:s30], $0x2000  }
0x17: {  	s1 =	sadd.s32 $0x1, s1;
	[sflag:s30] =	ssyncset.done $0x0  }
0x18: {  	p0 =	sne.s32 s1, s11;
	[sflag:s30] =	ssyncadd.s32 $0xFFFFE000  }
.Ltmp1:
0x19: {  	[bflag:$0x0] =	sbarrier.arrive $0xFFFF;
	(pc) =	sbr.rel @!p0 .LBB2_6-.Ltmp1, $4  }
0x1a: {  	[hbm:s12@s31], [sflag:s6] =	dma.strided [spmem:s14@s0], $0x1C00, s21, $0x8   }
0x1b: {  	_ =	swait.ge [sflag:s15], $0x1C00  }
0x1c: {  	[sflag:s15] =	ssyncset.done $0x0  }
0x1d: {  	[sflag:s15] =	ssyncadd.s32 $0xFFFFE400  }
.LBB2_1:
0x1e: {  	[spmem:s14], [sflag:s6] =	dma.local [hbm:s5], $0x1C00  }
0x1f: {  	_ =	swait.ge [sflag:s15], $0x1C00  }
0x20: {  	[sflag:s15] =	ssyncset.done $0x0  }
0x21: {  	[sflag:s15] =	ssyncadd.s32 $0xFFFFE400  }
0x22: {  	s3 =	simm.s32 $0x0;
	[bflag:$0x0] =	sbarrier.arrive $0xFFFF  }
0x23: {  	[tilespmem:s3], [sflag:$0x1] =	stream.strided.gather [hbm4b:s7+s16], $0x100, s17, s16, $0x38;
	[tilespmem:$0x1EC00] =	vst v63  }
0x24: {  	s19 =	simm.s32 $0x100  }
0x25: {  	[tilespmem:s19], [sflag:$0x1] =	stream.strided.gather [hbm4b:s8+s16], $0x100, s17, s16, $0x38;
	[tilespmem:$0x1EC00] =	vst v63  }
0x26: {  	s20 =	simm.s32 $0x200  }
0x27: {  	[tilespmem:s20], [sflag:$0x1] =	stream.strided.gather [hbm4b:s9+s16], $0x100, s17, s16, $0x38;
	[tilespmem:$0x1EC00] =	vst v63  }
0x28: {  	s22 =	simm.s32 $0x300  }
0x29: {  	[tilespmem:s22], [sflag:$0x1] =	stream.strided.gather [hbm4b:s10+s16], $0x100, s17, s16, $0x38;
	[tilespmem:$0x1EC00] =	vst v63  }
0x2a: {  	_ =	swait.ge [sflag:s21], $0x100  }
0x2b: {  	[sflag:s21] =	ssyncset.done $0x0  }
0x2c: {  	[sflag:s21] =	ssyncadd.s32 $0xFFFFFF00  }
0x2d: {  	v1 =	vld [tilespmem:$0x0]  }
0x2e: {  	v2 =	vld [tilespmem:$0x10]  }
0x2f: {  	v3 =	vld [tilespmem:$0x20]  }
0x30: {  	v4 =	vld [tilespmem:$0x30]  }
0x31: {  	v5 =	vld [tilespmem:$0x40]  }
0x32: {  	v6 =	vld [tilespmem:$0x50];
	v1 =	vshll.u32 v1, $0x1  }
0x33: {  	v7 =	vld [tilespmem:$0x60];
	v2 =	vshll.u32 v2, $0x1;
	v1 =	vor.u32 v0, v1  }
0x34: {  	[tilespmem:$0x800] =	vst v1;
	v1 =	vor.u32 v0, v2;
	v2 =	vshll.u32 v3, $0x1;
	v3 =	vld [tilespmem:$0x70]  }
0x35: {  	[tilespmem:$0x810] =	vst v1;
	v1 =	vor.u32 v0, v2;
	v2 =	vshll.u32 v4, $0x1  }
0x36: {  	[tilespmem:$0x820] =	vst v1;
	v1 =	vor.u32 v0, v2;
	v2 =	vshll.u32 v5, $0x1  }
0x37: {  	[tilespmem:$0x830] =	vst v1;
	v1 =	vor.u32 v0, v2;
	v2 =	vshll.u32 v6, $0x1  }
0x38: {  	[tilespmem:$0x840] =	vst v1;
	v1 =	vor.u32 v0, v2;
	v2 =	vshll.u32 v7, $0x1  }
0x39: {  	[tilespmem:$0x850] =	vst v1;
	v1 =	vor.u32 v0, v2;
	v2 =	vshll.u32 v3, $0x1  }
0x3a: {  	[tilespmem:$0x860] =	vst v1;
	v1 =	vor.u32 v0, v2  }
0x3b: {  	s23 =	simm.s32 $0x800;
	s13 =	simm.s32 $0xC00;
	[tilespmem:$0x870] =	vst v1  }
0x3c: {  	[tilespmem:s13], [sflag:$0x2] =	stream.indirect.gather [hbm4b:s4+s16], $0x40, s23, s16, $0xb8;
	[tilespmem:$0x1EC00] =	vst v63  }
0x3d: {  	_ =	swait.ge [sflag:s21], $0x100  }
0x3e: {  	[sflag:s21] =	ssyncset.done $0x0  }
0x3f: {  	[sflag:s21] =	ssyncadd.s32 $0xFFFFFF00  }
0x40: {  	v1 =	vld [tilespmem:$0x100]  }
0x41: {  	v2 =	vld [tilespmem:$0x110]  }
0x42: {  	v3 =	vld [tilespmem:$0x120]  }
0x43: {  	v56 =	vld [tilespmem:$0x130]  }
0x44: {  	v57 =	vld [tilespmem:$0x140]  }
0x45: {  	v58 =	vld [tilespmem:$0x150];
	v1 =	vshll.u32 v1, $0x1  }
0x46: {  	v59 =	vld [tilespmem:$0x160];
	v2 =	vshll.u32 v2, $0x1;
	v1 =	vor.u32 v0, v1  }
0x47: {  	[tilespmem:$0x880] =	vst v1;
	v1 =	vor.u32 v0, v2;
	v2 =	vshll.u32 v3, $0x1;
	v3 =	vld [tilespmem:$0x170]  }
0x48: {  	[tilespmem:$0x890] =	vst v1;
	v1 =	vor.u32 v0, v2;
	v2 =	vshll.u32 v56, $0x1  }
0x49: {  	[tilespmem:$0x8A0] =	vst v1;
	v1 =	vor.u32 v0, v2;
	v2 =	vshll.u32 v57, $0x1  }
0x4a: {  	[tilespmem:$0x8B0] =	vst v1;
	v1 =	vor.u32 v0, v2;
	v2 =	vshll.u32 v58, $0x1  }
0x4b: {  	[tilespmem:$0x8C0] =	vst v1;
	v1 =	vor.u32 v0, v2;
	v2 =	vshll.u32 v59, $0x1  }
0x4c: {  	[tilespmem:$0x8D0] =	vst v1;
	v1 =	vor.u32 v0, v2;
	v2 =	vshll.u32 v3, $0x1  }
0x4d: {  	[tilespmem:$0x8E0] =	vst v1;
	v1 =	vor.u32 v0, v2  }
0x4e: {  	[tilespmem:$0x8F0] =	vst v1  }
0x4f: {  	[tilespmem:s25], [sflag:$0x2] =	stream.indirect.gather [hbm4b:s4+s16], $0x40, s24, s16, $0xb8;
	[tilespmem:$0x1EC00] =	vst v63  }
0x50: {  	_ =	swait.ge [sflag:s21], $0x100  }
0x51: {  	[sflag:s21] =	ssyncset.done $0x0  }
0x52: {  	[sflag:s21] =	ssyncadd.s32 $0xFFFFFF00  }
0x53: {  	v1 =	vld [tilespmem:$0x200]  }
0x54: {  	v2 =	vld [tilespmem:$0x210]  }
0x55: {  	v3 =	vld [tilespmem:$0x220]  }
0x56: {  	v60 =	vld [tilespmem:$0x230]  }
0x57: {  	v61 =	vld [tilespmem:$0x240]  }
0x58: {  	v62 =	vld [tilespmem:$0x250];
	v1 =	vshll.u32 v1, $0x1  }
0x59: {  	v63 =	vld [tilespmem:$0x260];
	v2 =	vshll.u32 v2, $0x1;
	v1 =	vor.u32 v0, v1  }
0x5a: {  	[tilespmem:$0x900] =	vst v1;
	v1 =	vor.u32 v0, v2;
	v2 =	vshll.u32 v3, $0x1;
	v3 =	vld [tilespmem:$0x270]  }
0x5b: {  	[tilespmem:$0x910] =	vst v1;
	v1 =	vor.u32 v0, v2;
	v2 =	vshll.u32 v60, $0x1  }
0x5c: {  	[tilespmem:$0x920] =	vst v1;
	v1 =	vor.u32 v0, v2;
	v2 =	vshll.u32 v61, $0x1  }
0x5d: {  	[tilespmem:$0x930] =	vst v1;
	v1 =	vor.u32 v0, v2;
	v2 =	vshll.u32 v62, $0x1  }
.Ltmp2:
0x5e: {  	[tilespmem:$0x940] =	vst v1;
	v1 =	vor.u32 v0, v2;
	v2 =	vshll.u32 v63, $0x1;
	(pc) =	sbr.rel .LBB2_2-.Ltmp2, $4  }
0x5f: {  	[tilespmem:$0x950] =	vst v1;
	v1 =	vor.u32 v0, v2;
	v2 =	vshll.u32 v3, $0x1  }
0x60: {  	[tilespmem:$0x960] =	vst v1;
	v1 =	vor.u32 v0, v2  }
0x61: {  	s3 =	simm.s32 $0x1000;
	s19 =	simm.s32 $0x0;
	s13 =	smov.u32 s18;
	[tilespmem:$0x970] =	vst v1  }
0x62: {  	[tilespmem:s28], [sflag:$0x2] =	stream.indirect.gather [hbm4b:s4+s16], $0x40, s26, s16, $0xb8;
	[tilespmem:$0x1EC00] =	vst v63  }
.LBB2_4:
0x63: {  	s19 =	sadd.s32 $0x1, s19  }
0x64: {  	p0 =	sne.s32 s19, $0xE0  }
.Ltmp3:
0x65: {  	_ = 	snop;
	(pc) =	sbr.rel @!p0 .LBB2_5-.Ltmp3, $2  }
0x66: {  	_ =	sdelay $0x2  }
0x67: {  	s13 =	sadd.s32 $0x10, s13;
	s3 =	sadd.s32 $0x400, s3  }
.LBB2_2:
0x68: {  	s20 =	sand.u32 $0x7, s19;
	_ =	swait.ge [sflag:s29], $0x2000  }
0x69: {  	p0 =	slt.u32 s19, $0x2;
	s22 =	sshll.u32 s20, $0xD;
	[sflag:s29] =	ssyncset.done $0x0  }
0x6a: {  	s20 =	sshll.u32 s20, $0x8;
	p1 =	sgt.u32 @!p0 s19, $0xDC;
	s22 =	sor.u32 $0xC00, s22  }
0x6b: {  	[sflag:s29] =	ssyncadd.s32 $0xFFFFE000;
	s20 =	sor.u32 $0x80, s20;
	p1 =	por p0, !p1  }
0x6c: {  	[spmem:s2] =	stream.indirect.scatter.add.f32 [tilespmem:s22], [sflag:$0x3], $0x40, s20, s16, $0xb8;
	[tilespmem:$0x1EC00] =	vst v63  }
.Ltmp4:
0x6d: {  	_ = 	snop;
	(pc) =	sbr.rel @!p1 .LBB2_4-.Ltmp4, $4  }
0x6e: {  	s20 =	simm.s32 @!p0 $0x3  }
0x6f: {  	_ =	swait.ge @!p0 [sflag:s20], $0x2000  }
0x70: {  	[sflag:s20] =	ssyncset.done @!p0 $0x0  }
0x71: {  	[sflag:s20] =	ssyncadd.s32 @!p0 $0xFFFFE000  }
0x72: {  	s20 =	sadd.s32 $0x3, s19;
	_ =	swait.ge [sflag:s21], $0x100  }
0x73: {  	s20 =	sand.u32 $0x7, s20;
	[sflag:s21] =	ssyncset.done $0x0  }
0x74: {  	[sflag:s21] =	ssyncadd.s32 $0xFFFFFF00;
	s22 =	sshll.u32 s20, $0x8  }
0x75: {  	v1 =	vld [tilespmem:s22+$0x0];
	_ =	sdelay $0x4  }
0x76: {  	v1 =	vshll.u32 v1, $0x1  }
0x77: {  	s23 =	sshll.u32 s20, $0x7;
	v1 =	vor.u32 v0, v1  }
0x78: {  	[tilespmem:s23+$0x800] =	vst v1  }
0x79: {  	v1 =	vld [tilespmem:s22+$0x10];
	_ =	sdelay $0x4  }
0x7a: {  	v1 =	vshll.u32 v1, $0x1  }
0x7b: {  	v1 =	vor.u32 v0, v1  }
0x7c: {  	[tilespmem:s23+$0x810] =	vst v1  }
0x7d: {  	v1 =	vld [tilespmem:s22+$0x20];
	_ =	sdelay $0x4  }
0x7e: {  	v1 =	vshll.u32 v1, $0x1  }
0x7f: {  	v1 =	vor.u32 v0, v1  }
0x80: {  	[tilespmem:s23+$0x820] =	vst v1  }
0x81: {  	v1 =	vld [tilespmem:s22+$0x30];
	_ =	sdelay $0x4  }
0x82: {  	v1 =	vshll.u32 v1, $0x1  }
0x83: {  	v1 =	vor.u32 v0, v1  }
0x84: {  	[tilespmem:s23+$0x830] =	vst v1  }
0x85: {  	v1 =	vld [tilespmem:s22+$0x40];
	_ =	sdelay $0x4  }
0x86: {  	v1 =	vshll.u32 v1, $0x1  }
0x87: {  	v1 =	vor.u32 v0, v1  }
0x88: {  	[tilespmem:s23+$0x840] =	vst v1  }
0x89: {  	v1 =	vld [tilespmem:s22+$0x50];
	_ =	sdelay $0x4  }
0x8a: {  	v1 =	vshll.u32 v1, $0x1  }
0x8b: {  	v1 =	vor.u32 v0, v1  }
0x8c: {  	[tilespmem:s23+$0x850] =	vst v1  }
0x8d: {  	v1 =	vld [tilespmem:s22+$0x60];
	_ =	sdelay $0x4  }
0x8e: {  	v1 =	vshll.u32 v1, $0x1  }
0x8f: {  	v1 =	vor.u32 v0, v1  }
0x90: {  	[tilespmem:s23+$0x860] =	vst v1  }
0x91: {  	v1 =	vld [tilespmem:s22+$0x70];
	_ =	sdelay $0x4  }
0x92: {  	v1 =	vshll.u32 v1, $0x1  }
0x93: {  	p0 =	sgt.u32 s19, $0xDB;
	s20 =	sshll.u32 s20, $0xD;
	v1 =	vor.u32 v0, v1  }
.Ltmp5:
0x94: {  	s20 =	sor.u32 $0xC00, s20;
	s22 =	sor.u32 $0x800, s23;
	[tilespmem:s23+$0x870] =	vst v1;
	(pc) =	sbr.rel .LBB2_4-.Ltmp5, $4  }
0x95: {  	[tilespmem:s20], [sflag:$0x2] =	stream.indirect.gather [hbm4b:s4+s16], $0x40, s22, s16, $0xb8;
	[tilespmem:$0x1EC00] =	vst v63  }
0x96: {  	s20 =	sand.u32 @!p0 $0x1C00, s3  }
0x97: {  	s23 =	simm.s32 @!p0 $0x70000;
	s22 =	simm.s32 @!p0 $0x80;
	s20 =	sshrl.u32 @!p0 s20, $0x2  }
0x98: {  	[tilespmem:s20], [sflag:$0x1] =	stream.strided.gather @!p0 [hbm4b:s13+s22], $0x100, s23, s22, $0x38;
	[tilespmem:$0x1EC00] =	vst v63  }
.LBB2_6:
0x99: {  	_ =	sfence.sel $0x180000  }
0x9a: {  	[bflag:$0x0] =	sbarrier.arrive $0xFFFF  }
0x9b: {  	_ =	strace $0x9000004A  }
0x9c: {  	s0 =	stileid.u32;
	[bflag:$0x2] =	sbarrier.arrive $0xFFFF  }
0x9d: {  	p0 =	sne.s32 s0, $0x0;
	s0 =	rddreg [dreg:$0x2]  }
0x9e: {  	s0 =	sadd.s32 @!p0 $0x100000, s0  }
0x9f: {  	[sflag:s0] =	ssyncadd.tile.s32 @!p0 $0x1;
	_ =	shalt  }
.Lfunc_end2:
_tile_overlayer_lowered:
.L_overlay_start_2:
0xa0: {  	(tag) =	ssettag $0x2  }
0xa1: {  	s0 =	rddreg [dreg:$0x0];
	s2 =	stileid.u32  }
0xa2: {  	s1 =	rddreg [dreg:$0x1];
	p0 =	sne.s32 s2, $0x0  }
0xa3: {  	s3 =	rddreg [dreg:$0x2];
	[bflag:$0x3] =	sbarrier.arrive $0xFFFF;
	s2 =	simm.s32 @!p0 $0x1C04  }
0xa4: {  	[timem:s3], [sflag:s2] =	dma.local @!p0 [hbm:s0], s1  }
0xa5: {  	s0 =	simm.s32 @!p0 $0x4  }
0xa6: {  	_ =	swait.ge @!p0 [sflag:s0], s1  }
0xa7: {  	s1 =	ssub.s32 @!p0 $0x0, s1;
	[sflag:s0] =	ssyncset.done @!p0 $0x0  }
0xa8: {  	[sflag:s0] =	ssyncadd.s32 @!p0 s1  }
0xa9: {  	[bflag:$0x3] =	sbarrier.arrive $0xFFFF  }
0xaa: {  	_ =	shalt  }

</sc_bundles>
